<compile_context>
chip_gen: v7x
topology: tpu7x:2x2x1
jax: 0.10.2.dev20260603
libtpu: 0.0.44.dev20260713+nightly
codegen_flags: <defaults>
</compile_context>

<pallas_src>
import functools

import jax
import jax.numpy as jnp
from jax import lax
from jax.experimental import pallas as pl
from jax.experimental.pallas import tpu as pltpu
from jax.experimental.pallas import tpu_sc as plsc

_N = 1000000
_C = 64
_B = 16384
_MOM = 0.9
_BETA = 0.1
_EPS = 1e-12

_info = plsc.get_sparse_core_info()
_NC = _info.num_cores
_NS = _info.num_subcores
_NW = _NC * _NS
_BPW = _B // _NW
_G = 16

_BLKN = 32768
_NGRID = (_N + _BLKN - 1) // _BLKN


def _compress_body(t_ref, a_ref):
    x = t_ref[...]
    wc = lax.broadcasted_iota(jnp.int32, (_C, _BLKN), 0).astype(jnp.float32)
    a_ref[...] = jnp.sum(x * wc, axis=0)


_tc_compress = pl.pallas_call(
    _compress_body,
    grid=(_NGRID,),
    in_specs=[pl.BlockSpec((_C, _BLKN), lambda i: (0, i))],
    out_specs=pl.BlockSpec((_BLKN,), lambda i: (i,)),
    out_shape=jax.ShapeDtypeStruct((_N,), jnp.float32),
)

_sc_mesh = plsc.VectorSubcoreMesh(core_axis_name="c", subcore_axis_name="s")


@functools.partial(
    pl.kernel,
    mesh=_sc_mesh,
    out_type=jax.ShapeDtypeStruct((_B * _G,), jnp.float32),
    scratch_types=[
        pltpu.VMEM((_BPW,), jnp.int32),
        pltpu.VMEM((_BPW * _G,), jnp.float32),
        pltpu.SemaphoreType.DMA,
    ],
)
def _sc_gather(idx_hbm, a_hbm, out_hbm, idx_v, rows_v, sem):
    wid = lax.axis_index("s") * _NC + lax.axis_index("c")
    pltpu.sync_copy(idx_hbm.at[pl.ds(wid * _BPW, _BPW)], idx_v)

    def group(g, _):
        handles = []
        for half in range(4):
            vec = idx_v[pl.ds(g * 64 + half * 16, 16)]
            for l in range(16):
                slot = g * 64 + half * 16 + l
                handles.append(
                    pltpu.async_copy(
                        a_hbm.at[pl.ds(pl.multiple_of(vec[l], _G), _G)],
                        rows_v.at[pl.ds(slot * _G, _G)],
                        sem,
                    ))
        for h in handles:
            h.wait()
        return ()

    lax.fori_loop(0, _BPW // 64, group, (), unroll=False)
    pltpu.sync_copy(rows_v, out_hbm.at[pl.ds(wid * _BPW * _G, _BPW * _G)])


_BLK = 2048
_GRID = _B // _BLK


def _loss_body(lam_ref, conf_ref, logits_ref, arows_ref, sel_ref, out_ref,
               acc_ref):
    i = pl.program_id(0)

    @pl.when(i == 0)
    def _init():
        acc_ref[0] = 0.0
        acc_ref[1] = 0.0
        acc_ref[2] = 0.0

    x = logits_ref[...]
    arows = arows_ref[...]
    sel = sel_ref[...]
    conf = jnp.clip(jax.nn.sigmoid(conf_ref[...]), _EPS, 1.0 - _EPS)

    lane = lax.broadcasted_iota(jnp.int32, (_BLK, _G), 1)
    a = jnp.sum(jnp.where(lane == sel, arows, 0.0), axis=1, keepdims=True)
    col = lax.broadcasted_iota(jnp.int32, (_BLK, _C), 1).astype(jnp.float32)
    g = jnp.where(col == a, 1.0, 0.0)

    m = jnp.max(x, axis=1, keepdims=True)
    e = jnp.exp(x - m)
    p = e / jnp.sum(e, axis=1, keepdims=True)
    out = jnp.clip(p, _EPS, 1.0 - _EPS)
    sl = jnp.clip(_MOM * g + (1.0 - _MOM) * p, 1e-4, 1.0)
    pred = jnp.clip(conf * out + (1.0 - conf) * sl, 1e-7, 1.0)

    acc_ref[0] += jnp.sum(jnp.log(pred) * sl)
    acc_ref[1] += jnp.sum(jnp.log(conf))
    acc_ref[2] += jnp.sum(pred * jnp.log(sl))

    @pl.when(i == _GRID - 1)
    def _finish():
        lam = lam_ref[0, 0]
        out_ref[0, 0] = -(acc_ref[0] + lam * acc_ref[1]
                          + _BETA * acc_ref[2]) / _B


_tc_loss = pl.pallas_call(
    _loss_body,
    grid=(_GRID,),
    in_specs=[
        pl.BlockSpec(memory_space=pltpu.SMEM),
        pl.BlockSpec((_BLK, 1), lambda i: (i, 0)),
        pl.BlockSpec((_BLK, _C), lambda i: (i, 0)),
        pl.BlockSpec((_BLK, _G), lambda i: (i, 0)),
        pl.BlockSpec((_BLK, 1), lambda i: (i, 0)),
    ],
    out_specs=pl.BlockSpec(memory_space=pltpu.SMEM),
    out_shape=jax.ShapeDtypeStruct((1, 1), jnp.float32),
    scratch_shapes=[pltpu.SMEM((3,), jnp.float32)],
)


def kernel(confidence, logits, labels, index, soft_labels, lam, epoch):
    del labels, epoch
    idx = index.astype(jnp.int32)
    a_tab = _tc_compress(soft_labels.T)
    arows = _sc_gather((idx // _G) * _G, a_tab)
    arows = arows.reshape(_B, _G)
    sel = (idx % _G).reshape(_B, 1)
    lam2 = jnp.asarray(lam, jnp.float32).reshape(1, 1)
    res = _tc_loss(lam2, confidence, logits, arows, sel)
    return res.reshape(())

# --- scband reference (transcript-rebuilt; emitter-appended) ---
"""Pipeline reference for scband-nal-24988119728736 (READ-ONLY COPY).

The authoritative reference and input builder live on the scoring server;
editing this copy changes nothing except your own understanding.
"""

import jax, jax.numpy as jnp
import numpy as np

N = 1000000
C = 64
B = 16384
ES = 60
MOM = 0.9
BETA = 0.1
THR = 0.0


def setup_inputs(seed: int = 0) -> dict:
    key = jax.random.key(seed)
    k1, k2, k3, k4, k5 = jax.random.split(key, 5)
    confidence = jax.random.normal(k1, (B, 1), dtype=jnp.float32)
    logits = jax.random.normal(k2, (B, C), dtype=jnp.float32)
    labels = jax.random.randint(k3, (B,), 0, C)
    index = jax.random.randint(k4, (B,), 0, N)
    # Materialize the persistent soft-label memory (one-hot init from dataset labels),
    # mirroring the torch constructor: soft_labels[arange(N), init_labels] = 1.
    init_labels = jax.random.randint(k5, (N,), 0, C)
    soft_labels = jnp.zeros((N, C), dtype=jnp.float32).at[jnp.arange(N), init_labels].set(1.0)
    lam = jnp.float32(1.0)
    epoch = 60
    return {
        'confidence': confidence,
        'logits': logits,
        'labels': labels,
        'index': index,
        'soft_labels': soft_labels,
        'lam': lam,
        'epoch': epoch,
    }


def reference(confidence, logits, labels, index, soft_labels, lam, epoch):
    eps = 1e-12
    conf = jax.nn.sigmoid(confidence)
    output = jax.nn.softmax(logits, axis=1)
    output = jnp.clip(output, 0.0 + eps, 1.0 - eps)
    conf = jnp.clip(conf, 0.0 + eps, 1.0 - eps)
    n = labels.shape[0]
    one_hot = jnp.zeros((n, C), dtype=jnp.float32).at[jnp.arange(n), labels].set(1.0)
    one_hot = jnp.clip(one_hot, 0.0001, 1.0)

    def early_branch(soft_labels):
        pred = conf * output + (1.0 - conf) * one_hot
        pred = jnp.clip(pred, 1e-07, 1.0)
        loss1 = -jnp.mean(jnp.sum(jnp.log(pred) * one_hot, axis=1))
        rce = -1.0 * jnp.sum(pred * jnp.log(one_hot), axis=1)
        return loss1, rce

    def late_branch(soft_labels):
        def do_update(sl):
            # momentum update of the soft-label memory (gather -> blend -> masked scatter-overwrite)
            temp_p = jax.nn.softmax(jax.lax.stop_gradient(logits), axis=1)
            tp_f = conf[:, 0] > THR
            gathered = jnp.take(sl, index, axis=0)
            updated = MOM * gathered + (1.0 - MOM) * temp_p
            new_rows = jnp.where(tp_f[:, None], updated, gathered)
            sl = sl.at[index].set(new_rows)
            sl = jnp.clip(sl, 0.0001, 1.0)
            return sl

        soft_labels = jax.lax.cond(epoch % 10 == 0, do_update, lambda sl: sl, soft_labels)
        sl = jnp.take(soft_labels, index, axis=0)
        pred = conf * output + (1.0 - conf) * sl
        pred = jnp.clip(pred, 1e-07, 1.0)
        loss1 = -jnp.mean(jnp.sum(jnp.log(pred) * sl, axis=1))
        rce = -1.0 * jnp.sum(pred * jnp.log(sl), axis=1)
        return loss1, rce

    loss1, rce = jax.lax.cond(epoch < ES, early_branch, late_branch, soft_labels)
    loss2 = -jnp.mean(jnp.log(conf))
    return loss1 + lam * loss2 + BETA * jnp.mean(rce)

if __name__ == "__main__":
    import jax
    _d = setup_inputs()
    print(jax.jit(kernel)(*tuple(_d.values())))

</pallas_src>

<mosaic_0001>
#map = affine_map<(d0, d1) -> (0)>
module attributes {stable_mosaic.version = 14 : i64} {
  func.func @_sc_gather(%arg0: i32, %arg1: i32, %arg2: memref<16384xi32, #tpu.memory_space<hbm>>, %arg3: memref<1000000xf32, #tpu.memory_space<hbm>>, %arg4: memref<262144xf32, #tpu.memory_space<hbm>>, %arg5: memref<512xi32, #tpu.memory_space<vmem>>, %arg6: memref<8192xf32, #tpu.memory_space<vmem>>, %arg7: memref<!tpu.dma_semaphore, #tpu.memory_space<semaphore_mem>>) attributes {dimension_semantics = [#tpu.dimension_semantics<core_parallel>, #tpu.dimension_semantics<subcore_parallel>], iteration_bounds = array<i64: 2, 16>, scalar_prefetch = 0 : i64, scratch_operands = 3 : i64, tpu.core_type = #tpu.core_type<sc_vector_subcore>, window_params = [{transform_indices = #map}, {transform_indices = #map}, {transform_indices = #map}]} {
    %mul3A = arith.constant 2 : i32
    %mul3A_0 = arith.muli %arg1, %mul3A : i32
    %add3A = arith.addi %mul3A_0, %arg0 : i32
    %mul3A_1 = arith.constant 512 : i32
    %mul3A_2 = arith.muli %add3A, %mul3A_1 : i32
    "tpu.region"() ({
      %run_scoped3A = tpu.sem_alloc : memref<!tpu.dma_semaphore, #tpu.memory_space<semaphore_mem>>
      %dma_start3A = tpu.memref_slice %arg2[%mul3A_2] : memref<16384xi32, #tpu.memory_space<hbm>> -> memref<512xi32, #tpu.memory_space<hbm>>
      %dma_start3A_11 = tpu.memref_slice %arg2[%mul3A_2] : memref<16384xi32, #tpu.memory_space<hbm>> -> memref<512xi32, #tpu.memory_space<hbm>>
      tpu.enqueue_dma source(%dma_start3A_11 : memref<512xi32, #tpu.memory_space<hbm>>) target(%arg5 : memref<512xi32, #tpu.memory_space<vmem>>) target_semaphore(%run_scoped3A : memref<!tpu.dma_semaphore, #tpu.memory_space<semaphore_mem>>)
      %dma_wait3A = tpu.memref_slice %arg2[%mul3A_2] : memref<16384xi32, #tpu.memory_space<hbm>> -> memref<512xi32, #tpu.memory_space<hbm>>
      %dma_wait3A_12 = tpu.memref_slice %arg2[%mul3A_2] : memref<16384xi32, #tpu.memory_space<hbm>> -> memref<512xi32, #tpu.memory_space<hbm>>
      tpu.wait_dma2 semaphore(%run_scoped3A : memref<!tpu.dma_semaphore, #tpu.memory_space<semaphore_mem>>) src(%dma_wait3A_12 : memref<512xi32, #tpu.memory_space<hbm>>) dst(%arg5 : memref<512xi32, #tpu.memory_space<vmem>>)
      tpu.yield
    }) : () -> ()
    %scan3A = arith.constant 0 : i32
    %scan3A_3 = arith.constant 8 : i32
    %scan3A_4 = arith.addi %scan3A, %scan3A_3 : i32
    %scan3A_5 = arith.constant 1 : i32
    scf.for %scan3A_11 = %scan3A to %scan3A_4 step %scan3A_5  : i32 {
      %mul3A_12 = arith.constant 64 : i32
      %mul3A_13 = arith.muli %scan3A_11, %mul3A_12 : i32
      %add3A_14 = arith.constant 0 : i32
      %add3A_15 = arith.addi %mul3A_13, %add3A_14 : i32
      %get3A = arith.index_cast %add3A_15 : i32 to index
      %get3A_16 = tpu.vector_load %arg5[%get3A] {strides = array<i32>} : memref<512xi32, #tpu.memory_space<vmem>>, vector<16xi32>,
      %get3A_17 = vector.shape_cast %get3A_16 : vector<16xi32> to vector<16xi32>
      %mul3A_18 = arith.constant 64 : i32
      %mul3A_19 = arith.muli %scan3A_11, %mul3A_18 : i32
      %add3A_20 = arith.constant 0 : i32
      %add3A_21 = arith.addi %mul3A_19, %add3A_20 : i32
      %add3A_22 = arith.constant 0 : i32
      %add3A_23 = arith.addi %add3A_21, %add3A_22 : i32
      %slice3A = vector.extract_strided_slice %get3A_17 {offsets = [0], sizes = [1], strides = [1]} : vector<16xi32> to vector<1xi32>
      %squeeze3A = vector.extract %slice3A[0] : i32 from vector<1xi32>
      %multiple_of3A = tpu.assume_multiple %squeeze3A, 16 : i32
      %mul3A_24 = arith.constant 16 : i32
      %mul3A_25 = arith.muli %add3A_23, %mul3A_24 : i32
      %dma_start3A = tpu.memref_slice %arg6[%mul3A_25] : memref<8192xf32, #tpu.memory_space<vmem>> -> memref<16xf32, #tpu.memory_space<vmem>>
      %dma_start3A_26 = tpu.memref_slice %arg3[%multiple_of3A] : memref<1000000xf32, #tpu.memory_space<hbm>> -> memref<16xf32, #tpu.memory_space<hbm>>
      %dma_start3A_27 = tpu.memref_slice %arg6[%mul3A_25] : memref<8192xf32, #tpu.memory_space<vmem>> -> memref<16xf32, #tpu.memory_space<vmem>>
      %dma_start3A_28 = tpu.memref_slice %arg3[%multiple_of3A] : memref<1000000xf32, #tpu.memory_space<hbm>> -> memref<16xf32, #tpu.memory_space<hbm>>
      tpu.enqueue_dma source(%dma_start3A_28 : memref<16xf32, #tpu.memory_space<hbm>>) target(%dma_start3A_27 : memref<16xf32, #tpu.memory_space<vmem>>) target_semaphore(%arg7 : memref<!tpu.dma_semaphore, #tpu.memory_space<semaphore_mem>>)
      %mul3A_29 = arith.constant 64 : i32
      %mul3A_30 = arith.muli %scan3A_11, %mul3A_29 : i32
      %add3A_31 = arith.constant 0 : i32
      %add3A_32 = arith.addi %mul3A_30, %add3A_31 : i32
      %add3A_33 = arith.constant 1 : i32
      %add3A_34 = arith.addi %add3A_32, %add3A_33 : i32
      %slice3A_35 = vector.extract_strided_slice %get3A_17 {offsets = [1], sizes = [1], strides = [1]} : vector<16xi32> to vector<1xi32>
      %squeeze3A_36 = vector.extract %slice3A_35[0] : i32 from vector<1xi32>
      %multiple_of3A_37 = tpu.assume_multiple %squeeze3A_36, 16 : i32
      %mul3A_38 = arith.constant 16 : i32
      %mul3A_39 = arith.muli %add3A_34, %mul3A_38 : i32
      %dma_start3A_40 = tpu.memref_slice %arg6[%mul3A_39] : memref<8192xf32, #tpu.memory_space<vmem>> -> memref<16xf32, #tpu.memory_space<vmem>>
      %dma_start3A_41 = tpu.memref_slice %arg3[%multiple_of3A_37] : memref<1000000xf32, #tpu.memory_space<hbm>> -> memref<16xf32, #tpu.memory_space<hbm>>
      %dma_start3A_42 = tpu.memref_slice %arg6[%mul3A_39] : memref<8192xf32, #tpu.memory_space<vmem>> -> memref<16xf32, #tpu.memory_space<vmem>>
      %dma_start3A_43 = tpu.memref_slice %arg3[%multiple_of3A_37] : memref<1000000xf32, #tpu.memory_space<hbm>> -> memref<16xf32, #tpu.memory_space<hbm>>
      tpu.enqueue_dma source(%dma_start3A_43 : memref<16xf32, #tpu.memory_space<hbm>>) target(%dma_start3A_42 : memref<16xf32, #tpu.memory_space<vmem>>) target_semaphore(%arg7 : memref<!tpu.dma_semaphore, #tpu.memory_space<semaphore_mem>>)
      %mul3A_44 = arith.constant 64 : i32
      %mul3A_45 = arith.muli %scan3A_11, %mul3A_44 : i32
      %add3A_46 = arith.constant 0 : i32
      %add3A_47 = arith.addi %mul3A_45, %add3A_46 : i32
      %add3A_48 = arith.constant 2 : i32
      %add3A_49 = arith.addi %add3A_47, %add3A_48 : i32
      %slice3A_50 = vector.extract_strided_slice %get3A_17 {offsets = [2], sizes = [1], strides = [1]} : vector<16xi32> to vector<1xi32>
      %squeeze3A_51 = vector.extract %slice3A_50[0] : i32 from vector<1xi32>
      %multiple_of3A_52 = tpu.assume_multiple %squeeze3A_51, 16 : i32
      %mul3A_53 = arith.constant 16 : i32
      %mul3A_54 = arith.muli %add3A_49, %mul3A_53 : i32
      %dma_start3A_55 = tpu.memref_slice %arg6[%mul3A_54] : memref<8192xf32, #tpu.memory_space<vmem>> -> memref<16xf32, #tpu.memory_space<vmem>>
      %dma_start3A_56 = tpu.memref_slice %arg3[%multiple_of3A_52] : memref<1000000xf32, #tpu.memory_space<hbm>> -> memref<16xf32, #tpu.memory_space<hbm>>
      %dma_start3A_57 = tpu.memref_slice %arg6[%mul3A_54] : memref<8192xf32, #tpu.memory_space<vmem>> -> memref<16xf32, #tpu.memory_space<vmem>>
      %dma_start3A_58 = tpu.memref_slice %arg3[%multiple_of3A_52] : memref<1000000xf32, #tpu.memory_space<hbm>> -> memref<16xf32, #tpu.memory_space<hbm>>
      tpu.enqueue_dma source(%dma_start3A_58 : memref<16xf32, #tpu.memory_space<hbm>>) target(%dma_start3A_57 : memref<16xf32, #tpu.memory_space<vmem>>) target_semaphore(%arg7 : memref<!tpu.dma_semaphore, #tpu.memory_space<semaphore_mem>>)
      %mul3A_59 = arith.constant 64 : i32
      %mul3A_60 = arith.muli %scan3A_11, %mul3A_59 : i32
      %add3A_61 = arith.constant 0 : i32
      %add3A_62 = arith.addi %mul3A_60, %add3A_61 : i32
      %add3A_63 = arith.constant 3 : i32
      %add3A_64 = arith.addi %add3A_62, %add3A_63 : i32
      %slice3A_65 = vector.extract_strided_slice %get3A_17 {offsets = [3], sizes = [1], strides = [1]} : vector<16xi32> to vector<1xi32>
      %squeeze3A_66 = vector.extract %slice3A_65[0] : i32 from vector<1xi32>
      %multiple_of3A_67 = tpu.assume_multiple %squeeze3A_66, 16 : i32
      %mul3A_68 = arith.constant 16 : i32
      %mul3A_69 = arith.muli %add3A_64, %mul3A_68 : i32
      %dma_start3A_70 = tpu.memref_slice %arg6[%mul3A_69] : memref<8192xf32, #tpu.memory_space<vmem>> -> memref<16xf32, #tpu.memory_space<vmem>>
      %dma_start3A_71 = tpu.memref_slice %arg3[%multiple_of3A_67] : memref<1000000xf32, #tpu.memory_space<hbm>> -> memref<16xf32, #tpu.memory_space<hbm>>
      %dma_start3A_72 = tpu.memref_slice %arg6[%mul3A_69] : memref<8192xf32, #tpu.memory_space<vmem>> -> memref<16xf32, #tpu.memory_space<vmem>>
      %dma_start3A_73 = tpu.memref_slice %arg3[%multiple_of3A_67] : memref<1000000xf32, #tpu.memory_space<hbm>> -> memref<16xf32, #tpu.memory_space<hbm>>
      tpu.enqueue_dma source(%dma_start3A_73 : memref<16xf32, #tpu.memory_space<hbm>>) target(%dma_start3A_72 : memref<16xf32, #tpu.memory_space<vmem>>) target_semaphore(%arg7 : memref<!tpu.dma_semaphore, #tpu.memory_space<semaphore_mem>>)
      %mul3A_74 = arith.constant 64 : i32
      %mul3A_75 = arith.muli %scan3A_11, %mul3A_74 : i32
      %add3A_76 = arith.constant 0 : i32
      %add3A_77 = arith.addi %mul3A_75, %add3A_76 : i32
      %add3A_78 = arith.constant 4 : i32
      %add3A_79 = arith.addi %add3A_77, %add3A_78 : i32
      %slice3A_80 = vector.extract_strided_slice %get3A_17 {offsets = [4], sizes = [1], strides = [1]} : vector<16xi32> to vector<1xi32>
      %squeeze3A_81 = vector.extract %slice3A_80[0] : i32 from vector<1xi32>
      %multiple_of3A_82 = tpu.assume_multiple %squeeze3A_81, 16 : i32
      %mul3A_83 = arith.constant 16 : i32
      %mul3A_84 = arith.muli %add3A_79, %mul3A_83 : i32
      %dma_start3A_85 = tpu.memref_slice %arg6[%mul3A_84] : memref<8192xf32, #tpu.memory_space<vmem>> -> memref<16xf32, #tpu.memory_space<vmem>>
      %dma_start3A_86 = tpu.memref_slice %arg3[%multiple_of3A_82] : memref<1000000xf32, #tpu.memory_space<hbm>> -> memref<16xf32, #tpu.memory_space<hbm>>
      %dma_start3A_87 = tpu.memref_slice %arg6[%mul3A_84] : memref<8192xf32, #tpu.memory_space<vmem>> -> memref<16xf32, #tpu.memory_space<vmem>>
      %dma_start3A_88 = tpu.memref_slice %arg3[%multiple_of3A_82] : memref<1000000xf32, #tpu.memory_space<hbm>> -> memref<16xf32, #tpu.memory_space<hbm>>
      tpu.enqueue_dma source(%dma_start3A_88 : memref<16xf32, #tpu.memory_space<hbm>>) target(%dma_start3A_87 : memref<16xf32, #tpu.memory_space<vmem>>) target_semaphore(%arg7 : memref<!tpu.dma_semaphore, #tpu.memory_space<semaphore_mem>>)
      %mul3A_89 = arith.constant 64 : i32
      %mul3A_90 = arith.muli %scan3A_11, %mul3A_89 : i32
      %add3A_91 = arith.constant 0 : i32
      %add3A_92 = arith.addi %mul3A_90, %add3A_91 : i32
      %add3A_93 = arith.constant 5 : i32
      %add3A_94 = arith.addi %add3A_92, %add3A_93 : i32
      %slice3A_95 = vector.extract_strided_slice %get3A_17 {offsets = [5], sizes = [1], strides = [1]} : vector<16xi32> to vector<1xi32>
      %squeeze3A_96 = vector.extract %slice3A_95[0] : i32 from vector<1xi32>
      %multiple_of3A_97 = tpu.assume_multiple %squeeze3A_96, 16 : i32
      %mul3A_98 = arith.constant 16 : i32
      %mul3A_99 = arith.muli %add3A_94, %mul3A_98 : i32
      %dma_start3A_100 = tpu.memref_slice %arg6[%mul3A_99] : memref<8192xf32, #tpu.memory_space<vmem>> -> memref<16xf32, #tpu.memory_space<vmem>>
      %dma_start3A_101 = tpu.memref_slice %arg3[%multiple_of3A_97] : memref<1000000xf32, #tpu.memory_space<hbm>> -> memref<16xf32, #tpu.memory_space<hbm>>
      %dma_start3A_102 = tpu.memref_slice %arg6[%mul3A_99] : memref<8192xf32, #tpu.memory_space<vmem>> -> memref<16xf32, #tpu.memory_space<vmem>>
      %dma_start3A_103 = tpu.memref_slice %arg3[%multiple_of3A_97] : memref<1000000xf32, #tpu.memory_space<hbm>> -> memref<16xf32, #tpu.memory_space<hbm>>
      tpu.enqueue_dma source(%dma_start3A_103 : memref<16xf32, #tpu.memory_space<hbm>>) target(%dma_start3A_102 : memref<16xf32, #tpu.memory_space<vmem>>) target_semaphore(%arg7 : memref<!tpu.dma_semaphore, #tpu.memory_space<semaphore_mem>>)
      %mul3A_104 = arith.constant 64 : i32
      %mul3A_105 = arith.muli %scan3A_11, %mul3A_104 : i32
      %add3A_106 = arith.constant 0 : i32
      %add3A_107 = arith.addi %mul3A_105, %add3A_106 : i32
      %add3A_108 = arith.constant 6 : i32
      %add3A_109 = arith.addi %add3A_107, %add3A_108 : i32
      %slice3A_110 = vector.extract_strided_slice %get3A_17 {offsets = [6], sizes = [1], strides = [1]} : vector<16xi32> to vector<1xi32>
      %squeeze3A_111 = vector.extract %slice3A_110[0] : i32 from vector<1xi32>
      %multiple_of3A_112 = tpu.assume_multiple %squeeze3A_111, 16 : i32
      %mul3A_113 = arith.constant 16 : i32
      %mul3A_114 = arith.muli %add3A_109, %mul3A_113 : i32
      %dma_start3A_115 = tpu.memref_slice %arg6[%mul3A_114] : memref<8192xf32, #tpu.memory_space<vmem>> -> memref<16xf32, #tpu.memory_space<vmem>>
      %dma_start3A_116 = tpu.memref_slice %arg3[%multiple_of3A_112] : memref<1000000xf32, #tpu.memory_space<hbm>> -> memref<16xf32, #tpu.memory_space<hbm>>
      %dma_start3A_117 = tpu.memref_slice %arg6[%mul3A_114] : memref<8192xf32, #tpu.memory_space<vmem>> -> memref<16xf32, #tpu.memory_space<vmem>>
      %dma_start3A_118 = tpu.memref_slice %arg3[%multiple_of3A_112] : memref<1000000xf32, #tpu.memory_space<hbm>> -> memref<16xf32, #tpu.memory_space<hbm>>
      tpu.enqueue_dma source(%dma_start3A_118 : memref<16xf32, #tpu.memory_space<hbm>>) target(%dma_start3A_117 : memref<16xf32, #tpu.memory_space<vmem>>) target_semaphore(%arg7 : memref<!tpu.dma_semaphore, #tpu.memory_space<semaphore_mem>>)
      %mul3A_119 = arith.constant 64 : i32
      %mul3A_120 = arith.muli %scan3A_11, %mul3A_119 : i32
      %add3A_121 = arith.constant 0 : i32
      %add3A_122 = arith.addi %mul3A_120, %add3A_121 : i32
      %add3A_123 = arith.constant 7 : i32
      %add3A_124 = arith.addi %add3A_122, %add3A_123 : i32
      %slice3A_125 = vector.extract_strided_slice %get3A_17 {offsets = [7], sizes = [1], strides = [1]} : vector<16xi32> to vector<1xi32>
      %squeeze3A_126 = vector.extract %slice3A_125[0] : i32 from vector<1xi32>
      %multiple_of3A_127 = tpu.assume_multiple %squeeze3A_126, 16 : i32
      %mul3A_128 = arith.constant 16 : i32
      %mul3A_129 = arith.muli %add3A_124, %mul3A_128 : i32
      %dma_start3A_130 = tpu.memref_slice %arg6[%mul3A_129] : memref<8192xf32, #tpu.memory_space<vmem>> -> memref<16xf32, #tpu.memory_space<vmem>>
      %dma_start3A_131 = tpu.memref_slice %arg3[%multiple_of3A_127] : memref<1000000xf32, #tpu.memory_space<hbm>> -> memref<16xf32, #tpu.memory_space<hbm>>
      %dma_start3A_132 = tpu.memref_slice %arg6[%mul3A_129] : memref<8192xf32, #tpu.memory_space<vmem>> -> memref<16xf32, #tpu.memory_space<vmem>>
      %dma_start3A_133 = tpu.memref_slice %arg3[%multiple_of3A_127] : memref<1000000xf32, #tpu.memory_space<hbm>> -> memref<16xf32, #tpu.memory_space<hbm>>
      tpu.enqueue_dma source(%dma_start3A_133 : memref<16xf32, #tpu.memory_space<hbm>>) target(%dma_start3A_132 : memref<16xf32, #tpu.memory_space<vmem>>) target_semaphore(%arg7 : memref<!tpu.dma_semaphore, #tpu.memory_space<semaphore_mem>>)
      %mul3A_134 = arith.constant 64 : i32
      %mul3A_135 = arith.muli %scan3A_11, %mul3A_134 : i32
      %add3A_136 = arith.constant 0 : i32
      %add3A_137 = arith.addi %mul3A_135, %add3A_136 : i32
      %add3A_138 = arith.constant 8 : i32
      %add3A_139 = arith.addi %add3A_137, %add3A_138 : i32
      %slice3A_140 = vector.extract_strided_slice %get3A_17 {offsets = [8], sizes = [1], strides = [1]} : vector<16xi32> to vector<1xi32>
      %squeeze3A_141 = vector.extract %slice3A_140[0] : i32 from vector<1xi32>
      %multiple_of3A_142 = tpu.assume_multiple %squeeze3A_141, 16 : i32
      %mul3A_143 = arith.constant 16 : i32
      %mul3A_144 = arith.muli %add3A_139, %mul3A_143 : i32
      %dma_start3A_145 = tpu.memref_slice %arg6[%mul3A_144] : memref<8192xf32, #tpu.memory_space<vmem>> -> memref<16xf32, #tpu.memory_space<vmem>>
      %dma_start3A_146 = tpu.memref_slice %arg3[%multiple_of3A_142] : memref<1000000xf32, #tpu.memory_space<hbm>> -> memref<16xf32, #tpu.memory_space<hbm>>
      %dma_start3A_147 = tpu.memref_slice %arg6[%mul3A_144] : memref<8192xf32, #tpu.memory_space<vmem>> -> memref<16xf32, #tpu.memory_space<vmem>>
      %dma_start3A_148 = tpu.memref_slice %arg3[%multiple_of3A_142] : memref<1000000xf32, #tpu.memory_space<hbm>> -> memref<16xf32, #tpu.memory_space<hbm>>
      tpu.enqueue_dma source(%dma_start3A_148 : memref<16xf32, #tpu.memory_space<hbm>>) target(%dma_start3A_147 : memref<16xf32, #tpu.memory_space<vmem>>) target_semaphore(%arg7 : memref<!tpu.dma_semaphore, #tpu.memory_space<semaphore_mem>>)
      %mul3A_149 = arith.constant 64 : i32
      %mul3A_150 = arith.muli %scan3A_11, %mul3A_149 : i32
      %add3A_151 = arith.constant 0 : i32
      %add3A_152 = arith.addi %mul3A_150, %add3A_151 : i32
      %add3A_153 = arith.constant 9 : i32
      %add3A_154 = arith.addi %add3A_152, %add3A_153 : i32
      %slice3A_155 = vector.extract_strided_slice %get3A_17 {offsets = [9], sizes = [1], strides = [1]} : vector<16xi32> to vector<1xi32>
      %squeeze3A_156 = vector.extract %slice3A_155[0] : i32 from vector<1xi32>
      %multiple_of3A_157 = tpu.assume_multiple %squeeze3A_156, 16 : i32
      %mul3A_158 = arith.constant 16 : i32
      %mul3A_159 = arith.muli %add3A_154, %mul3A_158 : i32
      %dma_start3A_160 = tpu.memref_slice %arg6[%mul3A_159] : memref<8192xf32, #tpu.memory_space<vmem>> -> memref<16xf32, #tpu.memory_space<vmem>>
      %dma_start3A_161 = tpu.memref_slice %arg3[%multiple_of3A_157] : memref<1000000xf32, #tpu.memory_space<hbm>> -> memref<16xf32, #tpu.memory_space<hbm>>
      %dma_start3A_162 = tpu.memref_slice %arg6[%mul3A_159] : memref<8192xf32, #tpu.memory_space<vmem>> -> memref<16xf32, #tpu.memory_space<vmem>>
      %dma_start3A_163 = tpu.memref_slice %arg3[%multiple_of3A_157] : memref<1000000xf32, #tpu.memory_space<hbm>> -> memref<16xf32, #tpu.memory_space<hbm>>
      tpu.enqueue_dma source(%dma_start3A_163 : memref<16xf32, #tpu.memory_space<hbm>>) target(%dma_start3A_162 : memref<16xf32, #tpu.memory_space<vmem>>) target_semaphore(%arg7 : memref<!tpu.dma_semaphore, #tpu.memory_space<semaphore_mem>>)
      %mul3A_164 = arith.constant 64 : i32
      %mul3A_165 = arith.muli %scan3A_11, %mul3A_164 : i32
      %add3A_166 = arith.constant 0 : i32
      %add3A_167 = arith.addi %mul3A_165, %add3A_166 : i32
      %add3A_168 = arith.constant 10 : i32
      %add3A_169 = arith.addi %add3A_167, %add3A_168 : i32
      %slice3A_170 = vector.extract_strided_slice %get3A_17 {offsets = [10], sizes = [1], strides = [1]} : vector<16xi32> to vector<1xi32>
      %squeeze3A_171 = vector.extract %slice3A_170[0] : i32 from vector<1xi32>
      %multiple_of3A_172 = tpu.assume_multiple %squeeze3A_171, 16 : i32
      %mul3A_173 = arith.constant 16 : i32
      %mul3A_174 = arith.muli %add3A_169, %mul3A_173 : i32
      %dma_start3A_175 = tpu.memref_slice %arg6[%mul3A_174] : memref<8192xf32, #tpu.memory_space<vmem>> -> memref<16xf32, #tpu.memory_space<vmem>>
      %dma_start3A_176 = tpu.memref_slice %arg3[%multiple_of3A_172] : memref<1000000xf32, #tpu.memory_space<hbm>> -> memref<16xf32, #tpu.memory_space<hbm>>
      %dma_start3A_177 = tpu.memref_slice %arg6[%mul3A_174] : memref<8192xf32, #tpu.memory_space<vmem>> -> memref<16xf32, #tpu.memory_space<vmem>>
      %dma_start3A_178 = tpu.memref_slice %arg3[%multiple_of3A_172] : memref<1000000xf32, #tpu.memory_space<hbm>> -> memref<16xf32, #tpu.memory_space<hbm>>
      tpu.enqueue_dma source(%dma_start3A_178 : memref<16xf32, #tpu.memory_space<hbm>>) target(%dma_start3A_177 : memref<16xf32, #tpu.memory_space<vmem>>) target_semaphore(%arg7 : memref<!tpu.dma_semaphore, #tpu.memory_space<semaphore_mem>>)
      %mul3A_179 = arith.constant 64 : i32
      %mul3A_180 = arith.muli %scan3A_11, %mul3A_179 : i32
      %add3A_181 = arith.constant 0 : i32
      %add3A_182 = arith.addi %mul3A_180, %add3A_181 : i32
      %add3A_183 = arith.constant 11 : i32
      %add3A_184 = arith.addi %add3A_182, %add3A_183 : i32
      %slice3A_185 = vector.extract_strided_slice %get3A_17 {offsets = [11], sizes = [1], strides = [1]} : vector<16xi32> to vector<1xi32>
      %squeeze3A_186 = vector.extract %slice3A_185[0] : i32 from vector<1xi32>
      %multiple_of3A_187 = tpu.assume_multiple %squeeze3A_186, 16 : i32
      %mul3A_188 = arith.constant 16 : i32
      %mul3A_189 = arith.muli %add3A_184, %mul3A_188 : i32
      %dma_start3A_190 = tpu.memref_slice %arg6[%mul3A_189] : memref<8192xf32, #tpu.memory_space<vmem>> -> memref<16xf32, #tpu.memory_space<vmem>>
      %dma_start3A_191 = tpu.memref_slice %arg3[%multiple_of3A_187] : memref<1000000xf32, #tpu.memory_space<hbm>> -> memref<16xf32, #tpu.memory_space<hbm>>
      %dma_start3A_192 = tpu.memref_slice %arg6[%mul3A_189] : memref<8192xf32, #tpu.memory_space<vmem>> -> memref<16xf32, #tpu.memory_space<vmem>>
      %dma_start3A_193 = tpu.memref_slice %arg3[%multiple_of3A_187] : memref<1000000xf32, #tpu.memory_space<hbm>> -> memref<16xf32, #tpu.memory_space<hbm>>
      tpu.enqueue_dma source(%dma_start3A_193 : memref<16xf32, #tpu.memory_space<hbm>>) target(%dma_start3A_192 : memref<16xf32, #tpu.memory_space<vmem>>) target_semaphore(%arg7 : memref<!tpu.dma_semaphore, #tpu.memory_space<semaphore_mem>>)
      %mul3A_194 = arith.constant 64 : i32
      %mul3A_195 = arith.muli %scan3A_11, %mul3A_194 : i32
      %add3A_196 = arith.constant 0 : i32
      %add3A_197 = arith.addi %mul3A_195, %add3A_196 : i32
      %add3A_198 = arith.constant 12 : i32
      %add3A_199 = arith.addi %add3A_197, %add3A_198 : i32
      %slice3A_200 = vector.extract_strided_slice %get3A_17 {offsets = [12], sizes = [1], strides = [1]} : vector<16xi32> to vector<1xi32>
      %squeeze3A_201 = vector.extract %slice3A_200[0] : i32 from vector<1xi32>
      %multiple_of3A_202 = tpu.assume_multiple %squeeze3A_201, 16 : i32
      %mul3A_203 = arith.constant 16 : i32
      %mul3A_204 = arith.muli %add3A_199, %mul3A_203 : i32
      %dma_start3A_205 = tpu.memref_slice %arg6[%mul3A_204] : memref<8192xf32, #tpu.memory_space<vmem>> -> memref<16xf32, #tpu.memory_space<vmem>>
      %dma_start3A_206 = tpu.memref_slice %arg3[%multiple_of3A_202] : memref<1000000xf32, #tpu.memory_space<hbm>> -> memref<16xf32, #tpu.memory_space<hbm>>
      %dma_start3A_207 = tpu.memref_slice %arg6[%mul3A_204] : memref<8192xf32, #tpu.memory_space<vmem>> -> memref<16xf32, #tpu.memory_space<vmem>>
      %dma_start3A_208 = tpu.memref_slice %arg3[%multiple_of3A_202] : memref<1000000xf32, #tpu.memory_space<hbm>> -> memref<16xf32, #tpu.memory_space<hbm>>
      tpu.enqueue_dma source(%dma_start3A_208 : memref<16xf32, #tpu.memory_space<hbm>>) target(%dma_start3A_207 : memref<16xf32, #tpu.memory_space<vmem>>) target_semaphore(%arg7 : memref<!tpu.dma_semaphore, #tpu.memory_space<semaphore_mem>>)
      %mul3A_209 = arith.constant 64 : i32
      %mul3A_210 = arith.muli %scan3A_11, %mul3A_209 : i32
      %add3A_211 = arith.constant 0 : i32
      %add3A_212 = arith.addi %mul3A_210, %add3A_211 : i32
      %add3A_213 = arith.constant 13 : i32
      %add3A_214 = arith.addi %add3A_212, %add3A_213 : i32
      %slice3A_215 = vector.extract_strided_slice %get3A_17 {offsets = [13], sizes = [1], strides = [1]} : vector<16xi32> to vector<1xi32>
      %squeeze3A_216 = vector.extract %slice3A_215[0] : i32 from vector<1xi32>
      %multiple_of3A_217 = tpu.assume_multiple %squeeze3A_216, 16 : i32
      %mul3A_218 = arith.constant 16 : i32
      %mul3A_219 = arith.muli %add3A_214, %mul3A_218 : i32
      %dma_start3A_220 = tpu.memref_slice %arg6[%mul3A_219] : memref<8192xf32, #tpu.memory_space<vmem>> -> memref<16xf32, #tpu.memory_space<vmem>>
      %dma_start3A_221 = tpu.memref_slice %arg3[%multiple_of3A_217] : memref<1000000xf32, #tpu.memory_space<hbm>> -> memref<16xf32, #tpu.memory_space<hbm>>
      %dma_start3A_222 = tpu.memref_slice %arg6[%mul3A_219] : memref<8192xf32, #tpu.memory_space<vmem>> -> memref<16xf32, #tpu.memory_space<vmem>>
      %dma_start3A_223 = tpu.memref_slice %arg3[%multiple_of3A_217] : memref<1000000xf32, #tpu.memory_space<hbm>> -> memref<16xf32, #tpu.memory_space<hbm>>
      tpu.enqueue_dma source(%dma_start3A_223 : memref<16xf32, #tpu.memory_space<hbm>>) target(%dma_start3A_222 : memref<16xf32, #tpu.memory_space<vmem>>) target_semaphore(%arg7 : memref<!tpu.dma_semaphore, #tpu.memory_space<semaphore_mem>>)
      %mul3A_224 = arith.constant 64 : i32
      %mul3A_225 = arith.muli %scan3A_11, %mul3A_224 : i32
      %add3A_226 = arith.constant 0 : i32
      %add3A_227 = arith.addi %mul3A_225, %add3A_226 : i32
      %add3A_228 = arith.constant 14 : i32
      %add3A_229 = arith.addi %add3A_227, %add3A_228 : i32
      %slice3A_230 = vector.extract_strided_slice %get3A_17 {offsets = [14], sizes = [1], strides = [1]} : vector<16xi32> to vector<1xi32>
      %squeeze3A_231 = vector.extract %slice3A_230[0] : i32 from vector<1xi32>
      %multiple_of3A_232 = tpu.assume_multiple %squeeze3A_231, 16 : i32
      %mul3A_233 = arith.constant 16 : i32
      %mul3A_234 = arith.muli %add3A_229, %mul3A_233 : i32
      %dma_start3A_235 = tpu.memref_slice %arg6[%mul3A_234] : memref<8192xf32, #tpu.memory_space<vmem>> -> memref<16xf32, #tpu.memory_space<vmem>>
      %dma_start3A_236 = tpu.memref_slice %arg3[%multiple_of3A_232] : memref<1000000xf32, #tpu.memory_space<hbm>> -> memref<16xf32, #tpu.memory_space<hbm>>
      %dma_start3A_237 = tpu.memref_slice %arg6[%mul3A_234] : memref<8192xf32, #tpu.memory_space<vmem>> -> memref<16xf32, #tpu.memory_space<vmem>>
      %dma_start3A_238 = tpu.memref_slice %arg3[%multiple_of3A_232] : memref<1000000xf32, #tpu.memory_space<hbm>> -> memref<16xf32, #tpu.memory_space<hbm>>
      tpu.enqueue_dma source(%dma_start3A_238 : memref<16xf32, #tpu.memory_space<hbm>>) target(%dma_start3A_237 : memref<16xf32, #tpu.memory_space<vmem>>) target_semaphore(%arg7 : memref<!tpu.dma_semaphore, #tpu.memory_space<semaphore_mem>>)
      %mul3A_239 = arith.constant 64 : i32
      %mul3A_240 = arith.muli %scan3A_11, %mul3A_239 : i32
      %add3A_241 = arith.constant 0 : i32
      %add3A_242 = arith.addi %mul3A_240, %add3A_241 : i32
      %add3A_243 = arith.constant 15 : i32
      %add3A_244 = arith.addi %add3A_242, %add3A_243 : i32
      %slice3A_245 = vector.extract_strided_slice %get3A_17 {offsets = [15], sizes = [1], strides = [1]} : vector<16xi32> to vector<1xi32>
      %squeeze3A_246 = vector.extract %slice3A_245[0] : i32 from vector<1xi32>
      %multiple_of3A_247 = tpu.assume_multiple %squeeze3A_246, 16 : i32
      %mul3A_248 = arith.constant 16 : i32
      %mul3A_249 = arith.muli %add3A_244, %mul3A_248 : i32
      %dma_start3A_250 = tpu.memref_slice %arg6[%mul3A_249] : memref<8192xf32, #tpu.memory_space<vmem>> -> memref<16xf32, #tpu.memory_space<vmem>>
      %dma_start3A_251 = tpu.memref_slice %arg3[%multiple_of3A_247] : memref<1000000xf32, #tpu.memory_space<hbm>> -> memref<16xf32, #tpu.memory_space<hbm>>
      %dma_start3A_252 = tpu.memref_slice %arg6[%mul3A_249] : memref<8192xf32, #tpu.memory_space<vmem>> -> memref<16xf32, #tpu.memory_space<vmem>>
      %dma_start3A_253 = tpu.memref_slice %arg3[%multiple_of3A_247] : memref<1000000xf32, #tpu.memory_space<hbm>> -> memref<16xf32, #tpu.memory_space<hbm>>
      tpu.enqueue_dma source(%dma_start3A_253 : memref<16xf32, #tpu.memory_space<hbm>>) target(%dma_start3A_252 : memref<16xf32, #tpu.memory_space<vmem>>) target_semaphore(%arg7 : memref<!tpu.dma_semaphore, #tpu.memory_space<semaphore_mem>>)
      %mul3A_254 = arith.constant 64 : i32
      %mul3A_255 = arith.muli %scan3A_11, %mul3A_254 : i32
      %add3A_256 = arith.constant 16 : i32
      %add3A_257 = arith.addi %mul3A_255, %add3A_256 : i32
      %get3A_258 = arith.index_cast %add3A_257 : i32 to index
      %get3A_259 = tpu.vector_load %arg5[%get3A_258] {strides = array<i32>} : memref<512xi32, #tpu.memory_space<vmem>>, vector<16xi32>,
      %get3A_260 = vector.shape_cast %get3A_259 : vector<16xi32> to vector<16xi32>
      %mul3A_261 = arith.constant 64 : i32
      %mul3A_262 = arith.muli %scan3A_11, %mul3A_261 : i32
      %add3A_263 = arith.constant 16 : i32
      %add3A_264 = arith.addi %mul3A_262, %add3A_263 : i32
      %add3A_265 = arith.constant 0 : i32
      %add3A_266 = arith.addi %add3A_264, %add3A_265 : i32
      %slice3A_267 = vector.extract_strided_slice %get3A_260 {offsets = [0], sizes = [1], strides = [1]} : vector<16xi32> to vector<1xi32>
      %squeeze3A_268 = vector.extract %slice3A_267[0] : i32 from vector<1xi32>
      %multiple_of3A_269 = tpu.assume_multiple %squeeze3A_268, 16 : i32
      %mul3A_270 = arith.constant 16 : i32
      %mul3A_271 = arith.muli %add3A_266, %mul3A_270 : i32
      %dma_start3A_272 = tpu.memref_slice %arg6[%mul3A_271] : memref<8192xf32, #tpu.memory_space<vmem>> -> memref<16xf32, #tpu.memory_space<vmem>>
      %dma_start3A_273 = tpu.memref_slice %arg3[%multiple_of3A_269] : memref<1000000xf32, #tpu.memory_space<hbm>> -> memref<16xf32, #tpu.memory_space<hbm>>
      %dma_start3A_274 = tpu.memref_slice %arg6[%mul3A_271] : memref<8192xf32, #tpu.memory_space<vmem>> -> memref<16xf32, #tpu.memory_space<vmem>>
      %dma_start3A_275 = tpu.memref_slice %arg3[%multiple_of3A_269] : memref<1000000xf32, #tpu.memory_space<hbm>> -> memref<16xf32, #tpu.memory_space<hbm>>
      tpu.enqueue_dma source(%dma_start3A_275 : memref<16xf32, #tpu.memory_space<hbm>>) target(%dma_start3A_274 : memref<16xf32, #tpu.memory_space<vmem>>) target_semaphore(%arg7 : memref<!tpu.dma_semaphore, #tpu.memory_space<semaphore_mem>>)
      %mul3A_276 = arith.constant 64 : i32
      %mul3A_277 = arith.muli %scan3A_11, %mul3A_276 : i32
      %add3A_278 = arith.constant 16 : i32
      %add3A_279 = arith.addi %mul3A_277, %add3A_278 : i32
      %add3A_280 = arith.constant 1 : i32
      %add3A_281 = arith.addi %add3A_279, %add3A_280 : i32
      %slice3A_282 = vector.extract_strided_slice %get3A_260 {offsets = [1], sizes = [1], strides = [1]} : vector<16xi32> to vector<1xi32>
      %squeeze3A_283 = vector.extract %slice3A_282[0] : i32 from vector<1xi32>
      %multiple_of3A_284 = tpu.assume_multiple %squeeze3A_283, 16 : i32
      %mul3A_285 = arith.constant 16 : i32
      %mul3A_286 = arith.muli %add3A_281, %mul3A_285 : i32
      %dma_start3A_287 = tpu.memref_slice %arg6[%mul3A_286] : memref<8192xf32, #tpu.memory_space<vmem>> -> memref<16xf32, #tpu.memory_space<vmem>>
      %dma_start3A_288 = tpu.memref_slice %arg3[%multiple_of3A_284] : memref<1000000xf32, #tpu.memory_space<hbm>> -> memref<16xf32, #tpu.memory_space<hbm>>
      %dma_start3A_289 = tpu.memref_slice %arg6[%mul3A_286] : memref<8192xf32, #tpu.memory_space<vmem>> -> memref<16xf32, #tpu.memory_space<vmem>>
      %dma_start3A_290 = tpu.memref_slice %arg3[%multiple_of3A_284] : memref<1000000xf32, #tpu.memory_space<hbm>> -> memref<16xf32, #tpu.memory_space<hbm>>
      tpu.enqueue_dma source(%dma_start3A_290 : memref<16xf32, #tpu.memory_space<hbm>>) target(%dma_start3A_289 : memref<16xf32, #tpu.memory_space<vmem>>) target_semaphore(%arg7 : memref<!tpu.dma_semaphore, #tpu.memory_space<semaphore_mem>>)
      %mul3A_291 = arith.constant 64 : i32
      %mul3A_292 = arith.muli %scan3A_11, %mul3A_291 : i32
      %add3A_293 = arith.constant 16 : i32
      %add3A_294 = arith.addi %mul3A_292, %add3A_293 : i32
      %add3A_295 = arith.constant 2 : i32
      %add3A_296 = arith.addi %add3A_294, %add3A_295 : i32
      %slice3A_297 = vector.extract_strided_slice %get3A_260 {offsets = [2], sizes = [1], strides = [1]} : vector<16xi32> to vector<1xi32>
      %squeeze3A_298 = vector.extract %slice3A_297[0] : i32 from vector<1xi32>
      %multiple_of3A_299 = tpu.assume_multiple %squeeze3A_298, 16 : i32
      %mul3A_300 = arith.constant 16 : i32
      %mul3A_301 = arith.muli %add3A_296, %mul3A_300 : i32
      %dma_start3A_302 = tpu.memref_slice %arg6[%mul3A_301] : memref<8192xf32, #tpu.memory_space<vmem>> -> memref<16xf32, #tpu.memory_space<vmem>>
      %dma_start3A_303 = tpu.memref_slice %arg3[%multiple_of3A_299] : memref<1000000xf32, #tpu.memory_space<hbm>> -> memref<16xf32, #tpu.memory_space<hbm>>
      %dma_start3A_304 = tpu.memref_slice %arg6[%mul3A_301] : memref<8192xf32, #tpu.memory_space<vmem>> -> memref<16xf32, #tpu.memory_space<vmem>>
      %dma_start3A_305 = tpu.memref_slice %arg3[%multiple_of3A_299] : memref<1000000xf32, #tpu.memory_space<hbm>> -> memref<16xf32, #tpu.memory_space<hbm>>
      tpu.enqueue_dma source(%dma_start3A_305 : memref<16xf32, #tpu.memory_space<hbm>>) target(%dma_start3A_304 : memref<16xf32, #tpu.memory_space<vmem>>) target_semaphore(%arg7 : memref<!tpu.dma_semaphore, #tpu.memory_space<semaphore_mem>>)
      %mul3A_306 = arith.constant 64 : i32
      %mul3A_307 = arith.muli %scan3A_11, %mul3A_306 : i32
      %add3A_308 = arith.constant 16 : i32
      %add3A_309 = arith.addi %mul3A_307, %add3A_308 : i32
      %add3A_310 = arith.constant 3 : i32
      %add3A_311 = arith.addi %add3A_309, %add3A_310 : i32
      %slice3A_312 = vector.extract_strided_slice %get3A_260 {offsets = [3], sizes = [1], strides = [1]} : vector<16xi32> to vector<1xi32>
      %squeeze3A_313 = vector.extract %slice3A_312[0] : i32 from vector<1xi32>
      %multiple_of3A_314 = tpu.assume_multiple %squeeze3A_313, 16 : i32
      %mul3A_315 = arith.constant 16 : i32
      %mul3A_316 = arith.muli %add3A_311, %mul3A_315 : i32
      %dma_start3A_317 = tpu.memref_slice %arg6[%mul3A_316] : memref<8192xf32, #tpu.memory_space<vmem>> -> memref<16xf32, #tpu.memory_space<vmem>>
      %dma_start3A_318 = tpu.memref_slice %arg3[%multiple_of3A_314] : memref<1000000xf32, #tpu.memory_space<hbm>> -> memref<16xf32, #tpu.memory_space<hbm>>
      %dma_start3A_319 = tpu.memref_slice %arg6[%mul3A_316] : memref<8192xf32, #tpu.memory_space<vmem>> -> memref<16xf32, #tpu.memory_space<vmem>>
      %dma_start3A_320 = tpu.memref_slice %arg3[%multiple_of3A_314] : memref<1000000xf32, #tpu.memory_space<hbm>> -> memref<16xf32, #tpu.memory_space<hbm>>
      tpu.enqueue_dma source(%dma_start3A_320 : memref<16xf32, #tpu.memory_space<hbm>>) target(%dma_start3A_319 : memref<16xf32, #tpu.memory_space<vmem>>) target_semaphore(%arg7 : memref<!tpu.dma_semaphore, #tpu.memory_space<semaphore_mem>>)
      %mul3A_321 = arith.constant 64 : i32
      %mul3A_322 = arith.muli %scan3A_11, %mul3A_321 : i32
      %add3A_323 = arith.constant 16 : i32
      %add3A_324 = arith.addi %mul3A_322, %add3A_323 : i32
      %add3A_325 = arith.constant 4 : i32
      %add3A_326 = arith.addi %add3A_324, %add3A_325 : i32
      %slice3A_327 = vector.extract_strided_slice %get3A_260 {offsets = [4], sizes = [1], strides = [1]} : vector<16xi32> to vector<1xi32>
      %squeeze3A_328 = vector.extract %slice3A_327[0] : i32 from vector<1xi32>
      %multiple_of3A_329 = tpu.assume_multiple %squeeze3A_328, 16 : i32
      %mul3A_330 = arith.constant 16 : i32
      %mul3A_331 = arith.muli %add3A_326, %mul3A_330 : i32
      %dma_start3A_332 = tpu.memref_slice %arg6[%mul3A_331] : memref<8192xf32, #tpu.memory_space<vmem>> -> memref<16xf32, #tpu.memory_space<vmem>>
      %dma_start3A_333 = tpu.memref_slice %arg3[%multiple_of3A_329] : memref<1000000xf32, #tpu.memory_space<hbm>> -> memref<16xf32, #tpu.memory_space<hbm>>
      %dma_start3A_334 = tpu.memref_slice %arg6[%mul3A_331] : memref<8192xf32, #tpu.memory_space<vmem>> -> memref<16xf32, #tpu.memory_space<vmem>>
      %dma_start3A_335 = tpu.memref_slice %arg3[%multiple_of3A_329] : memref<1000000xf32, #tpu.memory_space<hbm>> -> memref<16xf32, #tpu.memory_space<hbm>>
      tpu.enqueue_dma source(%dma_start3A_335 : memref<16xf32, #tpu.memory_space<hbm>>) target(%dma_start3A_334 : memref<16xf32, #tpu.memory_space<vmem>>) target_semaphore(%arg7 : memref<!tpu.dma_semaphore, #tpu.memory_space<semaphore_mem>>)
      %mul3A_336 = arith.constant 64 : i32
      %mul3A_337 = arith.muli %scan3A_11, %mul3A_336 : i32
      %add3A_338 = arith.constant 16 : i32
      %add3A_339 = arith.addi %mul3A_337, %add3A_338 : i32
      %add3A_340 = arith.constant 5 : i32
      %add3A_341 = arith.addi %add3A_339, %add3A_340 : i32
      %slice3A_342 = vector.extract_strided_slice %get3A_260 {offsets = [5], sizes = [1], strides = [1]} : vector<16xi32> to vector<1xi32>
      %squeeze3A_343 = vector.extract %slice3A_342[0] : i32 from vector<1xi32>
      %multiple_of3A_344 = tpu.assume_multiple %squeeze3A_343, 16 : i32
      %mul3A_345 = arith.constant 16 : i32
      %mul3A_346 = arith.muli %add3A_341, %mul3A_345 : i32
      %dma_start3A_347 = tpu.memref_slice %arg6[%mul3A_346] : memref<8192xf32, #tpu.memory_space<vmem>> -> memref<16xf32, #tpu.memory_space<vmem>>
      %dma_start3A_348 = tpu.memref_slice %arg3[%multiple_of3A_344] : memref<1000000xf32, #tpu.memory_space<hbm>> -> memref<16xf32, #tpu.memory_space<hbm>>
      %dma_start3A_349 = tpu.memref_slice %arg6[%mul3A_346] : memref<8192xf32, #tpu.memory_space<vmem>> -> memref<16xf32, #tpu.memory_space<vmem>>
      %dma_start3A_350 = tpu.memref_slice %arg3[%multiple_of3A_344] : memref<1000000xf32, #tpu.memory_space<hbm>> -> memref<16xf32, #tpu.memory_space<hbm>>
      tpu.enqueue_dma source(%dma_start3A_350 : memref<16xf32, #tpu.memory_space<hbm>>) target(%dma_start3A_349 : memref<16xf32, #tpu.memory_space<vmem>>) target_semaphore(%arg7 : memref<!tpu.dma_semaphore, #tpu.memory_space<semaphore_mem>>)
      %mul3A_351 = arith.constant 64 : i32
      %mul3A_352 = arith.muli %scan3A_11, %mul3A_351 : i32
      %add3A_353 = arith.constant 16 : i32
      %add3A_354 = arith.addi %mul3A_352, %add3A_353 : i32
      %add3A_355 = arith.constant 6 : i32
      %add3A_356 = arith.addi %add3A_354, %add3A_355 : i32
      %slice3A_357 = vector.extract_strided_slice %get3A_260 {offsets = [6], sizes = [1], strides = [1]} : vector<16xi32> to vector<1xi32>
      %squeeze3A_358 = vector.extract %slice3A_357[0] : i32 from vector<1xi32>
      %multiple_of3A_359 = tpu.assume_multiple %squeeze3A_358, 16 : i32
      %mul3A_360 = arith.constant 16 : i32
      %mul3A_361 = arith.muli %add3A_356, %mul3A_360 : i32
      %dma_start3A_362 = tpu.memref_slice %arg6[%mul3A_361] : memref<8192xf32, #tpu.memory_space<vmem>> -> memref<16xf32, #tpu.memory_space<vmem>>
      %dma_start3A_363 = tpu.memref_slice %arg3[%multiple_of3A_359] : memref<1000000xf32, #tpu.memory_space<hbm>> -> memref<16xf32, #tpu.memory_space<hbm>>
      %dma_start3A_364 = tpu.memref_slice %arg6[%mul3A_361] : memref<8192xf32, #tpu.memory_space<vmem>> -> memref<16xf32, #tpu.memory_space<vmem>>
      %dma_start3A_365 = tpu.memref_slice %arg3[%multiple_of3A_359] : memref<1000000xf32, #tpu.memory_space<hbm>> -> memref<16xf32, #tpu.memory_space<hbm>>
      tpu.enqueue_dma source(%dma_start3A_365 : memref<16xf32, #tpu.memory_space<hbm>>) target(%dma_start3A_364 : memref<16xf32, #tpu.memory_space<vmem>>) target_semaphore(%arg7 : memref<!tpu.dma_semaphore, #tpu.memory_space<semaphore_mem>>)
      %mul3A_366 = arith.constant 64 : i32
      %mul3A_367 = arith.muli %scan3A_11, %mul3A_366 : i32
      %add3A_368 = arith.constant 16 : i32
      %add3A_369 = arith.addi %mul3A_367, %add3A_368 : i32
      %add3A_370 = arith.constant 7 : i32
      %add3A_371 = arith.addi %add3A_369, %add3A_370 : i32
      %slice3A_372 = vector.extract_strided_slice %get3A_260 {offsets = [7], sizes = [1], strides = [1]} : vector<16xi32> to vector<1xi32>
      %squeeze3A_373 = vector.extract %slice3A_372[0] : i32 from vector<1xi32>
      %multiple_of3A_374 = tpu.assume_multiple %squeeze3A_373, 16 : i32
      %mul3A_375 = arith.constant 16 : i32
      %mul3A_376 = arith.muli %add3A_371, %mul3A_375 : i32
      %dma_start3A_377 = tpu.memref_slice %arg6[%mul3A_376] : memref<8192xf32, #tpu.memory_space<vmem>> -> memref<16xf32, #tpu.memory_space<vmem>>
      %dma_start3A_378 = tpu.memref_slice %arg3[%multiple_of3A_374] : memref<1000000xf32, #tpu.memory_space<hbm>> -> memref<16xf32, #tpu.memory_space<hbm>>
      %dma_start3A_379 = tpu.memref_slice %arg6[%mul3A_376] : memref<8192xf32, #tpu.memory_space<vmem>> -> memref<16xf32, #tpu.memory_space<vmem>>
      %dma_start3A_380 = tpu.memref_slice %arg3[%multiple_of3A_374] : memref<1000000xf32, #tpu.memory_space<hbm>> -> memref<16xf32, #tpu.memory_space<hbm>>
      tpu.enqueue_dma source(%dma_start3A_380 : memref<16xf32, #tpu.memory_space<hbm>>) target(%dma_start3A_379 : memref<16xf32, #tpu.memory_space<vmem>>) target_semaphore(%arg7 : memref<!tpu.dma_semaphore, #tpu.memory_space<semaphore_mem>>)
      %mul3A_381 = arith.constant 64 : i32
      %mul3A_382 = arith.muli %scan3A_11, %mul3A_381 : i32
      %add3A_383 = arith.constant 16 : i32
      %add3A_384 = arith.addi %mul3A_382, %add3A_383 : i32
      %add3A_385 = arith.constant 8 : i32
      %add3A_386 = arith.addi %add3A_384, %add3A_385 : i32
      %slice3A_387 = vector.extract_strided_slice %get3A_260 {offsets = [8], sizes = [1], strides = [1]} : vector<16xi32> to vector<1xi32>
      %squeeze3A_388 = vector.extract %slice3A_387[0] : i32 from vector<1xi32>
      %multiple_of3A_389 = tpu.assume_multiple %squeeze3A_388, 16 : i32
      %mul3A_390 = arith.constant 16 : i32
      %mul3A_391 = arith.muli %add3A_386, %mul3A_390 : i32
      %dma_start3A_392 = tpu.memref_slice %arg6[%mul3A_391] : memref<8192xf32, #tpu.memory_space<vmem>> -> memref<16xf32, #tpu.memory_space<vmem>>
      %dma_start3A_393 = tpu.memref_slice %arg3[%multiple_of3A_389] : memref<1000000xf32, #tpu.memory_space<hbm>> -> memref<16xf32, #tpu.memory_space<hbm>>
      %dma_start3A_394 = tpu.memref_slice %arg6[%mul3A_391] : memref<8192xf32, #tpu.memory_space<vmem>> -> memref<16xf32, #tpu.memory_space<vmem>>
      %dma_start3A_395 = tpu.memref_slice %arg3[%multiple_of3A_389] : memref<1000000xf32, #tpu.memory_space<hbm>> -> memref<16xf32, #tpu.memory_space<hbm>>
      tpu.enqueue_dma source(%dma_start3A_395 : memref<16xf32, #tpu.memory_space<hbm>>) target(%dma_start3A_394 : memref<16xf32, #tpu.memory_space<vmem>>) target_semaphore(%arg7 : memref<!tpu.dma_semaphore, #tpu.memory_space<semaphore_mem>>)
      %mul3A_396 = arith.constant 64 : i32
      %mul3A_397 = arith.muli %scan3A_11, %mul3A_396 : i32
      %add3A_398 = arith.constant 16 : i32
      %add3A_399 = arith.addi %mul3A_397, %add3A_398 : i32
      %add3A_400 = arith.constant 9 : i32
      %add3A_401 = arith.addi %add3A_399, %add3A_400 : i32
      %slice3A_402 = vector.extract_strided_slice %get3A_260 {offsets = [9], sizes = [1], strides = [1]} : vector<16xi32> to vector<1xi32>
      %squeeze3A_403 = vector.extract %slice3A_402[0] : i32 from vector<1xi32>
      %multiple_of3A_404 = tpu.assume_multiple %squeeze3A_403, 16 : i32
      %mul3A_405 = arith.constant 16 : i32
      %mul3A_406 = arith.muli %add3A_401, %mul3A_405 : i32
      %dma_start3A_407 = tpu.memref_slice %arg6[%mul3A_406] : memref<8192xf32, #tpu.memory_space<vmem>> -> memref<16xf32, #tpu.memory_space<vmem>>
      %dma_start3A_408 = tpu.memref_slice %arg3[%multiple_of3A_404] : memref<1000000xf32, #tpu.memory_space<hbm>> -> memref<16xf32, #tpu.memory_space<hbm>>
      %dma_start3A_409 = tpu.memref_slice %arg6[%mul3A_406] : memref<8192xf32, #tpu.memory_space<vmem>> -> memref<16xf32, #tpu.memory_space<vmem>>
      %dma_start3A_410 = tpu.memref_slice %arg3[%multiple_of3A_404] : memref<1000000xf32, #tpu.memory_space<hbm>> -> memref<16xf32, #tpu.memory_space<hbm>>
      tpu.enqueue_dma source(%dma_start3A_410 : memref<16xf32, #tpu.memory_space<hbm>>) target(%dma_start3A_409 : memref<16xf32, #tpu.memory_space<vmem>>) target_semaphore(%arg7 : memref<!tpu.dma_semaphore, #tpu.memory_space<semaphore_mem>>)
      %mul3A_411 = arith.constant 64 : i32
      %mul3A_412 = arith.muli %scan3A_11, %mul3A_411 : i32
      %add3A_413 = arith.constant 16 : i32
      %add3A_414 = arith.addi %mul3A_412, %add3A_413 : i32
      %add3A_415 = arith.constant 10 : i32
      %add3A_416 = arith.addi %add3A_414, %add3A_415 : i32
      %slice3A_417 = vector.extract_strided_slice %get3A_260 {offsets = [10], sizes = [1], strides = [1]} : vector<16xi32> to vector<1xi32>
      %squeeze3A_418 = vector.extract %slice3A_417[0] : i32 from vector<1xi32>
      %multiple_of3A_419 = tpu.assume_multiple %squeeze3A_418, 16 : i32
      %mul3A_420 = arith.constant 16 : i32
      %mul3A_421 = arith.muli %add3A_416, %mul3A_420 : i32
      %dma_start3A_422 = tpu.memref_slice %arg6[%mul3A_421] : memref<8192xf32, #tpu.memory_space<vmem>> -> memref<16xf32, #tpu.memory_space<vmem>>
      %dma_start3A_423 = tpu.memref_slice %arg3[%multiple_of3A_419] : memref<1000000xf32, #tpu.memory_space<hbm>> -> memref<16xf32, #tpu.memory_space<hbm>>
      %dma_start3A_424 = tpu.memref_slice %arg6[%mul3A_421] : memref<8192xf32, #tpu.memory_space<vmem>> -> memref<16xf32, #tpu.memory_space<vmem>>
      %dma_start3A_425 = tpu.memref_slice %arg3[%multiple_of3A_419] : memref<1000000xf32, #tpu.memory_space<hbm>> -> memref<16xf32, #tpu.memory_space<hbm>>
      tpu.enqueue_dma source(%dma_start3A_425 : memref<16xf32, #tpu.memory_space<hbm>>) target(%dma_start3A_424 : memref<16xf32, #tpu.memory_space<vmem>>) target_semaphore(%arg7 : memref<!tpu.dma_semaphore, #tpu.memory_space<semaphore_mem>>)
      %mul3A_426 = arith.constant 64 : i32
      %mul3A_427 = arith.muli %scan3A_11, %mul3A_426 : i32
      %add3A_428 = arith.constant 16 : i32
      %add3A_429 = arith.addi %mul3A_427, %add3A_428 : i32
      %add3A_430 = arith.constant 11 : i32
      %add3A_431 = arith.addi %add3A_429, %add3A_430 : i32
      %slice3A_432 = vector.extract_strided_slice %get3A_260 {offsets = [11], sizes = [1], strides = [1]} : vector<16xi32> to vector<1xi32>
      %squeeze3A_433 = vector.extract %slice3A_432[0] : i32 from vector<1xi32>
      %multiple_of3A_434 = tpu.assume_multiple %squeeze3A_433, 16 : i32
      %mul3A_435 = arith.constant 16 : i32
      %mul3A_436 = arith.muli %add3A_431, %mul3A_435 : i32
      %dma_start3A_437 = tpu.memref_slice %arg6[%mul3A_436] : memref<8192xf32, #tpu.memory_space<vmem>> -> memref<16xf32, #tpu.memory_space<vmem>>
      %dma_start3A_438 = tpu.memref_slice %arg3[%multiple_of3A_434] : memref<1000000xf32, #tpu.memory_space<hbm>> -> memref<16xf32, #tpu.memory_space<hbm>>
      %dma_start3A_439 = tpu.memref_slice %arg6[%mul3A_436] : memref<8192xf32, #tpu.memory_space<vmem>> -> memref<16xf32, #tpu.memory_space<vmem>>
      %dma_start3A_440 = tpu.memref_slice %arg3[%multiple_of3A_434] : memref<1000000xf32, #tpu.memory_space<hbm>> -> memref<16xf32, #tpu.memory_space<hbm>>
      tpu.enqueue_dma source(%dma_start3A_440 : memref<16xf32, #tpu.memory_space<hbm>>) target(%dma_start3A_439 : memref<16xf32, #tpu.memory_space<vmem>>) target_semaphore(%arg7 : memref<!tpu.dma_semaphore, #tpu.memory_space<semaphore_mem>>)
      %mul3A_441 = arith.constant 64 : i32
      %mul3A_442 = arith.muli %scan3A_11, %mul3A_441 : i32
      %add3A_443 = arith.constant 16 : i32
      %add3A_444 = arith.addi %mul3A_442, %add3A_443 : i32
      %add3A_445 = arith.constant 12 : i32
      %add3A_446 = arith.addi %add3A_444, %add3A_445 : i32
      %slice3A_447 = vector.extract_strided_slice %get3A_260 {offsets = [12], sizes = [1], strides = [1]} : vector<16xi32> to vector<1xi32>
      %squeeze3A_448 = vector.extract %slice3A_447[0] : i32 from vector<1xi32>
      %multiple_of3A_449 = tpu.assume_multiple %squeeze3A_448, 16 : i32
      %mul3A_450 = arith.constant 16 : i32
      %mul3A_451 = arith.muli %add3A_446, %mul3A_450 : i32
      %dma_start3A_452 = tpu.memref_slice %arg6[%mul3A_451] : memref<8192xf32, #tpu.memory_space<vmem>> -> memref<16xf32, #tpu.memory_space<vmem>>
      %dma_start3A_453 = tpu.memref_slice %arg3[%multiple_of3A_449] : memref<1000000xf32, #tpu.memory_space<hbm>> -> memref<16xf32, #tpu.memory_space<hbm>>
      %dma_start3A_454 = tpu.memref_slice %arg6[%mul3A_451] : memref<8192xf32, #tpu.memory_space<vmem>> -> memref<16xf32, #tpu.memory_space<vmem>>
      %dma_start3A_455 = tpu.memref_slice %arg3[%multiple_of3A_449] : memref<1000000xf32, #tpu.memory_space<hbm>> -> memref<16xf32, #tpu.memory_space<hbm>>
      tpu.enqueue_dma source(%dma_start3A_455 : memref<16xf32, #tpu.memory_space<hbm>>) target(%dma_start3A_454 : memref<16xf32, #tpu.memory_space<vmem>>) target_semaphore(%arg7 : memref<!tpu.dma_semaphore, #tpu.memory_space<semaphore_mem>>)
      %mul3A_456 = arith.constant 64 : i32
      %mul3A_457 = arith.muli %scan3A_11, %mul3A_456 : i32
      %add3A_458 = arith.constant 16 : i32
      %add3A_459 = arith.addi %mul3A_457, %add3A_458 : i32
      %add3A_460 = arith.constant 13 : i32
      %add3A_461 = arith.addi %add3A_459, %add3A_460 : i32
      %slice3A_462 = vector.extract_strided_slice %get3A_260 {offsets = [13], sizes = [1], strides = [1]} : vector<16xi32> to vector<1xi32>
      %squeeze3A_463 = vector.extract %slice3A_462[0] : i32 from vector<1xi32>
      %multiple_of3A_464 = tpu.assume_multiple %squeeze3A_463, 16 : i32
      %mul3A_465 = arith.constant 16 : i32
      %mul3A_466 = arith.muli %add3A_461, %mul3A_465 : i32
      %dma_start3A_467 = tpu.memref_slice %arg6[%mul3A_466] : memref<8192xf32, #tpu.memory_space<vmem>> -> memref<16xf32, #tpu.memory_space<vmem>>
      %dma_start3A_468 = tpu.memref_slice %arg3[%multiple_of3A_464] : memref<1000000xf32, #tpu.memory_space<hbm>> -> memref<16xf32, #tpu.memory_space<hbm>>
      %dma_start3A_469 = tpu.memref_slice %arg6[%mul3A_466] : memref<8192xf32, #tpu.memory_space<vmem>> -> memref<16xf32, #tpu.memory_space<vmem>>
      %dma_start3A_470 = tpu.memref_slice %arg3[%multiple_of3A_464] : memref<1000000xf32, #tpu.memory_space<hbm>> -> memref<16xf32, #tpu.memory_space<hbm>>
      tpu.enqueue_dma source(%dma_start3A_470 : memref<16xf32, #tpu.memory_space<hbm>>) target(%dma_start3A_469 : memref<16xf32, #tpu.memory_space<vmem>>) target_semaphore(%arg7 : memref<!tpu.dma_semaphore, #tpu.memory_space<semaphore_mem>>)
      %mul3A_471 = arith.constant 64 : i32
      %mul3A_472 = arith.muli %scan3A_11, %mul3A_471 : i32
      %add3A_473 = arith.constant 16 : i32
      %add3A_474 = arith.addi %mul3A_472, %add3A_473 : i32
      %add3A_475 = arith.constant 14 : i32
      %add3A_476 = arith.addi %add3A_474, %add3A_475 : i32
      %slice3A_477 = vector.extract_strided_slice %get3A_260 {offsets = [14], sizes = [1], strides = [1]} : vector<16xi32> to vector<1xi32>
      %squeeze3A_478 = vector.extract %slice3A_477[0] : i32 from vector<1xi32>
      %multiple_of3A_479 = tpu.assume_multiple %squeeze3A_478, 16 : i32
      %mul3A_480 = arith.constant 16 : i32
      %mul3A_481 = arith.muli %add3A_476, %mul3A_480 : i32
      %dma_start3A_482 = tpu.memref_slice %arg6[%mul3A_481] : memref<8192xf32, #tpu.memory_space<vmem>> -> memref<16xf32, #tpu.memory_space<vmem>>
      %dma_start3A_483 = tpu.memref_slice %arg3[%multiple_of3A_479] : memref<1000000xf32, #tpu.memory_space<hbm>> -> memref<16xf32, #tpu.memory_space<hbm>>
      %dma_start3A_484 = tpu.memref_slice %arg6[%mul3A_481] : memref<8192xf32, #tpu.memory_space<vmem>> -> memref<16xf32, #tpu.memory_space<vmem>>
      %dma_start3A_485 = tpu.memref_slice %arg3[%multiple_of3A_479] : memref<1000000xf32, #tpu.memory_space<hbm>> -> memref<16xf32, #tpu.memory_space<hbm>>
      tpu.enqueue_dma source(%dma_start3A_485 : memref<16xf32, #tpu.memory_space<hbm>>) target(%dma_start3A_484 : memref<16xf32, #tpu.memory_space<vmem>>) target_semaphore(%arg7 : memref<!tpu.dma_semaphore, #tpu.memory_space<semaphore_mem>>)
      %mul3A_486 = arith.constant 64 : i32
      %mul3A_487 = arith.muli %scan3A_11, %mul3A_486 : i32
      %add3A_488 = arith.constant 16 : i32
      %add3A_489 = arith.addi %mul3A_487, %add3A_488 : i32
      %add3A_490 = arith.constant 15 : i32
      %add3A_491 = arith.addi %add3A_489, %add3A_490 : i32
      %slice3A_492 = vector.extract_strided_slice %get3A_260 {offsets = [15], sizes = [1], strides = [1]} : vector<16xi32> to vector<1xi32>
      %squeeze3A_493 = vector.extract %slice3A_492[0] : i32 from vector<1xi32>
      %multiple_of3A_494 = tpu.assume_multiple %squeeze3A_493, 16 : i32
      %mul3A_495 = arith.constant 16 : i32
      %mul3A_496 = arith.muli %add3A_491, %mul3A_495 : i32
      %dma_start3A_497 = tpu.memref_slice %arg6[%mul3A_496] : memref<8192xf32, #tpu.memory_space<vmem>> -> memref<16xf32, #tpu.memory_space<vmem>>
      %dma_start3A_498 = tpu.memref_slice %arg3[%multiple_of3A_494] : memref<1000000xf32, #tpu.memory_space<hbm>> -> memref<16xf32, #tpu.memory_space<hbm>>
      %dma_start3A_499 = tpu.memref_slice %arg6[%mul3A_496] : memref<8192xf32, #tpu.memory_space<vmem>> -> memref<16xf32, #tpu.memory_space<vmem>>
      %dma_start3A_500 = tpu.memref_slice %arg3[%multiple_of3A_494] : memref<1000000xf32, #tpu.memory_space<hbm>> -> memref<16xf32, #tpu.memory_space<hbm>>
      tpu.enqueue_dma source(%dma_start3A_500 : memref<16xf32, #tpu.memory_space<hbm>>) target(%dma_start3A_499 : memref<16xf32, #tpu.memory_space<vmem>>) target_semaphore(%arg7 : memref<!tpu.dma_semaphore, #tpu.memory_space<semaphore_mem>>)
      %mul3A_501 = arith.constant 64 : i32
      %mul3A_502 = arith.muli %scan3A_11, %mul3A_501 : i32
      %add3A_503 = arith.constant 32 : i32
      %add3A_504 = arith.addi %mul3A_502, %add3A_503 : i32
      %get3A_505 = arith.index_cast %add3A_504 : i32 to index
      %get3A_506 = tpu.vector_load %arg5[%get3A_505] {strides = array<i32>} : memref<512xi32, #tpu.memory_space<vmem>>, vector<16xi32>,
      %get3A_507 = vector.shape_cast %get3A_506 : vector<16xi32> to vector<16xi32>
      %mul3A_508 = arith.constant 64 : i32
      %mul3A_509 = arith.muli %scan3A_11, %mul3A_508 : i32
      %add3A_510 = arith.constant 32 : i32
      %add3A_511 = arith.addi %mul3A_509, %add3A_510 : i32
      %add3A_512 = arith.constant 0 : i32
      %add3A_513 = arith.addi %add3A_511, %add3A_512 : i32
      %slice3A_514 = vector.extract_strided_slice %get3A_507 {offsets = [0], sizes = [1], strides = [1]} : vector<16xi32> to vector<1xi32>
      %squeeze3A_515 = vector.extract %slice3A_514[0] : i32 from vector<1xi32>
      %multiple_of3A_516 = tpu.assume_multiple %squeeze3A_515, 16 : i32
      %mul3A_517 = arith.constant 16 : i32
      %mul3A_518 = arith.muli %add3A_513, %mul3A_517 : i32
      %dma_start3A_519 = tpu.memref_slice %arg6[%mul3A_518] : memref<8192xf32, #tpu.memory_space<vmem>> -> memref<16xf32, #tpu.memory_space<vmem>>
      %dma_start3A_520 = tpu.memref_slice %arg3[%multiple_of3A_516] : memref<1000000xf32, #tpu.memory_space<hbm>> -> memref<16xf32, #tpu.memory_space<hbm>>
      %dma_start3A_521 = tpu.memref_slice %arg6[%mul3A_518] : memref<8192xf32, #tpu.memory_space<vmem>> -> memref<16xf32, #tpu.memory_space<vmem>>
      %dma_start3A_522 = tpu.memref_slice %arg3[%multiple_of3A_516] : memref<1000000xf32, #tpu.memory_space<hbm>> -> memref<16xf32, #tpu.memory_space<hbm>>
      tpu.enqueue_dma source(%dma_start3A_522 : memref<16xf32, #tpu.memory_space<hbm>>) target(%dma_start3A_521 : memref<16xf32, #tpu.memory_space<vmem>>) target_semaphore(%arg7 : memref<!tpu.dma_semaphore, #tpu.memory_space<semaphore_mem>>)
      %mul3A_523 = arith.constant 64 : i32
      %mul3A_524 = arith.muli %scan3A_11, %mul3A_523 : i32
      %add3A_525 = arith.constant 32 : i32
      %add3A_526 = arith.addi %mul3A_524, %add3A_525 : i32
      %add3A_527 = arith.constant 1 : i32
      %add3A_528 = arith.addi %add3A_526, %add3A_527 : i32
      %slice3A_529 = vector.extract_strided_slice %get3A_507 {offsets = [1], sizes = [1], strides = [1]} : vector<16xi32> to vector<1xi32>
      %squeeze3A_530 = vector.extract %slice3A_529[0] : i32 from vector<1xi32>
      %multiple_of3A_531 = tpu.assume_multiple %squeeze3A_530, 16 : i32
      %mul3A_532 = arith.constant 16 : i32
      %mul3A_533 = arith.muli %add3A_528, %mul3A_532 : i32
      %dma_start3A_534 = tpu.memref_slice %arg6[%mul3A_533] : memref<8192xf32, #tpu.memory_space<vmem>> -> memref<16xf32, #tpu.memory_space<vmem>>
      %dma_start3A_535 = tpu.memref_slice %arg3[%multiple_of3A_531] : memref<1000000xf32, #tpu.memory_space<hbm>> -> memref<16xf32, #tpu.memory_space<hbm>>
      %dma_start3A_536 = tpu.memref_slice %arg6[%mul3A_533] : memref<8192xf32, #tpu.memory_space<vmem>> -> memref<16xf32, #tpu.memory_space<vmem>>
      %dma_start3A_537 = tpu.memref_slice %arg3[%multiple_of3A_531] : memref<1000000xf32, #tpu.memory_space<hbm>> -> memref<16xf32, #tpu.memory_space<hbm>>
      tpu.enqueue_dma source(%dma_start3A_537 : memref<16xf32, #tpu.memory_space<hbm>>) target(%dma_start3A_536 : memref<16xf32, #tpu.memory_space<vmem>>) target_semaphore(%arg7 : memref<!tpu.dma_semaphore, #tpu.memory_space<semaphore_mem>>)
      %mul3A_538 = arith.constant 64 : i32
      %mul3A_539 = arith.muli %scan3A_11, %mul3A_538 : i32
      %add3A_540 = arith.constant 32 : i32
      %add3A_541 = arith.addi %mul3A_539, %add3A_540 : i32
      %add3A_542 = arith.constant 2 : i32
      %add3A_543 = arith.addi %add3A_541, %add3A_542 : i32
      %slice3A_544 = vector.extract_strided_slice %get3A_507 {offsets = [2], sizes = [1], strides = [1]} : vector<16xi32> to vector<1xi32>
      %squeeze3A_545 = vector.extract %slice3A_544[0] : i32 from vector<1xi32>
      %multiple_of3A_546 = tpu.assume_multiple %squeeze3A_545, 16 : i32
      %mul3A_547 = arith.constant 16 : i32
      %mul3A_548 = arith.muli %add3A_543, %mul3A_547 : i32
      %dma_start3A_549 = tpu.memref_slice %arg6[%mul3A_548] : memref<8192xf32, #tpu.memory_space<vmem>> -> memref<16xf32, #tpu.memory_space<vmem>>
      %dma_start3A_550 = tpu.memref_slice %arg3[%multiple_of3A_546] : memref<1000000xf32, #tpu.memory_space<hbm>> -> memref<16xf32, #tpu.memory_space<hbm>>
      %dma_start3A_551 = tpu.memref_slice %arg6[%mul3A_548] : memref<8192xf32, #tpu.memory_space<vmem>> -> memref<16xf32, #tpu.memory_space<vmem>>
      %dma_start3A_552 = tpu.memref_slice %arg3[%multiple_of3A_546] : memref<1000000xf32, #tpu.memory_space<hbm>> -> memref<16xf32, #tpu.memory_space<hbm>>
      tpu.enqueue_dma source(%dma_start3A_552 : memref<16xf32, #tpu.memory_space<hbm>>) target(%dma_start3A_551 : memref<16xf32, #tpu.memory_space<vmem>>) target_semaphore(%arg7 : memref<!tpu.dma_semaphore, #tpu.memory_space<semaphore_mem>>)
      %mul3A_553 = arith.constant 64 : i32
      %mul3A_554 = arith.muli %scan3A_11, %mul3A_553 : i32
      %add3A_555 = arith.constant 32 : i32
      %add3A_556 = arith.addi %mul3A_554, %add3A_555 : i32
      %add3A_557 = arith.constant 3 : i32
      %add3A_558 = arith.addi %add3A_556, %add3A_557 : i32
      %slice3A_559 = vector.extract_strided_slice %get3A_507 {offsets = [3], sizes = [1], strides = [1]} : vector<16xi32> to vector<1xi32>
      %squeeze3A_560 = vector.extract %slice3A_559[0] : i32 from vector<1xi32>
      %multiple_of3A_561 = tpu.assume_multiple %squeeze3A_560, 16 : i32
      %mul3A_562 = arith.constant 16 : i32
      %mul3A_563 = arith.muli %add3A_558, %mul3A_562 : i32
      %dma_start3A_564 = tpu.memref_slice %arg6[%mul3A_563] : memref<8192xf32, #tpu.memory_space<vmem>> -> memref<16xf32, #tpu.memory_space<vmem>>
      %dma_start3A_565 = tpu.memref_slice %arg3[%multiple_of3A_561] : memref<1000000xf32, #tpu.memory_space<hbm>> -> memref<16xf32, #tpu.memory_space<hbm>>
      %dma_start3A_566 = tpu.memref_slice %arg6[%mul3A_563] : memref<8192xf32, #tpu.memory_space<vmem>> -> memref<16xf32, #tpu.memory_space<vmem>>
      %dma_start3A_567 = tpu.memref_slice %arg3[%multiple_of3A_561] : memref<1000000xf32, #tpu.memory_space<hbm>> -> memref<16xf32, #tpu.memory_space<hbm>>
      tpu.enqueue_dma source(%dma_start3A_567 : memref<16xf32, #tpu.memory_space<hbm>>) target(%dma_start3A_566 : memref<16xf32, #tpu.memory_space<vmem>>) target_semaphore(%arg7 : memref<!tpu.dma_semaphore, #tpu.memory_space<semaphore_mem>>)
      %mul3A_568 = arith.constant 64 : i32
      %mul3A_569 = arith.muli %scan3A_11, %mul3A_568 : i32
      %add3A_570 = arith.constant 32 : i32
      %add3A_571 = arith.addi %mul3A_569, %add3A_570 : i32
      %add3A_572 = arith.constant 4 : i32
      %add3A_573 = arith.addi %add3A_571, %add3A_572 : i32
      %slice3A_574 = vector.extract_strided_slice %get3A_507 {offsets = [4], sizes = [1], strides = [1]} : vector<16xi32> to vector<1xi32>
      %squeeze3A_575 = vector.extract %slice3A_574[0] : i32 from vector<1xi32>
      %multiple_of3A_576 = tpu.assume_multiple %squeeze3A_575, 16 : i32
      %mul3A_577 = arith.constant 16 : i32
      %mul3A_578 = arith.muli %add3A_573, %mul3A_577 : i32
      %dma_start3A_579 = tpu.memref_slice %arg6[%mul3A_578] : memref<8192xf32, #tpu.memory_space<vmem>> -> memref<16xf32, #tpu.memory_space<vmem>>
      %dma_start3A_580 = tpu.memref_slice %arg3[%multiple_of3A_576] : memref<1000000xf32, #tpu.memory_space<hbm>> -> memref<16xf32, #tpu.memory_space<hbm>>
      %dma_start3A_581 = tpu.memref_slice %arg6[%mul3A_578] : memref<8192xf32, #tpu.memory_space<vmem>> -> memref<16xf32, #tpu.memory_space<vmem>>
      %dma_start3A_582 = tpu.memref_slice %arg3[%multiple_of3A_576] : memref<1000000xf32, #tpu.memory_space<hbm>> -> memref<16xf32, #tpu.memory_space<hbm>>
      tpu.enqueue_dma source(%dma_start3A_582 : memref<16xf32, #tpu.memory_space<hbm>>) target(%dma_start3A_581 : memref<16xf32, #tpu.memory_space<vmem>>) target_semaphore(%arg7 : memref<!tpu.dma_semaphore, #tpu.memory_space<semaphore_mem>>)
      %mul3A_583 = arith.constant 64 : i32
      %mul3A_584 = arith.muli %scan3A_11, %mul3A_583 : i32
      %add3A_585 = arith.constant 32 : i32
      %add3A_586 = arith.addi %mul3A_584, %add3A_585 : i32
      %add3A_587 = arith.constant 5 : i32
      %add3A_588 = arith.addi %add3A_586, %add3A_587 : i32
      %slice3A_589 = vector.extract_strided_slice %get3A_507 {offsets = [5], sizes = [1], strides = [1]} : vector<16xi32> to vector<1xi32>
      %squeeze3A_590 = vector.extract %slice3A_589[0] : i32 from vector<1xi32>
      %multiple_of3A_591 = tpu.assume_multiple %squeeze3A_590, 16 : i32
      %mul3A_592 = arith.constant 16 : i32
      %mul3A_593 = arith.muli %add3A_588, %mul3A_592 : i32
      %dma_start3A_594 = tpu.memref_slice %arg6[%mul3A_593] : memref<8192xf32, #tpu.memory_space<vmem>> -> memref<16xf32, #tpu.memory_space<vmem>>
      %dma_start3A_595 = tpu.memref_slice %arg3[%multiple_of3A_591] : memref<1000000xf32, #tpu.memory_space<hbm>> -> memref<16xf32, #tpu.memory_space<hbm>>
      %dma_start3A_596 = tpu.memref_slice %arg6[%mul3A_593] : memref<8192xf32, #tpu.memory_space<vmem>> -> memref<16xf32, #tpu.memory_space<vmem>>
      %dma_start3A_597 = tpu.memref_slice %arg3[%multiple_of3A_591] : memref<1000000xf32, #tpu.memory_space<hbm>> -> memref<16xf32, #tpu.memory_space<hbm>>
      tpu.enqueue_dma source(%dma_start3A_597 : memref<16xf32, #tpu.memory_space<hbm>>) target(%dma_start3A_596 : memref<16xf32, #tpu.memory_space<vmem>>) target_semaphore(%arg7 : memref<!tpu.dma_semaphore, #tpu.memory_space<semaphore_mem>>)
      %mul3A_598 = arith.constant 64 : i32
      %mul3A_599 = arith.muli %scan3A_11, %mul3A_598 : i32
      %add3A_600 = arith.constant 32 : i32
      %add3A_601 = arith.addi %mul3A_599, %add3A_600 : i32
      %add3A_602 = arith.constant 6 : i32
      %add3A_603 = arith.addi %add3A_601, %add3A_602 : i32
      %slice3A_604 = vector.extract_strided_slice %get3A_507 {offsets = [6], sizes = [1], strides = [1]} : vector<16xi32> to vector<1xi32>
      %squeeze3A_605 = vector.extract %slice3A_604[0] : i32 from vector<1xi32>
      %multiple_of3A_606 = tpu.assume_multiple %squeeze3A_605, 16 : i32
      %mul3A_607 = arith.constant 16 : i32
      %mul3A_608 = arith.muli %add3A_603, %mul3A_607 : i32
      %dma_start3A_609 = tpu.memref_slice %arg6[%mul3A_608] : memref<8192xf32, #tpu.memory_space<vmem>> -> memref<16xf32, #tpu.memory_space<vmem>>
      %dma_start3A_610 = tpu.memref_slice %arg3[%multiple_of3A_606] : memref<1000000xf32, #tpu.memory_space<hbm>> -> memref<16xf32, #tpu.memory_space<hbm>>
      %dma_start3A_611 = tpu.memref_slice %arg6[%mul3A_608] : memref<8192xf32, #tpu.memory_space<vmem>> -> memref<16xf32, #tpu.memory_space<vmem>>
      %dma_start3A_612 = tpu.memref_slice %arg3[%multiple_of3A_606] : memref<1000000xf32, #tpu.memory_space<hbm>> -> memref<16xf32, #tpu.memory_space<hbm>>
      tpu.enqueue_dma source(%dma_start3A_612 : memref<16xf32, #tpu.memory_space<hbm>>) target(%dma_start3A_611 : memref<16xf32, #tpu.memory_space<vmem>>) target_semaphore(%arg7 : memref<!tpu.dma_semaphore, #tpu.memory_space<semaphore_mem>>)
      %mul3A_613 = arith.constant 64 : i32
      %mul3A_614 = arith.muli %scan3A_11, %mul3A_613 : i32
      %add3A_615 = arith.constant 32 : i32
      %add3A_616 = arith.addi %mul3A_614, %add3A_615 : i32
      %add3A_617 = arith.constant 7 : i32
      %add3A_618 = arith.addi %add3A_616, %add3A_617 : i32
      %slice3A_619 = vector.extract_strided_slice %get3A_507 {offsets = [7], sizes = [1], strides = [1]} : vector<16xi32> to vector<1xi32>
      %squeeze3A_620 = vector.extract %slice3A_619[0] : i32 from vector<1xi32>
      %multiple_of3A_621 = tpu.assume_multiple %squeeze3A_620, 16 : i32
      %mul3A_622 = arith.constant 16 : i32
      %mul3A_623 = arith.muli %add3A_618, %mul3A_622 : i32
      %dma_start3A_624 = tpu.memref_slice %arg6[%mul3A_623] : memref<8192xf32, #tpu.memory_space<vmem>> -> memref<16xf32, #tpu.memory_space<vmem>>
      %dma_start3A_625 = tpu.memref_slice %arg3[%multiple_of3A_621] : memref<1000000xf32, #tpu.memory_space<hbm>> -> memref<16xf32, #tpu.memory_space<hbm>>
      %dma_start3A_626 = tpu.memref_slice %arg6[%mul3A_623] : memref<8192xf32, #tpu.memory_space<vmem>> -> memref<16xf32, #tpu.memory_space<vmem>>
      %dma_start3A_627 = tpu.memref_slice %arg3[%multiple_of3A_621] : memref<1000000xf32, #tpu.memory_space<hbm>> -> memref<16xf32, #tpu.memory_space<hbm>>
      tpu.enqueue_dma source(%dma_start3A_627 : memref<16xf32, #tpu.memory_space<hbm>>) target(%dma_start3A_626 : memref<16xf32, #tpu.memory_space<vmem>>) target_semaphore(%arg7 : memref<!tpu.dma_semaphore, #tpu.memory_space<semaphore_mem>>)
      %mul3A_628 = arith.constant 64 : i32
      %mul3A_629 = arith.muli %scan3A_11, %mul3A_628 : i32
      %add3A_630 = arith.constant 32 : i32
      %add3A_631 = arith.addi %mul3A_629, %add3A_630 : i32
      %add3A_632 = arith.constant 8 : i32
      %add3A_633 = arith.addi %add3A_631, %add3A_632 : i32
      %slice3A_634 = vector.extract_strided_slice %get3A_507 {offsets = [8], sizes = [1], strides = [1]} : vector<16xi32> to vector<1xi32>
      %squeeze3A_635 = vector.extract %slice3A_634[0] : i32 from vector<1xi32>
      %multiple_of3A_636 = tpu.assume_multiple %squeeze3A_635, 16 : i32
      %mul3A_637 = arith.constant 16 : i32
      %mul3A_638 = arith.muli %add3A_633, %mul3A_637 : i32
      %dma_start3A_639 = tpu.memref_slice %arg6[%mul3A_638] : memref<8192xf32, #tpu.memory_space<vmem>> -> memref<16xf32, #tpu.memory_space<vmem>>
      %dma_start3A_640 = tpu.memref_slice %arg3[%multiple_of3A_636] : memref<1000000xf32, #tpu.memory_space<hbm>> -> memref<16xf32, #tpu.memory_space<hbm>>
      %dma_start3A_641 = tpu.memref_slice %arg6[%mul3A_638] : memref<8192xf32, #tpu.memory_space<vmem>> -> memref<16xf32, #tpu.memory_space<vmem>>
      %dma_start3A_642 = tpu.memref_slice %arg3[%multiple_of3A_636] : memref<1000000xf32, #tpu.memory_space<hbm>> -> memref<16xf32, #tpu.memory_space<hbm>>
      tpu.enqueue_dma source(%dma_start3A_642 : memref<16xf32, #tpu.memory_space<hbm>>) target(%dma_start3A_641 : memref<16xf32, #tpu.memory_space<vmem>>) target_semaphore(%arg7 : memref<!tpu.dma_semaphore, #tpu.memory_space<semaphore_mem>>)
      %mul3A_643 = arith.constant 64 : i32
      %mul3A_644 = arith.muli %scan3A_11, %mul3A_643 : i32
      %add3A_645 = arith.constant 32 : i32
      %add3A_646 = arith.addi %mul3A_644, %add3A_645 : i32
      %add3A_647 = arith.constant 9 : i32
      %add3A_648 = arith.addi %add3A_646, %add3A_647 : i32
      %slice3A_649 = vector.extract_strided_slice %get3A_507 {offsets = [9], sizes = [1], strides = [1]} : vector<16xi32> to vector<1xi32>
      %squeeze3A_650 = vector.extract %slice3A_649[0] : i32 from vector<1xi32>
      %multiple_of3A_651 = tpu.assume_multiple %squeeze3A_650, 16 : i32
      %mul3A_652 = arith.constant 16 : i32
      %mul3A_653 = arith.muli %add3A_648, %mul3A_652 : i32
      %dma_start3A_654 = tpu.memref_slice %arg6[%mul3A_653] : memref<8192xf32, #tpu.memory_space<vmem>> -> memref<16xf32, #tpu.memory_space<vmem>>
      %dma_start3A_655 = tpu.memref_slice %arg3[%multiple_of3A_651] : memref<1000000xf32, #tpu.memory_space<hbm>> -> memref<16xf32, #tpu.memory_space<hbm>>
      %dma_start3A_656 = tpu.memref_slice %arg6[%mul3A_653] : memref<8192xf32, #tpu.memory_space<vmem>> -> memref<16xf32, #tpu.memory_space<vmem>>
      %dma_start3A_657 = tpu.memref_slice %arg3[%multiple_of3A_651] : memref<1000000xf32, #tpu.memory_space<hbm>> -> memref<16xf32, #tpu.memory_space<hbm>>
      tpu.enqueue_dma source(%dma_start3A_657 : memref<16xf32, #tpu.memory_space<hbm>>) target(%dma_start3A_656 : memref<16xf32, #tpu.memory_space<vmem>>) target_semaphore(%arg7 : memref<!tpu.dma_semaphore, #tpu.memory_space<semaphore_mem>>)
      %mul3A_658 = arith.constant 64 : i32
      %mul3A_659 = arith.muli %scan3A_11, %mul3A_658 : i32
      %add3A_660 = arith.constant 32 : i32
      %add3A_661 = arith.addi %mul3A_659, %add3A_660 : i32
      %add3A_662 = arith.constant 10 : i32
      %add3A_663 = arith.addi %add3A_661, %add3A_662 : i32
      %slice3A_664 = vector.extract_strided_slice %get3A_507 {offsets = [10], sizes = [1], strides = [1]} : vector<16xi32> to vector<1xi32>
      %squeeze3A_665 = vector.extract %slice3A_664[0] : i32 from vector<1xi32>
      %multiple_of3A_666 = tpu.assume_multiple %squeeze3A_665, 16 : i32
      %mul3A_667 = arith.constant 16 : i32
      %mul3A_668 = arith.muli %add3A_663, %mul3A_667 : i32
      %dma_start3A_669 = tpu.memref_slice %arg6[%mul3A_668] : memref<8192xf32, #tpu.memory_space<vmem>> -> memref<16xf32, #tpu.memory_space<vmem>>
      %dma_start3A_670 = tpu.memref_slice %arg3[%multiple_of3A_666] : memref<1000000xf32, #tpu.memory_space<hbm>> -> memref<16xf32, #tpu.memory_space<hbm>>
      %dma_start3A_671 = tpu.memref_slice %arg6[%mul3A_668] : memref<8192xf32, #tpu.memory_space<vmem>> -> memref<16xf32, #tpu.memory_space<vmem>>
      %dma_start3A_672 = tpu.memref_slice %arg3[%multiple_of3A_666] : memref<1000000xf32, #tpu.memory_space<hbm>> -> memref<16xf32, #tpu.memory_space<hbm>>
      tpu.enqueue_dma source(%dma_start3A_672 : memref<16xf32, #tpu.memory_space<hbm>>) target(%dma_start3A_671 : memref<16xf32, #tpu.memory_space<vmem>>) target_semaphore(%arg7 : memref<!tpu.dma_semaphore, #tpu.memory_space<semaphore_mem>>)
      %mul3A_673 = arith.constant 64 : i32
      %mul3A_674 = arith.muli %scan3A_11, %mul3A_673 : i32
      %add3A_675 = arith.constant 32 : i32
      %add3A_676 = arith.addi %mul3A_674, %add3A_675 : i32
      %add3A_677 = arith.constant 11 : i32
      %add3A_678 = arith.addi %add3A_676, %add3A_677 : i32
      %slice3A_679 = vector.extract_strided_slice %get3A_507 {offsets = [11], sizes = [1], strides = [1]} : vector<16xi32> to vector<1xi32>
      %squeeze3A_680 = vector.extract %slice3A_679[0] : i32 from vector<1xi32>
      %multiple_of3A_681 = tpu.assume_multiple %squeeze3A_680, 16 : i32
      %mul3A_682 = arith.constant 16 : i32
      %mul3A_683 = arith.muli %add3A_678, %mul3A_682 : i32
      %dma_start3A_684 = tpu.memref_slice %arg6[%mul3A_683] : memref<8192xf32, #tpu.memory_space<vmem>> -> memref<16xf32, #tpu.memory_space<vmem>>
      %dma_start3A_685 = tpu.memref_slice %arg3[%multiple_of3A_681] : memref<1000000xf32, #tpu.memory_space<hbm>> -> memref<16xf32, #tpu.memory_space<hbm>>
      %dma_start3A_686 = tpu.memref_slice %arg6[%mul3A_683] : memref<8192xf32, #tpu.memory_space<vmem>> -> memref<16xf32, #tpu.memory_space<vmem>>
      %dma_start3A_687 = tpu.memref_slice %arg3[%multiple_of3A_681] : memref<1000000xf32, #tpu.memory_space<hbm>> -> memref<16xf32, #tpu.memory_space<hbm>>
      tpu.enqueue_dma source(%dma_start3A_687 : memref<16xf32, #tpu.memory_space<hbm>>) target(%dma_start3A_686 : memref<16xf32, #tpu.memory_space<vmem>>) target_semaphore(%arg7 : memref<!tpu.dma_semaphore, #tpu.memory_space<semaphore_mem>>)
      %mul3A_688 = arith.constant 64 : i32
      %mul3A_689 = arith.muli %scan3A_11, %mul3A_688 : i32
      %add3A_690 = arith.constant 32 : i32
      %add3A_691 = arith.addi %mul3A_689, %add3A_690 : i32
      %add3A_692 = arith.constant 12 : i32
      %add3A_693 = arith.addi %add3A_691, %add3A_692 : i32
      %slice3A_694 = vector.extract_strided_slice %get3A_507 {offsets = [12], sizes = [1], strides = [1]} : vector<16xi32> to vector<1xi32>
      %squeeze3A_695 = vector.extract %slice3A_694[0] : i32 from vector<1xi32>
      %multiple_of3A_696 = tpu.assume_multiple %squeeze3A_695, 16 : i32
      %mul3A_697 = arith.constant 16 : i32
      %mul3A_698 = arith.muli %add3A_693, %mul3A_697 : i32
      %dma_start3A_699 = tpu.memref_slice %arg6[%mul3A_698] : memref<8192xf32, #tpu.memory_space<vmem>> -> memref<16xf32, #tpu.memory_space<vmem>>
      %dma_start3A_700 = tpu.memref_slice %arg3[%multiple_of3A_696] : memref<1000000xf32, #tpu.memory_space<hbm>> -> memref<16xf32, #tpu.memory_space<hbm>>
      %dma_start3A_701 = tpu.memref_slice %arg6[%mul3A_698] : memref<8192xf32, #tpu.memory_space<vmem>> -> memref<16xf32, #tpu.memory_space<vmem>>
      %dma_start3A_702 = tpu.memref_slice %arg3[%multiple_of3A_696] : memref<1000000xf32, #tpu.memory_space<hbm>> -> memref<16xf32, #tpu.memory_space<hbm>>
      tpu.enqueue_dma source(%dma_start3A_702 : memref<16xf32, #tpu.memory_space<hbm>>) target(%dma_start3A_701 : memref<16xf32, #tpu.memory_space<vmem>>) target_semaphore(%arg7 : memref<!tpu.dma_semaphore, #tpu.memory_space<semaphore_mem>>)
      %mul3A_703 = arith.constant 64 : i32
      %mul3A_704 = arith.muli %scan3A_11, %mul3A_703 : i32
      %add3A_705 = arith.constant 32 : i32
      %add3A_706 = arith.addi %mul3A_704, %add3A_705 : i32
      %add3A_707 = arith.constant 13 : i32
      %add3A_708 = arith.addi %add3A_706, %add3A_707 : i32
      %slice3A_709 = vector.extract_strided_slice %get3A_507 {offsets = [13], sizes = [1], strides = [1]} : vector<16xi32> to vector<1xi32>
      %squeeze3A_710 = vector.extract %slice3A_709[0] : i32 from vector<1xi32>
      %multiple_of3A_711 = tpu.assume_multiple %squeeze3A_710, 16 : i32
      %mul3A_712 = arith.constant 16 : i32
      %mul3A_713 = arith.muli %add3A_708, %mul3A_712 : i32
      %dma_start3A_714 = tpu.memref_slice %arg6[%mul3A_713] : memref<8192xf32, #tpu.memory_space<vmem>> -> memref<16xf32, #tpu.memory_space<vmem>>
      %dma_start3A_715 = tpu.memref_slice %arg3[%multiple_of3A_711] : memref<1000000xf32, #tpu.memory_space<hbm>> -> memref<16xf32, #tpu.memory_space<hbm>>
      %dma_start3A_716 = tpu.memref_slice %arg6[%mul3A_713] : memref<8192xf32, #tpu.memory_space<vmem>> -> memref<16xf32, #tpu.memory_space<vmem>>
      %dma_start3A_717 = tpu.memref_slice %arg3[%multiple_of3A_711] : memref<1000000xf32, #tpu.memory_space<hbm>> -> memref<16xf32, #tpu.memory_space<hbm>>
      tpu.enqueue_dma source(%dma_start3A_717 : memref<16xf32, #tpu.memory_space<hbm>>) target(%dma_start3A_716 : memref<16xf32, #tpu.memory_space<vmem>>) target_semaphore(%arg7 : memref<!tpu.dma_semaphore, #tpu.memory_space<semaphore_mem>>)
      %mul3A_718 = arith.constant 64 : i32
      %mul3A_719 = arith.muli %scan3A_11, %mul3A_718 : i32
      %add3A_720 = arith.constant 32 : i32
      %add3A_721 = arith.addi %mul3A_719, %add3A_720 : i32
      %add3A_722 = arith.constant 14 : i32
      %add3A_723 = arith.addi %add3A_721, %add3A_722 : i32
      %slice3A_724 = vector.extract_strided_slice %get3A_507 {offsets = [14], sizes = [1], strides = [1]} : vector<16xi32> to vector<1xi32>
      %squeeze3A_725 = vector.extract %slice3A_724[0] : i32 from vector<1xi32>
      %multiple_of3A_726 = tpu.assume_multiple %squeeze3A_725, 16 : i32
      %mul3A_727 = arith.constant 16 : i32
      %mul3A_728 = arith.muli %add3A_723, %mul3A_727 : i32
      %dma_start3A_729 = tpu.memref_slice %arg6[%mul3A_728] : memref<8192xf32, #tpu.memory_space<vmem>> -> memref<16xf32, #tpu.memory_space<vmem>>
      %dma_start3A_730 = tpu.memref_slice %arg3[%multiple_of3A_726] : memref<1000000xf32, #tpu.memory_space<hbm>> -> memref<16xf32, #tpu.memory_space<hbm>>
      %dma_start3A_731 = tpu.memref_slice %arg6[%mul3A_728] : memref<8192xf32, #tpu.memory_space<vmem>> -> memref<16xf32, #tpu.memory_space<vmem>>
      %dma_start3A_732 = tpu.memref_slice %arg3[%multiple_of3A_726] : memref<1000000xf32, #tpu.memory_space<hbm>> -> memref<16xf32, #tpu.memory_space<hbm>>
      tpu.enqueue_dma source(%dma_start3A_732 : memref<16xf32, #tpu.memory_space<hbm>>) target(%dma_start3A_731 : memref<16xf32, #tpu.memory_space<vmem>>) target_semaphore(%arg7 : memref<!tpu.dma_semaphore, #tpu.memory_space<semaphore_mem>>)
      %mul3A_733 = arith.constant 64 : i32
      %mul3A_734 = arith.muli %scan3A_11, %mul3A_733 : i32
      %add3A_735 = arith.constant 32 : i32
      %add3A_736 = arith.addi %mul3A_734, %add3A_735 : i32
      %add3A_737 = arith.constant 15 : i32
      %add3A_738 = arith.addi %add3A_736, %add3A_737 : i32
      %slice3A_739 = vector.extract_strided_slice %get3A_507 {offsets = [15], sizes = [1], strides = [1]} : vector<16xi32> to vector<1xi32>
      %squeeze3A_740 = vector.extract %slice3A_739[0] : i32 from vector<1xi32>
      %multiple_of3A_741 = tpu.assume_multiple %squeeze3A_740, 16 : i32
      %mul3A_742 = arith.constant 16 : i32
      %mul3A_743 = arith.muli %add3A_738, %mul3A_742 : i32
      %dma_start3A_744 = tpu.memref_slice %arg6[%mul3A_743] : memref<8192xf32, #tpu.memory_space<vmem>> -> memref<16xf32, #tpu.memory_space<vmem>>
      %dma_start3A_745 = tpu.memref_slice %arg3[%multiple_of3A_741] : memref<1000000xf32, #tpu.memory_space<hbm>> -> memref<16xf32, #tpu.memory_space<hbm>>
      %dma_start3A_746 = tpu.memref_slice %arg6[%mul3A_743] : memref<8192xf32, #tpu.memory_space<vmem>> -> memref<16xf32, #tpu.memory_space<vmem>>
      %dma_start3A_747 = tpu.memref_slice %arg3[%multiple_of3A_741] : memref<1000000xf32, #tpu.memory_space<hbm>> -> memref<16xf32, #tpu.memory_space<hbm>>
      tpu.enqueue_dma source(%dma_start3A_747 : memref<16xf32, #tpu.memory_space<hbm>>) target(%dma_start3A_746 : memref<16xf32, #tpu.memory_space<vmem>>) target_semaphore(%arg7 : memref<!tpu.dma_semaphore, #tpu.memory_space<semaphore_mem>>)
      %mul3A_748 = arith.constant 64 : i32
      %mul3A_749 = arith.muli %scan3A_11, %mul3A_748 : i32
      %add3A_750 = arith.constant 48 : i32
      %add3A_751 = arith.addi %mul3A_749, %add3A_750 : i32
      %get3A_752 = arith.index_cast %add3A_751 : i32 to index
      %get3A_753 = tpu.vector_load %arg5[%get3A_752] {strides = array<i32>} : memref<512xi32, #tpu.memory_space<vmem>>, vector<16xi32>,
      %get3A_754 = vector.shape_cast %get3A_753 : vector<16xi32> to vector<16xi32>
      %mul3A_755 = arith.constant 64 : i32
      %mul3A_756 = arith.muli %scan3A_11, %mul3A_755 : i32
      %add3A_757 = arith.constant 48 : i32
      %add3A_758 = arith.addi %mul3A_756, %add3A_757 : i32
      %add3A_759 = arith.constant 0 : i32
      %add3A_760 = arith.addi %add3A_758, %add3A_759 : i32
      %slice3A_761 = vector.extract_strided_slice %get3A_754 {offsets = [0], sizes = [1], strides = [1]} : vector<16xi32> to vector<1xi32>
      %squeeze3A_762 = vector.extract %slice3A_761[0] : i32 from vector<1xi32>
      %multiple_of3A_763 = tpu.assume_multiple %squeeze3A_762, 16 : i32
      %mul3A_764 = arith.constant 16 : i32
      %mul3A_765 = arith.muli %add3A_760, %mul3A_764 : i32
      %dma_start3A_766 = tpu.memref_slice %arg6[%mul3A_765] : memref<8192xf32, #tpu.memory_space<vmem>> -> memref<16xf32, #tpu.memory_space<vmem>>
      %dma_start3A_767 = tpu.memref_slice %arg3[%multiple_of3A_763] : memref<1000000xf32, #tpu.memory_space<hbm>> -> memref<16xf32, #tpu.memory_space<hbm>>
      %dma_start3A_768 = tpu.memref_slice %arg6[%mul3A_765] : memref<8192xf32, #tpu.memory_space<vmem>> -> memref<16xf32, #tpu.memory_space<vmem>>
      %dma_start3A_769 = tpu.memref_slice %arg3[%multiple_of3A_763] : memref<1000000xf32, #tpu.memory_space<hbm>> -> memref<16xf32, #tpu.memory_space<hbm>>
      tpu.enqueue_dma source(%dma_start3A_769 : memref<16xf32, #tpu.memory_space<hbm>>) target(%dma_start3A_768 : memref<16xf32, #tpu.memory_space<vmem>>) target_semaphore(%arg7 : memref<!tpu.dma_semaphore, #tpu.memory_space<semaphore_mem>>)
      %mul3A_770 = arith.constant 64 : i32
      %mul3A_771 = arith.muli %scan3A_11, %mul3A_770 : i32
      %add3A_772 = arith.constant 48 : i32
      %add3A_773 = arith.addi %mul3A_771, %add3A_772 : i32
      %add3A_774 = arith.constant 1 : i32
      %add3A_775 = arith.addi %add3A_773, %add3A_774 : i32
      %slice3A_776 = vector.extract_strided_slice %get3A_754 {offsets = [1], sizes = [1], strides = [1]} : vector<16xi32> to vector<1xi32>
      %squeeze3A_777 = vector.extract %slice3A_776[0] : i32 from vector<1xi32>
      %multiple_of3A_778 = tpu.assume_multiple %squeeze3A_777, 16 : i32
      %mul3A_779 = arith.constant 16 : i32
      %mul3A_780 = arith.muli %add3A_775, %mul3A_779 : i32
      %dma_start3A_781 = tpu.memref_slice %arg6[%mul3A_780] : memref<8192xf32, #tpu.memory_space<vmem>> -> memref<16xf32, #tpu.memory_space<vmem>>
      %dma_start3A_782 = tpu.memref_slice %arg3[%multiple_of3A_778] : memref<1000000xf32, #tpu.memory_space<hbm>> -> memref<16xf32, #tpu.memory_space<hbm>>
      %dma_start3A_783 = tpu.memref_slice %arg6[%mul3A_780] : memref<8192xf32, #tpu.memory_space<vmem>> -> memref<16xf32, #tpu.memory_space<vmem>>
      %dma_start3A_784 = tpu.memref_slice %arg3[%multiple_of3A_778] : memref<1000000xf32, #tpu.memory_space<hbm>> -> memref<16xf32, #tpu.memory_space<hbm>>
      tpu.enqueue_dma source(%dma_start3A_784 : memref<16xf32, #tpu.memory_space<hbm>>) target(%dma_start3A_783 : memref<16xf32, #tpu.memory_space<vmem>>) target_semaphore(%arg7 : memref<!tpu.dma_semaphore, #tpu.memory_space<semaphore_mem>>)
      %mul3A_785 = arith.constant 64 : i32
      %mul3A_786 = arith.muli %scan3A_11, %mul3A_785 : i32
      %add3A_787 = arith.constant 48 : i32
      %add3A_788 = arith.addi %mul3A_786, %add3A_787 : i32
      %add3A_789 = arith.constant 2 : i32
      %add3A_790 = arith.addi %add3A_788, %add3A_789 : i32
      %slice3A_791 = vector.extract_strided_slice %get3A_754 {offsets = [2], sizes = [1], strides = [1]} : vector<16xi32> to vector<1xi32>
      %squeeze3A_792 = vector.extract %slice3A_791[0] : i32 from vector<1xi32>
      %multiple_of3A_793 = tpu.assume_multiple %squeeze3A_792, 16 : i32
      %mul3A_794 = arith.constant 16 : i32
      %mul3A_795 = arith.muli %add3A_790, %mul3A_794 : i32
      %dma_start3A_796 = tpu.memref_slice %arg6[%mul3A_795] : memref<8192xf32, #tpu.memory_space<vmem>> -> memref<16xf32, #tpu.memory_space<vmem>>
      %dma_start3A_797 = tpu.memref_slice %arg3[%multiple_of3A_793] : memref<1000000xf32, #tpu.memory_space<hbm>> -> memref<16xf32, #tpu.memory_space<hbm>>
      %dma_start3A_798 = tpu.memref_slice %arg6[%mul3A_795] : memref<8192xf32, #tpu.memory_space<vmem>> -> memref<16xf32, #tpu.memory_space<vmem>>
      %dma_start3A_799 = tpu.memref_slice %arg3[%multiple_of3A_793] : memref<1000000xf32, #tpu.memory_space<hbm>> -> memref<16xf32, #tpu.memory_space<hbm>>
      tpu.enqueue_dma source(%dma_start3A_799 : memref<16xf32, #tpu.memory_space<hbm>>) target(%dma_start3A_798 : memref<16xf32, #tpu.memory_space<vmem>>) target_semaphore(%arg7 : memref<!tpu.dma_semaphore, #tpu.memory_space<semaphore_mem>>)
      %mul3A_800 = arith.constant 64 : i32
      %mul3A_801 = arith.muli %scan3A_11, %mul3A_800 : i32
      %add3A_802 = arith.constant 48 : i32
      %add3A_803 = arith.addi %mul3A_801, %add3A_802 : i32
      %add3A_804 = arith.constant 3 : i32
      %add3A_805 = arith.addi %add3A_803, %add3A_804 : i32
      %slice3A_806 = vector.extract_strided_slice %get3A_754 {offsets = [3], sizes = [1], strides = [1]} : vector<16xi32> to vector<1xi32>
      %squeeze3A_807 = vector.extract %slice3A_806[0] : i32 from vector<1xi32>
      %multiple_of3A_808 = tpu.assume_multiple %squeeze3A_807, 16 : i32
      %mul3A_809 = arith.constant 16 : i32
      %mul3A_810 = arith.muli %add3A_805, %mul3A_809 : i32
      %dma_start3A_811 = tpu.memref_slice %arg6[%mul3A_810] : memref<8192xf32, #tpu.memory_space<vmem>> -> memref<16xf32, #tpu.memory_space<vmem>>
      %dma_start3A_812 = tpu.memref_slice %arg3[%multiple_of3A_808] : memref<1000000xf32, #tpu.memory_space<hbm>> -> memref<16xf32, #tpu.memory_space<hbm>>
      %dma_start3A_813 = tpu.memref_slice %arg6[%mul3A_810] : memref<8192xf32, #tpu.memory_space<vmem>> -> memref<16xf32, #tpu.memory_space<vmem>>
      %dma_start3A_814 = tpu.memref_slice %arg3[%multiple_of3A_808] : memref<1000000xf32, #tpu.memory_space<hbm>> -> memref<16xf32, #tpu.memory_space<hbm>>
      tpu.enqueue_dma source(%dma_start3A_814 : memref<16xf32, #tpu.memory_space<hbm>>) target(%dma_start3A_813 : memref<16xf32, #tpu.memory_space<vmem>>) target_semaphore(%arg7 : memref<!tpu.dma_semaphore, #tpu.memory_space<semaphore_mem>>)
      %mul3A_815 = arith.constant 64 : i32
      %mul3A_816 = arith.muli %scan3A_11, %mul3A_815 : i32
      %add3A_817 = arith.constant 48 : i32
      %add3A_818 = arith.addi %mul3A_816, %add3A_817 : i32
      %add3A_819 = arith.constant 4 : i32
      %add3A_820 = arith.addi %add3A_818, %add3A_819 : i32
      %slice3A_821 = vector.extract_strided_slice %get3A_754 {offsets = [4], sizes = [1], strides = [1]} : vector<16xi32> to vector<1xi32>
      %squeeze3A_822 = vector.extract %slice3A_821[0] : i32 from vector<1xi32>
      %multiple_of3A_823 = tpu.assume_multiple %squeeze3A_822, 16 : i32
      %mul3A_824 = arith.constant 16 : i32
      %mul3A_825 = arith.muli %add3A_820, %mul3A_824 : i32
      %dma_start3A_826 = tpu.memref_slice %arg6[%mul3A_825] : memref<8192xf32, #tpu.memory_space<vmem>> -> memref<16xf32, #tpu.memory_space<vmem>>
      %dma_start3A_827 = tpu.memref_slice %arg3[%multiple_of3A_823] : memref<1000000xf32, #tpu.memory_space<hbm>> -> memref<16xf32, #tpu.memory_space<hbm>>
      %dma_start3A_828 = tpu.memref_slice %arg6[%mul3A_825] : memref<8192xf32, #tpu.memory_space<vmem>> -> memref<16xf32, #tpu.memory_space<vmem>>
      %dma_start3A_829 = tpu.memref_slice %arg3[%multiple_of3A_823] : memref<1000000xf32, #tpu.memory_space<hbm>> -> memref<16xf32, #tpu.memory_space<hbm>>
      tpu.enqueue_dma source(%dma_start3A_829 : memref<16xf32, #tpu.memory_space<hbm>>) target(%dma_start3A_828 : memref<16xf32, #tpu.memory_space<vmem>>) target_semaphore(%arg7 : memref<!tpu.dma_semaphore, #tpu.memory_space<semaphore_mem>>)
      %mul3A_830 = arith.constant 64 : i32
      %mul3A_831 = arith.muli %scan3A_11, %mul3A_830 : i32
      %add3A_832 = arith.constant 48 : i32
      %add3A_833 = arith.addi %mul3A_831, %add3A_832 : i32
      %add3A_834 = arith.constant 5 : i32
      %add3A_835 = arith.addi %add3A_833, %add3A_834 : i32
      %slice3A_836 = vector.extract_strided_slice %get3A_754 {offsets = [5], sizes = [1], strides = [1]} : vector<16xi32> to vector<1xi32>
      %squeeze3A_837 = vector.extract %slice3A_836[0] : i32 from vector<1xi32>
      %multiple_of3A_838 = tpu.assume_multiple %squeeze3A_837, 16 : i32
      %mul3A_839 = arith.constant 16 : i32
      %mul3A_840 = arith.muli %add3A_835, %mul3A_839 : i32
      %dma_start3A_841 = tpu.memref_slice %arg6[%mul3A_840] : memref<8192xf32, #tpu.memory_space<vmem>> -> memref<16xf32, #tpu.memory_space<vmem>>
      %dma_start3A_842 = tpu.memref_slice %arg3[%multiple_of3A_838] : memref<1000000xf32, #tpu.memory_space<hbm>> -> memref<16xf32, #tpu.memory_space<hbm>>
      %dma_start3A_843 = tpu.memref_slice %arg6[%mul3A_840] : memref<8192xf32, #tpu.memory_space<vmem>> -> memref<16xf32, #tpu.memory_space<vmem>>
      %dma_start3A_844 = tpu.memref_slice %arg3[%multiple_of3A_838] : memref<1000000xf32, #tpu.memory_space<hbm>> -> memref<16xf32, #tpu.memory_space<hbm>>
      tpu.enqueue_dma source(%dma_start3A_844 : memref<16xf32, #tpu.memory_space<hbm>>) target(%dma_start3A_843 : memref<16xf32, #tpu.memory_space<vmem>>) target_semaphore(%arg7 : memref<!tpu.dma_semaphore, #tpu.memory_space<semaphore_mem>>)
      %mul3A_845 = arith.constant 64 : i32
      %mul3A_846 = arith.muli %scan3A_11, %mul3A_845 : i32
      %add3A_847 = arith.constant 48 : i32
      %add3A_848 = arith.addi %mul3A_846, %add3A_847 : i32
      %add3A_849 = arith.constant 6 : i32
      %add3A_850 = arith.addi %add3A_848, %add3A_849 : i32
      %slice3A_851 = vector.extract_strided_slice %get3A_754 {offsets = [6], sizes = [1], strides = [1]} : vector<16xi32> to vector<1xi32>
      %squeeze3A_852 = vector.extract %slice3A_851[0] : i32 from vector<1xi32>
      %multiple_of3A_853 = tpu.assume_multiple %squeeze3A_852, 16 : i32
      %mul3A_854 = arith.constant 16 : i32
      %mul3A_855 = arith.muli %add3A_850, %mul3A_854 : i32
      %dma_start3A_856 = tpu.memref_slice %arg6[%mul3A_855] : memref<8192xf32, #tpu.memory_space<vmem>> -> memref<16xf32, #tpu.memory_space<vmem>>
      %dma_start3A_857 = tpu.memref_slice %arg3[%multiple_of3A_853] : memref<1000000xf32, #tpu.memory_space<hbm>> -> memref<16xf32, #tpu.memory_space<hbm>>
      %dma_start3A_858 = tpu.memref_slice %arg6[%mul3A_855] : memref<8192xf32, #tpu.memory_space<vmem>> -> memref<16xf32, #tpu.memory_space<vmem>>
      %dma_start3A_859 = tpu.memref_slice %arg3[%multiple_of3A_853] : memref<1000000xf32, #tpu.memory_space<hbm>> -> memref<16xf32, #tpu.memory_space<hbm>>
      tpu.enqueue_dma source(%dma_start3A_859 : memref<16xf32, #tpu.memory_space<hbm>>) target(%dma_start3A_858 : memref<16xf32, #tpu.memory_space<vmem>>) target_semaphore(%arg7 : memref<!tpu.dma_semaphore, #tpu.memory_space<semaphore_mem>>)
      %mul3A_860 = arith.constant 64 : i32
      %mul3A_861 = arith.muli %scan3A_11, %mul3A_860 : i32
      %add3A_862 = arith.constant 48 : i32
      %add3A_863 = arith.addi %mul3A_861, %add3A_862 : i32
      %add3A_864 = arith.constant 7 : i32
      %add3A_865 = arith.addi %add3A_863, %add3A_864 : i32
      %slice3A_866 = vector.extract_strided_slice %get3A_754 {offsets = [7], sizes = [1], strides = [1]} : vector<16xi32> to vector<1xi32>
      %squeeze3A_867 = vector.extract %slice3A_866[0] : i32 from vector<1xi32>
      %multiple_of3A_868 = tpu.assume_multiple %squeeze3A_867, 16 : i32
      %mul3A_869 = arith.constant 16 : i32
      %mul3A_870 = arith.muli %add3A_865, %mul3A_869 : i32
      %dma_start3A_871 = tpu.memref_slice %arg6[%mul3A_870] : memref<8192xf32, #tpu.memory_space<vmem>> -> memref<16xf32, #tpu.memory_space<vmem>>
      %dma_start3A_872 = tpu.memref_slice %arg3[%multiple_of3A_868] : memref<1000000xf32, #tpu.memory_space<hbm>> -> memref<16xf32, #tpu.memory_space<hbm>>
      %dma_start3A_873 = tpu.memref_slice %arg6[%mul3A_870] : memref<8192xf32, #tpu.memory_space<vmem>> -> memref<16xf32, #tpu.memory_space<vmem>>
      %dma_start3A_874 = tpu.memref_slice %arg3[%multiple_of3A_868] : memref<1000000xf32, #tpu.memory_space<hbm>> -> memref<16xf32, #tpu.memory_space<hbm>>
      tpu.enqueue_dma source(%dma_start3A_874 : memref<16xf32, #tpu.memory_space<hbm>>) target(%dma_start3A_873 : memref<16xf32, #tpu.memory_space<vmem>>) target_semaphore(%arg7 : memref<!tpu.dma_semaphore, #tpu.memory_space<semaphore_mem>>)
      %mul3A_875 = arith.constant 64 : i32
      %mul3A_876 = arith.muli %scan3A_11, %mul3A_875 : i32
      %add3A_877 = arith.constant 48 : i32
      %add3A_878 = arith.addi %mul3A_876, %add3A_877 : i32
      %add3A_879 = arith.constant 8 : i32
      %add3A_880 = arith.addi %add3A_878, %add3A_879 : i32
      %slice3A_881 = vector.extract_strided_slice %get3A_754 {offsets = [8], sizes = [1], strides = [1]} : vector<16xi32> to vector<1xi32>
      %squeeze3A_882 = vector.extract %slice3A_881[0] : i32 from vector<1xi32>
      %multiple_of3A_883 = tpu.assume_multiple %squeeze3A_882, 16 : i32
      %mul3A_884 = arith.constant 16 : i32
      %mul3A_885 = arith.muli %add3A_880, %mul3A_884 : i32
      %dma_start3A_886 = tpu.memref_slice %arg6[%mul3A_885] : memref<8192xf32, #tpu.memory_space<vmem>> -> memref<16xf32, #tpu.memory_space<vmem>>
      %dma_start3A_887 = tpu.memref_slice %arg3[%multiple_of3A_883] : memref<1000000xf32, #tpu.memory_space<hbm>> -> memref<16xf32, #tpu.memory_space<hbm>>
      %dma_start3A_888 = tpu.memref_slice %arg6[%mul3A_885] : memref<8192xf32, #tpu.memory_space<vmem>> -> memref<16xf32, #tpu.memory_space<vmem>>
      %dma_start3A_889 = tpu.memref_slice %arg3[%multiple_of3A_883] : memref<1000000xf32, #tpu.memory_space<hbm>> -> memref<16xf32, #tpu.memory_space<hbm>>
      tpu.enqueue_dma source(%dma_start3A_889 : memref<16xf32, #tpu.memory_space<hbm>>) target(%dma_start3A_888 : memref<16xf32, #tpu.memory_space<vmem>>) target_semaphore(%arg7 : memref<!tpu.dma_semaphore, #tpu.memory_space<semaphore_mem>>)
      %mul3A_890 = arith.constant 64 : i32
      %mul3A_891 = arith.muli %scan3A_11, %mul3A_890 : i32
      %add3A_892 = arith.constant 48 : i32
      %add3A_893 = arith.addi %mul3A_891, %add3A_892 : i32
      %add3A_894 = arith.constant 9 : i32
      %add3A_895 = arith.addi %add3A_893, %add3A_894 : i32
      %slice3A_896 = vector.extract_strided_slice %get3A_754 {offsets = [9], sizes = [1], strides = [1]} : vector<16xi32> to vector<1xi32>
      %squeeze3A_897 = vector.extract %slice3A_896[0] : i32 from vector<1xi32>
      %multiple_of3A_898 = tpu.assume_multiple %squeeze3A_897, 16 : i32
      %mul3A_899 = arith.constant 16 : i32
      %mul3A_900 = arith.muli %add3A_895, %mul3A_899 : i32
      %dma_start3A_901 = tpu.memref_slice %arg6[%mul3A_900] : memref<8192xf32, #tpu.memory_space<vmem>> -> memref<16xf32, #tpu.memory_space<vmem>>
      %dma_start3A_902 = tpu.memref_slice %arg3[%multiple_of3A_898] : memref<1000000xf32, #tpu.memory_space<hbm>> -> memref<16xf32, #tpu.memory_space<hbm>>
      %dma_start3A_903 = tpu.memref_slice %arg6[%mul3A_900] : memref<8192xf32, #tpu.memory_space<vmem>> -> memref<16xf32, #tpu.memory_space<vmem>>
      %dma_start3A_904 = tpu.memref_slice %arg3[%multiple_of3A_898] : memref<1000000xf32, #tpu.memory_space<hbm>> -> memref<16xf32, #tpu.memory_space<hbm>>
      tpu.enqueue_dma source(%dma_start3A_904 : memref<16xf32, #tpu.memory_space<hbm>>) target(%dma_start3A_903 : memref<16xf32, #tpu.memory_space<vmem>>) target_semaphore(%arg7 : memref<!tpu.dma_semaphore, #tpu.memory_space<semaphore_mem>>)
      %mul3A_905 = arith.constant 64 : i32
      %mul3A_906 = arith.muli %scan3A_11, %mul3A_905 : i32
      %add3A_907 = arith.constant 48 : i32
      %add3A_908 = arith.addi %mul3A_906, %add3A_907 : i32
      %add3A_909 = arith.constant 10 : i32
      %add3A_910 = arith.addi %add3A_908, %add3A_909 : i32
      %slice3A_911 = vector.extract_strided_slice %get3A_754 {offsets = [10], sizes = [1], strides = [1]} : vector<16xi32> to vector<1xi32>
      %squeeze3A_912 = vector.extract %slice3A_911[0] : i32 from vector<1xi32>
      %multiple_of3A_913 = tpu.assume_multiple %squeeze3A_912, 16 : i32
      %mul3A_914 = arith.constant 16 : i32
      %mul3A_915 = arith.muli %add3A_910, %mul3A_914 : i32
      %dma_start3A_916 = tpu.memref_slice %arg6[%mul3A_915] : memref<8192xf32, #tpu.memory_space<vmem>> -> memref<16xf32, #tpu.memory_space<vmem>>
      %dma_start3A_917 = tpu.memref_slice %arg3[%multiple_of3A_913] : memref<1000000xf32, #tpu.memory_space<hbm>> -> memref<16xf32, #tpu.memory_space<hbm>>
      %dma_start3A_918 = tpu.memref_slice %arg6[%mul3A_915] : memref<8192xf32, #tpu.memory_space<vmem>> -> memref<16xf32, #tpu.memory_space<vmem>>
      %dma_start3A_919 = tpu.memref_slice %arg3[%multiple_of3A_913] : memref<1000000xf32, #tpu.memory_space<hbm>> -> memref<16xf32, #tpu.memory_space<hbm>>
      tpu.enqueue_dma source(%dma_start3A_919 : memref<16xf32, #tpu.memory_space<hbm>>) target(%dma_start3A_918 : memref<16xf32, #tpu.memory_space<vmem>>) target_semaphore(%arg7 : memref<!tpu.dma_semaphore, #tpu.memory_space<semaphore_mem>>)
      %mul3A_920 = arith.constant 64 : i32
      %mul3A_921 = arith.muli %scan3A_11, %mul3A_920 : i32
      %add3A_922 = arith.constant 48 : i32
      %add3A_923 = arith.addi %mul3A_921, %add3A_922 : i32
      %add3A_924 = arith.constant 11 : i32
      %add3A_925 = arith.addi %add3A_923, %add3A_924 : i32
      %slice3A_926 = vector.extract_strided_slice %get3A_754 {offsets = [11], sizes = [1], strides = [1]} : vector<16xi32> to vector<1xi32>
      %squeeze3A_927 = vector.extract %slice3A_926[0] : i32 from vector<1xi32>
      %multiple_of3A_928 = tpu.assume_multiple %squeeze3A_927, 16 : i32
      %mul3A_929 = arith.constant 16 : i32
      %mul3A_930 = arith.muli %add3A_925, %mul3A_929 : i32
      %dma_start3A_931 = tpu.memref_slice %arg6[%mul3A_930] : memref<8192xf32, #tpu.memory_space<vmem>> -> memref<16xf32, #tpu.memory_space<vmem>>
      %dma_start3A_932 = tpu.memref_slice %arg3[%multiple_of3A_928] : memref<1000000xf32, #tpu.memory_space<hbm>> -> memref<16xf32, #tpu.memory_space<hbm>>
      %dma_start3A_933 = tpu.memref_slice %arg6[%mul3A_930] : memref<8192xf32, #tpu.memory_space<vmem>> -> memref<16xf32, #tpu.memory_space<vmem>>
      %dma_start3A_934 = tpu.memref_slice %arg3[%multiple_of3A_928] : memref<1000000xf32, #tpu.memory_space<hbm>> -> memref<16xf32, #tpu.memory_space<hbm>>
      tpu.enqueue_dma source(%dma_start3A_934 : memref<16xf32, #tpu.memory_space<hbm>>) target(%dma_start3A_933 : memref<16xf32, #tpu.memory_space<vmem>>) target_semaphore(%arg7 : memref<!tpu.dma_semaphore, #tpu.memory_space<semaphore_mem>>)
      %mul3A_935 = arith.constant 64 : i32
      %mul3A_936 = arith.muli %scan3A_11, %mul3A_935 : i32
      %add3A_937 = arith.constant 48 : i32
      %add3A_938 = arith.addi %mul3A_936, %add3A_937 : i32
      %add3A_939 = arith.constant 12 : i32
      %add3A_940 = arith.addi %add3A_938, %add3A_939 : i32
      %slice3A_941 = vector.extract_strided_slice %get3A_754 {offsets = [12], sizes = [1], strides = [1]} : vector<16xi32> to vector<1xi32>
      %squeeze3A_942 = vector.extract %slice3A_941[0] : i32 from vector<1xi32>
      %multiple_of3A_943 = tpu.assume_multiple %squeeze3A_942, 16 : i32
      %mul3A_944 = arith.constant 16 : i32
      %mul3A_945 = arith.muli %add3A_940, %mul3A_944 : i32
      %dma_start3A_946 = tpu.memref_slice %arg6[%mul3A_945] : memref<8192xf32, #tpu.memory_space<vmem>> -> memref<16xf32, #tpu.memory_space<vmem>>
      %dma_start3A_947 = tpu.memref_slice %arg3[%multiple_of3A_943] : memref<1000000xf32, #tpu.memory_space<hbm>> -> memref<16xf32, #tpu.memory_space<hbm>>
      %dma_start3A_948 = tpu.memref_slice %arg6[%mul3A_945] : memref<8192xf32, #tpu.memory_space<vmem>> -> memref<16xf32, #tpu.memory_space<vmem>>
      %dma_start3A_949 = tpu.memref_slice %arg3[%multiple_of3A_943] : memref<1000000xf32, #tpu.memory_space<hbm>> -> memref<16xf32, #tpu.memory_space<hbm>>
      tpu.enqueue_dma source(%dma_start3A_949 : memref<16xf32, #tpu.memory_space<hbm>>) target(%dma_start3A_948 : memref<16xf32, #tpu.memory_space<vmem>>) target_semaphore(%arg7 : memref<!tpu.dma_semaphore, #tpu.memory_space<semaphore_mem>>)
      %mul3A_950 = arith.constant 64 : i32
      %mul3A_951 = arith.muli %scan3A_11, %mul3A_950 : i32
      %add3A_952 = arith.constant 48 : i32
      %add3A_953 = arith.addi %mul3A_951, %add3A_952 : i32
      %add3A_954 = arith.constant 13 : i32
      %add3A_955 = arith.addi %add3A_953, %add3A_954 : i32
      %slice3A_956 = vector.extract_strided_slice %get3A_754 {offsets = [13], sizes = [1], strides = [1]} : vector<16xi32> to vector<1xi32>
      %squeeze3A_957 = vector.extract %slice3A_956[0] : i32 from vector<1xi32>
      %multiple_of3A_958 = tpu.assume_multiple %squeeze3A_957, 16 : i32
      %mul3A_959 = arith.constant 16 : i32
      %mul3A_960 = arith.muli %add3A_955, %mul3A_959 : i32
      %dma_start3A_961 = tpu.memref_slice %arg6[%mul3A_960] : memref<8192xf32, #tpu.memory_space<vmem>> -> memref<16xf32, #tpu.memory_space<vmem>>
      %dma_start3A_962 = tpu.memref_slice %arg3[%multiple_of3A_958] : memref<1000000xf32, #tpu.memory_space<hbm>> -> memref<16xf32, #tpu.memory_space<hbm>>
      %dma_start3A_963 = tpu.memref_slice %arg6[%mul3A_960] : memref<8192xf32, #tpu.memory_space<vmem>> -> memref<16xf32, #tpu.memory_space<vmem>>
      %dma_start3A_964 = tpu.memref_slice %arg3[%multiple_of3A_958] : memref<1000000xf32, #tpu.memory_space<hbm>> -> memref<16xf32, #tpu.memory_space<hbm>>
      tpu.enqueue_dma source(%dma_start3A_964 : memref<16xf32, #tpu.memory_space<hbm>>) target(%dma_start3A_963 : memref<16xf32, #tpu.memory_space<vmem>>) target_semaphore(%arg7 : memref<!tpu.dma_semaphore, #tpu.memory_space<semaphore_mem>>)
      %mul3A_965 = arith.constant 64 : i32
      %mul3A_966 = arith.muli %scan3A_11, %mul3A_965 : i32
      %add3A_967 = arith.constant 48 : i32
      %add3A_968 = arith.addi %mul3A_966, %add3A_967 : i32
      %add3A_969 = arith.constant 14 : i32
      %add3A_970 = arith.addi %add3A_968, %add3A_969 : i32
      %slice3A_971 = vector.extract_strided_slice %get3A_754 {offsets = [14], sizes = [1], strides = [1]} : vector<16xi32> to vector<1xi32>
      %squeeze3A_972 = vector.extract %slice3A_971[0] : i32 from vector<1xi32>
      %multiple_of3A_973 = tpu.assume_multiple %squeeze3A_972, 16 : i32
      %mul3A_974 = arith.constant 16 : i32
      %mul3A_975 = arith.muli %add3A_970, %mul3A_974 : i32
      %dma_start3A_976 = tpu.memref_slice %arg6[%mul3A_975] : memref<8192xf32, #tpu.memory_space<vmem>> -> memref<16xf32, #tpu.memory_space<vmem>>
      %dma_start3A_977 = tpu.memref_slice %arg3[%multiple_of3A_973] : memref<1000000xf32, #tpu.memory_space<hbm>> -> memref<16xf32, #tpu.memory_space<hbm>>
      %dma_start3A_978 = tpu.memref_slice %arg6[%mul3A_975] : memref<8192xf32, #tpu.memory_space<vmem>> -> memref<16xf32, #tpu.memory_space<vmem>>
      %dma_start3A_979 = tpu.memref_slice %arg3[%multiple_of3A_973] : memref<1000000xf32, #tpu.memory_space<hbm>> -> memref<16xf32, #tpu.memory_space<hbm>>
      tpu.enqueue_dma source(%dma_start3A_979 : memref<16xf32, #tpu.memory_space<hbm>>) target(%dma_start3A_978 : memref<16xf32, #tpu.memory_space<vmem>>) target_semaphore(%arg7 : memref<!tpu.dma_semaphore, #tpu.memory_space<semaphore_mem>>)
      %mul3A_980 = arith.constant 64 : i32
      %mul3A_981 = arith.muli %scan3A_11, %mul3A_980 : i32
      %add3A_982 = arith.constant 48 : i32
      %add3A_983 = arith.addi %mul3A_981, %add3A_982 : i32
      %add3A_984 = arith.constant 15 : i32
      %add3A_985 = arith.addi %add3A_983, %add3A_984 : i32
      %slice3A_986 = vector.extract_strided_slice %get3A_754 {offsets = [15], sizes = [1], strides = [1]} : vector<16xi32> to vector<1xi32>
      %squeeze3A_987 = vector.extract %slice3A_986[0] : i32 from vector<1xi32>
      %multiple_of3A_988 = tpu.assume_multiple %squeeze3A_987, 16 : i32
      %mul3A_989 = arith.constant 16 : i32
      %mul3A_990 = arith.muli %add3A_985, %mul3A_989 : i32
      %dma_start3A_991 = tpu.memref_slice %arg6[%mul3A_990] : memref<8192xf32, #tpu.memory_space<vmem>> -> memref<16xf32, #tpu.memory_space<vmem>>
      %dma_start3A_992 = tpu.memref_slice %arg3[%multiple_of3A_988] : memref<1000000xf32, #tpu.memory_space<hbm>> -> memref<16xf32, #tpu.memory_space<hbm>>
      %dma_start3A_993 = tpu.memref_slice %arg6[%mul3A_990] : memref<8192xf32, #tpu.memory_space<vmem>> -> memref<16xf32, #tpu.memory_space<vmem>>
      %dma_start3A_994 = tpu.memref_slice %arg3[%multiple_of3A_988] : memref<1000000xf32, #tpu.memory_space<hbm>> -> memref<16xf32, #tpu.memory_space<hbm>>
      tpu.enqueue_dma source(%dma_start3A_994 : memref<16xf32, #tpu.memory_space<hbm>>) target(%dma_start3A_993 : memref<16xf32, #tpu.memory_space<vmem>>) target_semaphore(%arg7 : memref<!tpu.dma_semaphore, #tpu.memory_space<semaphore_mem>>)
      %dma_wait3A = tpu.memref_slice %arg6[%mul3A_25] : memref<8192xf32, #tpu.memory_space<vmem>> -> memref<16xf32, #tpu.memory_space<vmem>>
      %dma_wait3A_995 = tpu.memref_slice %arg3[%multiple_of3A] : memref<1000000xf32, #tpu.memory_space<hbm>> -> memref<16xf32, #tpu.memory_space<hbm>>
      %dma_wait3A_996 = tpu.memref_slice %arg6[%mul3A_25] : memref<8192xf32, #tpu.memory_space<vmem>> -> memref<16xf32, #tpu.memory_space<vmem>>
      %dma_wait3A_997 = tpu.memref_slice %arg3[%multiple_of3A] : memref<1000000xf32, #tpu.memory_space<hbm>> -> memref<16xf32, #tpu.memory_space<hbm>>
      tpu.wait_dma2 semaphore(%arg7 : memref<!tpu.dma_semaphore, #tpu.memory_space<semaphore_mem>>) src(%dma_wait3A_997 : memref<16xf32, #tpu.memory_space<hbm>>) dst(%dma_wait3A_996 : memref<16xf32, #tpu.memory_space<vmem>>)
      %dma_wait3A_998 = tpu.memref_slice %arg6[%mul3A_39] : memref<8192xf32, #tpu.memory_space<vmem>> -> memref<16xf32, #tpu.memory_space<vmem>>
      %dma_wait3A_999 = tpu.memref_slice %arg3[%multiple_of3A_37] : memref<1000000xf32, #tpu.memory_space<hbm>> -> memref<16xf32, #tpu.memory_space<hbm>>
      %dma_wait3A_1000 = tpu.memref_slice %arg6[%mul3A_39] : memref<8192xf32, #tpu.memory_space<vmem>> -> memref<16xf32, #tpu.memory_space<vmem>>
      %dma_wait3A_1001 = tpu.memref_slice %arg3[%multiple_of3A_37] : memref<1000000xf32, #tpu.memory_space<hbm>> -> memref<16xf32, #tpu.memory_space<hbm>>
      tpu.wait_dma2 semaphore(%arg7 : memref<!tpu.dma_semaphore, #tpu.memory_space<semaphore_mem>>) src(%dma_wait3A_1001 : memref<16xf32, #tpu.memory_space<hbm>>) dst(%dma_wait3A_1000 : memref<16xf32, #tpu.memory_space<vmem>>)
      %dma_wait3A_1002 = tpu.memref_slice %arg6[%mul3A_54] : memref<8192xf32, #tpu.memory_space<vmem>> -> memref<16xf32, #tpu.memory_space<vmem>>
      %dma_wait3A_1003 = tpu.memref_slice %arg3[%multiple_of3A_52] : memref<1000000xf32, #tpu.memory_space<hbm>> -> memref<16xf32, #tpu.memory_space<hbm>>
      %dma_wait3A_1004 = tpu.memref_slice %arg6[%mul3A_54] : memref<8192xf32, #tpu.memory_space<vmem>> -> memref<16xf32, #tpu.memory_space<vmem>>
      %dma_wait3A_1005 = tpu.memref_slice %arg3[%multiple_of3A_52] : memref<1000000xf32, #tpu.memory_space<hbm>> -> memref<16xf32, #tpu.memory_space<hbm>>
      tpu.wait_dma2 semaphore(%arg7 : memref<!tpu.dma_semaphore, #tpu.memory_space<semaphore_mem>>) src(%dma_wait3A_1005 : memref<16xf32, #tpu.memory_space<hbm>>) dst(%dma_wait3A_1004 : memref<16xf32, #tpu.memory_space<vmem>>)
      %dma_wait3A_1006 = tpu.memref_slice %arg6[%mul3A_69] : memref<8192xf32, #tpu.memory_space<vmem>> -> memref<16xf32, #tpu.memory_space<vmem>>
      %dma_wait3A_1007 = tpu.memref_slice %arg3[%multiple_of3A_67] : memref<1000000xf32, #tpu.memory_space<hbm>> -> memref<16xf32, #tpu.memory_space<hbm>>
      %dma_wait3A_1008 = tpu.memref_slice %arg6[%mul3A_69] : memref<8192xf32, #tpu.memory_space<vmem>> -> memref<16xf32, #tpu.memory_space<vmem>>
      %dma_wait3A_1009 = tpu.memref_slice %arg3[%multiple_of3A_67] : memref<1000000xf32, #tpu.memory_space<hbm>> -> memref<16xf32, #tpu.memory_space<hbm>>
      tpu.wait_dma2 semaphore(%arg7 : memref<!tpu.dma_semaphore, #tpu.memory_space<semaphore_mem>>) src(%dma_wait3A_1009 : memref<16xf32, #tpu.memory_space<hbm>>) dst(%dma_wait3A_1008 : memref<16xf32, #tpu.memory_space<vmem>>)
      %dma_wait3A_1010 = tpu.memref_slice %arg6[%mul3A_84] : memref<8192xf32, #tpu.memory_space<vmem>> -> memref<16xf32, #tpu.memory_space<vmem>>
      %dma_wait3A_1011 = tpu.memref_slice %arg3[%multiple_of3A_82] : memref<1000000xf32, #tpu.memory_space<hbm>> -> memref<16xf32, #tpu.memory_space<hbm>>
      %dma_wait3A_1012 = tpu.memref_slice %arg6[%mul3A_84] : memref<8192xf32, #tpu.memory_space<vmem>> -> memref<16xf32, #tpu.memory_space<vmem>>
      %dma_wait3A_1013 = tpu.memref_slice %arg3[%multiple_of3A_82] : memref<1000000xf32, #tpu.memory_space<hbm>> -> memref<16xf32, #tpu.memory_space<hbm>>
      tpu.wait_dma2 semaphore(%arg7 : memref<!tpu.dma_semaphore, #tpu.memory_space<semaphore_mem>>) src(%dma_wait3A_1013 : memref<16xf32, #tpu.memory_space<hbm>>) dst(%dma_wait3A_1012 : memref<16xf32, #tpu.memory_space<vmem>>)
      %dma_wait3A_1014 = tpu.memref_slice %arg6[%mul3A_99] : memref<8192xf32, #tpu.memory_space<vmem>> -> memref<16xf32, #tpu.memory_space<vmem>>
      %dma_wait3A_1015 = tpu.memref_slice %arg3[%multiple_of3A_97] : memref<1000000xf32, #tpu.memory_space<hbm>> -> memref<16xf32, #tpu.memory_space<hbm>>
      %dma_wait3A_1016 = tpu.memref_slice %arg6[%mul3A_99] : memref<8192xf32, #tpu.memory_space<vmem>> -> memref<16xf32, #tpu.memory_space<vmem>>
      %dma_wait3A_1017 = tpu.memref_slice %arg3[%multiple_of3A_97] : memref<1000000xf32, #tpu.memory_space<hbm>> -> memref<16xf32, #tpu.memory_space<hbm>>
      tpu.wait_dma2 semaphore(%arg7 : memref<!tpu.dma_semaphore, #tpu.memory_space<semaphore_mem>>) src(%dma_wait3A_1017 : memref<16xf32, #tpu.memory_space<hbm>>) dst(%dma_wait3A_1016 : memref<16xf32, #tpu.memory_space<vmem>>)
      %dma_wait3A_1018 = tpu.memref_slice %arg6[%mul3A_114] : memref<8192xf32, #tpu.memory_space<vmem>> -> memref<16xf32, #tpu.memory_space<vmem>>
      %dma_wait3A_1019 = tpu.memref_slice %arg3[%multiple_of3A_112] : memref<1000000xf32, #tpu.memory_space<hbm>> -> memref<16xf32, #tpu.memory_space<hbm>>
      %dma_wait3A_1020 = tpu.memref_slice %arg6[%mul3A_114] : memref<8192xf32, #tpu.memory_space<vmem>> -> memref<16xf32, #tpu.memory_space<vmem>>
      %dma_wait3A_1021 = tpu.memref_slice %arg3[%multiple_of3A_112] : memref<1000000xf32, #tpu.memory_space<hbm>> -> memref<16xf32, #tpu.memory_space<hbm>>
      tpu.wait_dma2 semaphore(%arg7 : memref<!tpu.dma_semaphore, #tpu.memory_space<semaphore_mem>>) src(%dma_wait3A_1021 : memref<16xf32, #tpu.memory_space<hbm>>) dst(%dma_wait3A_1020 : memref<16xf32, #tpu.memory_space<vmem>>)
      %dma_wait3A_1022 = tpu.memref_slice %arg6[%mul3A_129] : memref<8192xf32, #tpu.memory_space<vmem>> -> memref<16xf32, #tpu.memory_space<vmem>>
      %dma_wait3A_1023 = tpu.memref_slice %arg3[%multiple_of3A_127] : memref<1000000xf32, #tpu.memory_space<hbm>> -> memref<16xf32, #tpu.memory_space<hbm>>
      %dma_wait3A_1024 = tpu.memref_slice %arg6[%mul3A_129] : memref<8192xf32, #tpu.memory_space<vmem>> -> memref<16xf32, #tpu.memory_space<vmem>>
      %dma_wait3A_1025 = tpu.memref_slice %arg3[%multiple_of3A_127] : memref<1000000xf32, #tpu.memory_space<hbm>> -> memref<16xf32, #tpu.memory_space<hbm>>
      tpu.wait_dma2 semaphore(%arg7 : memref<!tpu.dma_semaphore, #tpu.memory_space<semaphore_mem>>) src(%dma_wait3A_1025 : memref<16xf32, #tpu.memory_space<hbm>>) dst(%dma_wait3A_1024 : memref<16xf32, #tpu.memory_space<vmem>>)
      %dma_wait3A_1026 = tpu.memref_slice %arg6[%mul3A_144] : memref<8192xf32, #tpu.memory_space<vmem>> -> memref<16xf32, #tpu.memory_space<vmem>>
      %dma_wait3A_1027 = tpu.memref_slice %arg3[%multiple_of3A_142] : memref<1000000xf32, #tpu.memory_space<hbm>> -> memref<16xf32, #tpu.memory_space<hbm>>
      %dma_wait3A_1028 = tpu.memref_slice %arg6[%mul3A_144] : memref<8192xf32, #tpu.memory_space<vmem>> -> memref<16xf32, #tpu.memory_space<vmem>>
      %dma_wait3A_1029 = tpu.memref_slice %arg3[%multiple_of3A_142] : memref<1000000xf32, #tpu.memory_space<hbm>> -> memref<16xf32, #tpu.memory_space<hbm>>
      tpu.wait_dma2 semaphore(%arg7 : memref<!tpu.dma_semaphore, #tpu.memory_space<semaphore_mem>>) src(%dma_wait3A_1029 : memref<16xf32, #tpu.memory_space<hbm>>) dst(%dma_wait3A_1028 : memref<16xf32, #tpu.memory_space<vmem>>)
      %dma_wait3A_1030 = tpu.memref_slice %arg6[%mul3A_159] : memref<8192xf32, #tpu.memory_space<vmem>> -> memref<16xf32, #tpu.memory_space<vmem>>
      %dma_wait3A_1031 = tpu.memref_slice %arg3[%multiple_of3A_157] : memref<1000000xf32, #tpu.memory_space<hbm>> -> memref<16xf32, #tpu.memory_space<hbm>>
      %dma_wait3A_1032 = tpu.memref_slice %arg6[%mul3A_159] : memref<8192xf32, #tpu.memory_space<vmem>> -> memref<16xf32, #tpu.memory_space<vmem>>
      %dma_wait3A_1033 = tpu.memref_slice %arg3[%multiple_of3A_157] : memref<1000000xf32, #tpu.memory_space<hbm>> -> memref<16xf32, #tpu.memory_space<hbm>>
      tpu.wait_dma2 semaphore(%arg7 : memref<!tpu.dma_semaphore, #tpu.memory_space<semaphore_mem>>) src(%dma_wait3A_1033 : memref<16xf32, #tpu.memory_space<hbm>>) dst(%dma_wait3A_1032 : memref<16xf32, #tpu.memory_space<vmem>>)
      %dma_wait3A_1034 = tpu.memref_slice %arg6[%mul3A_174] : memref<8192xf32, #tpu.memory_space<vmem>> -> memref<16xf32, #tpu.memory_space<vmem>>
      %dma_wait3A_1035 = tpu.memref_slice %arg3[%multiple_of3A_172] : memref<1000000xf32, #tpu.memory_space<hbm>> -> memref<16xf32, #tpu.memory_space<hbm>>
      %dma_wait3A_1036 = tpu.memref_slice %arg6[%mul3A_174] : memref<8192xf32, #tpu.memory_space<vmem>> -> memref<16xf32, #tpu.memory_space<vmem>>
      %dma_wait3A_1037 = tpu.memref_slice %arg3[%multiple_of3A_172] : memref<1000000xf32, #tpu.memory_space<hbm>> -> memref<16xf32, #tpu.memory_space<hbm>>
      tpu.wait_dma2 semaphore(%arg7 : memref<!tpu.dma_semaphore, #tpu.memory_space<semaphore_mem>>) src(%dma_wait3A_1037 : memref<16xf32, #tpu.memory_space<hbm>>) dst(%dma_wait3A_1036 : memref<16xf32, #tpu.memory_space<vmem>>)
      %dma_wait3A_1038 = tpu.memref_slice %arg6[%mul3A_189] : memref<8192xf32, #tpu.memory_space<vmem>> -> memref<16xf32, #tpu.memory_space<vmem>>
      %dma_wait3A_1039 = tpu.memref_slice %arg3[%multiple_of3A_187] : memref<1000000xf32, #tpu.memory_space<hbm>> -> memref<16xf32, #tpu.memory_space<hbm>>
      %dma_wait3A_1040 = tpu.memref_slice %arg6[%mul3A_189] : memref<8192xf32, #tpu.memory_space<vmem>> -> memref<16xf32, #tpu.memory_space<vmem>>
      %dma_wait3A_1041 = tpu.memref_slice %arg3[%multiple_of3A_187] : memref<1000000xf32, #tpu.memory_space<hbm>> -> memref<16xf32, #tpu.memory_space<hbm>>
      tpu.wait_dma2 semaphore(%arg7 : memref<!tpu.dma_semaphore, #tpu.memory_space<semaphore_mem>>) src(%dma_wait3A_1041 : memref<16xf32, #tpu.memory_space<hbm>>) dst(%dma_wait3A_1040 : memref<16xf32, #tpu.memory_space<vmem>>)
      %dma_wait3A_1042 = tpu.memref_slice %arg6[%mul3A_204] : memref<8192xf32, #tpu.memory_space<vmem>> -> memref<16xf32, #tpu.memory_space<vmem>>
      %dma_wait3A_1043 = tpu.memref_slice %arg3[%multiple_of3A_202] : memref<1000000xf32, #tpu.memory_space<hbm>> -> memref<16xf32, #tpu.memory_space<hbm>>
      %dma_wait3A_1044 = tpu.memref_slice %arg6[%mul3A_204] : memref<8192xf32, #tpu.memory_space<vmem>> -> memref<16xf32, #tpu.memory_space<vmem>>
      %dma_wait3A_1045 = tpu.memref_slice %arg3[%multiple_of3A_202] : memref<1000000xf32, #tpu.memory_space<hbm>> -> memref<16xf32, #tpu.memory_space<hbm>>
      tpu.wait_dma2 semaphore(%arg7 : memref<!tpu.dma_semaphore, #tpu.memory_space<semaphore_mem>>) src(%dma_wait3A_1045 : memref<16xf32, #tpu.memory_space<hbm>>) dst(%dma_wait3A_1044 : memref<16xf32, #tpu.memory_space<vmem>>)
      %dma_wait3A_1046 = tpu.memref_slice %arg6[%mul3A_219] : memref<8192xf32, #tpu.memory_space<vmem>> -> memref<16xf32, #tpu.memory_space<vmem>>
      %dma_wait3A_1047 = tpu.memref_slice %arg3[%multiple_of3A_217] : memref<1000000xf32, #tpu.memory_space<hbm>> -> memref<16xf32, #tpu.memory_space<hbm>>
      %dma_wait3A_1048 = tpu.memref_slice %arg6[%mul3A_219] : memref<8192xf32, #tpu.memory_space<vmem>> -> memref<16xf32, #tpu.memory_space<vmem>>
      %dma_wait3A_1049 = tpu.memref_slice %arg3[%multiple_of3A_217] : memref<1000000xf32, #tpu.memory_space<hbm>> -> memref<16xf32, #tpu.memory_space<hbm>>
      tpu.wait_dma2 semaphore(%arg7 : memref<!tpu.dma_semaphore, #tpu.memory_space<semaphore_mem>>) src(%dma_wait3A_1049 : memref<16xf32, #tpu.memory_space<hbm>>) dst(%dma_wait3A_1048 : memref<16xf32, #tpu.memory_space<vmem>>)
      %dma_wait3A_1050 = tpu.memref_slice %arg6[%mul3A_234] : memref<8192xf32, #tpu.memory_space<vmem>> -> memref<16xf32, #tpu.memory_space<vmem>>
      %dma_wait3A_1051 = tpu.memref_slice %arg3[%multiple_of3A_232] : memref<1000000xf32, #tpu.memory_space<hbm>> -> memref<16xf32, #tpu.memory_space<hbm>>
      %dma_wait3A_1052 = tpu.memref_slice %arg6[%mul3A_234] : memref<8192xf32, #tpu.memory_space<vmem>> -> memref<16xf32, #tpu.memory_space<vmem>>
      %dma_wait3A_1053 = tpu.memref_slice %arg3[%multiple_of3A_232] : memref<1000000xf32, #tpu.memory_space<hbm>> -> memref<16xf32, #tpu.memory_space<hbm>>
      tpu.wait_dma2 semaphore(%arg7 : memref<!tpu.dma_semaphore, #tpu.memory_space<semaphore_mem>>) src(%dma_wait3A_1053 : memref<16xf32, #tpu.memory_space<hbm>>) dst(%dma_wait3A_1052 : memref<16xf32, #tpu.memory_space<vmem>>)
      %dma_wait3A_1054 = tpu.memref_slice %arg6[%mul3A_249] : memref<8192xf32, #tpu.memory_space<vmem>> -> memref<16xf32, #tpu.memory_space<vmem>>
      %dma_wait3A_1055 = tpu.memref_slice %arg3[%multiple_of3A_247] : memref<1000000xf32, #tpu.memory_space<hbm>> -> memref<16xf32, #tpu.memory_space<hbm>>
      %dma_wait3A_1056 = tpu.memref_slice %arg6[%mul3A_249] : memref<8192xf32, #tpu.memory_space<vmem>> -> memref<16xf32, #tpu.memory_space<vmem>>
      %dma_wait3A_1057 = tpu.memref_slice %arg3[%multiple_of3A_247] : memref<1000000xf32, #tpu.memory_space<hbm>> -> memref<16xf32, #tpu.memory_space<hbm>>
      tpu.wait_dma2 semaphore(%arg7 : memref<!tpu.dma_semaphore, #tpu.memory_space<semaphore_mem>>) src(%dma_wait3A_1057 : memref<16xf32, #tpu.memory_space<hbm>>) dst(%dma_wait3A_1056 : memref<16xf32, #tpu.memory_space<vmem>>)
      %dma_wait3A_1058 = tpu.memref_slice %arg6[%mul3A_271] : memref<8192xf32, #tpu.memory_space<vmem>> -> memref<16xf32, #tpu.memory_space<vmem>>
      %dma_wait3A_1059 = tpu.memref_slice %arg3[%multiple_of3A_269] : memref<1000000xf32, #tpu.memory_space<hbm>> -> memref<16xf32, #tpu.memory_space<hbm>>
      %dma_wait3A_1060 = tpu.memref_slice %arg6[%mul3A_271] : memref<8192xf32, #tpu.memory_space<vmem>> -> memref<16xf32, #tpu.memory_space<vmem>>
      %dma_wait3A_1061 = tpu.memref_slice %arg3[%multiple_of3A_269] : memref<1000000xf32, #tpu.memory_space<hbm>> -> memref<16xf32, #tpu.memory_space<hbm>>
      tpu.wait_dma2 semaphore(%arg7 : memref<!tpu.dma_semaphore, #tpu.memory_space<semaphore_mem>>) src(%dma_wait3A_1061 : memref<16xf32, #tpu.memory_space<hbm>>) dst(%dma_wait3A_1060 : memref<16xf32, #tpu.memory_space<vmem>>)
      %dma_wait3A_1062 = tpu.memref_slice %arg6[%mul3A_286] : memref<8192xf32, #tpu.memory_space<vmem>> -> memref<16xf32, #tpu.memory_space<vmem>>
      %dma_wait3A_1063 = tpu.memref_slice %arg3[%multiple_of3A_284] : memref<1000000xf32, #tpu.memory_space<hbm>> -> memref<16xf32, #tpu.memory_space<hbm>>
      %dma_wait3A_1064 = tpu.memref_slice %arg6[%mul3A_286] : memref<8192xf32, #tpu.memory_space<vmem>> -> memref<16xf32, #tpu.memory_space<vmem>>
      %dma_wait3A_1065 = tpu.memref_slice %arg3[%multiple_of3A_284] : memref<1000000xf32, #tpu.memory_space<hbm>> -> memref<16xf32, #tpu.memory_space<hbm>>
      tpu.wait_dma2 semaphore(%arg7 : memref<!tpu.dma_semaphore, #tpu.memory_space<semaphore_mem>>) src(%dma_wait3A_1065 : memref<16xf32, #tpu.memory_space<hbm>>) dst(%dma_wait3A_1064 : memref<16xf32, #tpu.memory_space<vmem>>)
      %dma_wait3A_1066 = tpu.memref_slice %arg6[%mul3A_301] : memref<8192xf32, #tpu.memory_space<vmem>> -> memref<16xf32, #tpu.memory_space<vmem>>
      %dma_wait3A_1067 = tpu.memref_slice %arg3[%multiple_of3A_299] : memref<1000000xf32, #tpu.memory_space<hbm>> -> memref<16xf32, #tpu.memory_space<hbm>>
      %dma_wait3A_1068 = tpu.memref_slice %arg6[%mul3A_301] : memref<8192xf32, #tpu.memory_space<vmem>> -> memref<16xf32, #tpu.memory_space<vmem>>
      %dma_wait3A_1069 = tpu.memref_slice %arg3[%multiple_of3A_299] : memref<1000000xf32, #tpu.memory_space<hbm>> -> memref<16xf32, #tpu.memory_space<hbm>>
      tpu.wait_dma2 semaphore(%arg7 : memref<!tpu.dma_semaphore, #tpu.memory_space<semaphore_mem>>) src(%dma_wait3A_1069 : memref<16xf32, #tpu.memory_space<hbm>>) dst(%dma_wait3A_1068 : memref<16xf32, #tpu.memory_space<vmem>>)
      %dma_wait3A_1070 = tpu.memref_slice %arg6[%mul3A_316] : memref<8192xf32, #tpu.memory_space<vmem>> -> memref<16xf32, #tpu.memory_space<vmem>>
      %dma_wait3A_1071 = tpu.memref_slice %arg3[%multiple_of3A_314] : memref<1000000xf32, #tpu.memory_space<hbm>> -> memref<16xf32, #tpu.memory_space<hbm>>
      %dma_wait3A_1072 = tpu.memref_slice %arg6[%mul3A_316] : memref<8192xf32, #tpu.memory_space<vmem>> -> memref<16xf32, #tpu.memory_space<vmem>>
      %dma_wait3A_1073 = tpu.memref_slice %arg3[%multiple_of3A_314] : memref<1000000xf32, #tpu.memory_space<hbm>> -> memref<16xf32, #tpu.memory_space<hbm>>
      tpu.wait_dma2 semaphore(%arg7 : memref<!tpu.dma_semaphore, #tpu.memory_space<semaphore_mem>>) src(%dma_wait3A_1073 : memref<16xf32, #tpu.memory_space<hbm>>) dst(%dma_wait3A_1072 : memref<16xf32, #tpu.memory_space<vmem>>)
      %dma_wait3A_1074 = tpu.memref_slice %arg6[%mul3A_331] : memref<8192xf32, #tpu.memory_space<vmem>> -> memref<16xf32, #tpu.memory_space<vmem>>
      %dma_wait3A_1075 = tpu.memref_slice %arg3[%multiple_of3A_329] : memref<1000000xf32, #tpu.memory_space<hbm>> -> memref<16xf32, #tpu.memory_space<hbm>>
      %dma_wait3A_1076 = tpu.memref_slice %arg6[%mul3A_331] : memref<8192xf32, #tpu.memory_space<vmem>> -> memref<16xf32, #tpu.memory_space<vmem>>
      %dma_wait3A_1077 = tpu.memref_slice %arg3[%multiple_of3A_329] : memref<1000000xf32, #tpu.memory_space<hbm>> -> memref<16xf32, #tpu.memory_space<hbm>>
      tpu.wait_dma2 semaphore(%arg7 : memref<!tpu.dma_semaphore, #tpu.memory_space<semaphore_mem>>) src(%dma_wait3A_1077 : memref<16xf32, #tpu.memory_space<hbm>>) dst(%dma_wait3A_1076 : memref<16xf32, #tpu.memory_space<vmem>>)
      %dma_wait3A_1078 = tpu.memref_slice %arg6[%mul3A_346] : memref<8192xf32, #tpu.memory_space<vmem>> -> memref<16xf32, #tpu.memory_space<vmem>>
      %dma_wait3A_1079 = tpu.memref_slice %arg3[%multiple_of3A_344] : memref<1000000xf32, #tpu.memory_space<hbm>> -> memref<16xf32, #tpu.memory_space<hbm>>
      %dma_wait3A_1080 = tpu.memref_slice %arg6[%mul3A_346] : memref<8192xf32, #tpu.memory_space<vmem>> -> memref<16xf32, #tpu.memory_space<vmem>>
      %dma_wait3A_1081 = tpu.memref_slice %arg3[%multiple_of3A_344] : memref<1000000xf32, #tpu.memory_space<hbm>> -> memref<16xf32, #tpu.memory_space<hbm>>
      tpu.wait_dma2 semaphore(%arg7 : memref<!tpu.dma_semaphore, #tpu.memory_space<semaphore_mem>>) src(%dma_wait3A_1081 : memref<16xf32, #tpu.memory_space<hbm>>) dst(%dma_wait3A_1080 : memref<16xf32, #tpu.memory_space<vmem>>)
      %dma_wait3A_1082 = tpu.memref_slice %arg6[%mul3A_361] : memref<8192xf32, #tpu.memory_space<vmem>> -> memref<16xf32, #tpu.memory_space<vmem>>
      %dma_wait3A_1083 = tpu.memref_slice %arg3[%multiple_of3A_359] : memref<1000000xf32, #tpu.memory_space<hbm>> -> memref<16xf32, #tpu.memory_space<hbm>>
      %dma_wait3A_1084 = tpu.memref_slice %arg6[%mul3A_361] : memref<8192xf32, #tpu.memory_space<vmem>> -> memref<16xf32, #tpu.memory_space<vmem>>
      %dma_wait3A_1085 = tpu.memref_slice %arg3[%multiple_of3A_359] : memref<1000000xf32, #tpu.memory_space<hbm>> -> memref<16xf32, #tpu.memory_space<hbm>>
      tpu.wait_dma2 semaphore(%arg7 : memref<!tpu.dma_semaphore, #tpu.memory_space<semaphore_mem>>) src(%dma_wait3A_1085 : memref<16xf32, #tpu.memory_space<hbm>>) dst(%dma_wait3A_1084 : memref<16xf32, #tpu.memory_space<vmem>>)
      %dma_wait3A_1086 = tpu.memref_slice %arg6[%mul3A_376] : memref<8192xf32, #tpu.memory_space<vmem>> -> memref<16xf32, #tpu.memory_space<vmem>>
      %dma_wait3A_1087 = tpu.memref_slice %arg3[%multiple_of3A_374] : memref<1000000xf32, #tpu.memory_space<hbm>> -> memref<16xf32, #tpu.memory_space<hbm>>
      %dma_wait3A_1088 = tpu.memref_slice %arg6[%mul3A_376] : memref<8192xf32, #tpu.memory_space<vmem>> -> memref<16xf32, #tpu.memory_space<vmem>>
      %dma_wait3A_1089 = tpu.memref_slice %arg3[%multiple_of3A_374] : memref<1000000xf32, #tpu.memory_space<hbm>> -> memref<16xf32, #tpu.memory_space<hbm>>
      tpu.wait_dma2 semaphore(%arg7 : memref<!tpu.dma_semaphore, #tpu.memory_space<semaphore_mem>>) src(%dma_wait3A_1089 : memref<16xf32, #tpu.memory_space<hbm>>) dst(%dma_wait3A_1088 : memref<16xf32, #tpu.memory_space<vmem>>)
      %dma_wait3A_1090 = tpu.memref_slice %arg6[%mul3A_391] : memref<8192xf32, #tpu.memory_space<vmem>> -> memref<16xf32, #tpu.memory_space<vmem>>
      %dma_wait3A_1091 = tpu.memref_slice %arg3[%multiple_of3A_389] : memref<1000000xf32, #tpu.memory_space<hbm>> -> memref<16xf32, #tpu.memory_space<hbm>>
      %dma_wait3A_1092 = tpu.memref_slice %arg6[%mul3A_391] : memref<8192xf32, #tpu.memory_space<vmem>> -> memref<16xf32, #tpu.memory_space<vmem>>
      %dma_wait3A_1093 = tpu.memref_slice %arg3[%multiple_of3A_389] : memref<1000000xf32, #tpu.memory_space<hbm>> -> memref<16xf32, #tpu.memory_space<hbm>>
      tpu.wait_dma2 semaphore(%arg7 : memref<!tpu.dma_semaphore, #tpu.memory_space<semaphore_mem>>) src(%dma_wait3A_1093 : memref<16xf32, #tpu.memory_space<hbm>>) dst(%dma_wait3A_1092 : memref<16xf32, #tpu.memory_space<vmem>>)
      %dma_wait3A_1094 = tpu.memref_slice %arg6[%mul3A_406] : memref<8192xf32, #tpu.memory_space<vmem>> -> memref<16xf32, #tpu.memory_space<vmem>>
      %dma_wait3A_1095 = tpu.memref_slice %arg3[%multiple_of3A_404] : memref<1000000xf32, #tpu.memory_space<hbm>> -> memref<16xf32, #tpu.memory_space<hbm>>
      %dma_wait3A_1096 = tpu.memref_slice %arg6[%mul3A_406] : memref<8192xf32, #tpu.memory_space<vmem>> -> memref<16xf32, #tpu.memory_space<vmem>>
      %dma_wait3A_1097 = tpu.memref_slice %arg3[%multiple_of3A_404] : memref<1000000xf32, #tpu.memory_space<hbm>> -> memref<16xf32, #tpu.memory_space<hbm>>
      tpu.wait_dma2 semaphore(%arg7 : memref<!tpu.dma_semaphore, #tpu.memory_space<semaphore_mem>>) src(%dma_wait3A_1097 : memref<16xf32, #tpu.memory_space<hbm>>) dst(%dma_wait3A_1096 : memref<16xf32, #tpu.memory_space<vmem>>)
      %dma_wait3A_1098 = tpu.memref_slice %arg6[%mul3A_421] : memref<8192xf32, #tpu.memory_space<vmem>> -> memref<16xf32, #tpu.memory_space<vmem>>
      %dma_wait3A_1099 = tpu.memref_slice %arg3[%multiple_of3A_419] : memref<1000000xf32, #tpu.memory_space<hbm>> -> memref<16xf32, #tpu.memory_space<hbm>>
      %dma_wait3A_1100 = tpu.memref_slice %arg6[%mul3A_421] : memref<8192xf32, #tpu.memory_space<vmem>> -> memref<16xf32, #tpu.memory_space<vmem>>
      %dma_wait3A_1101 = tpu.memref_slice %arg3[%multiple_of3A_419] : memref<1000000xf32, #tpu.memory_space<hbm>> -> memref<16xf32, #tpu.memory_space<hbm>>
      tpu.wait_dma2 semaphore(%arg7 : memref<!tpu.dma_semaphore, #tpu.memory_space<semaphore_mem>>) src(%dma_wait3A_1101 : memref<16xf32, #tpu.memory_space<hbm>>) dst(%dma_wait3A_1100 : memref<16xf32, #tpu.memory_space<vmem>>)
      %dma_wait3A_1102 = tpu.memref_slice %arg6[%mul3A_436] : memref<8192xf32, #tpu.memory_space<vmem>> -> memref<16xf32, #tpu.memory_space<vmem>>
      %dma_wait3A_1103 = tpu.memref_slice %arg3[%multiple_of3A_434] : memref<1000000xf32, #tpu.memory_space<hbm>> -> memref<16xf32, #tpu.memory_space<hbm>>
      %dma_wait3A_1104 = tpu.memref_slice %arg6[%mul3A_436] : memref<8192xf32, #tpu.memory_space<vmem>> -> memref<16xf32, #tpu.memory_space<vmem>>
      %dma_wait3A_1105 = tpu.memref_slice %arg3[%multiple_of3A_434] : memref<1000000xf32, #tpu.memory_space<hbm>> -> memref<16xf32, #tpu.memory_space<hbm>>
      tpu.wait_dma2 semaphore(%arg7 : memref<!tpu.dma_semaphore, #tpu.memory_space<semaphore_mem>>) src(%dma_wait3A_1105 : memref<16xf32, #tpu.memory_space<hbm>>) dst(%dma_wait3A_1104 : memref<16xf32, #tpu.memory_space<vmem>>)
      %dma_wait3A_1106 = tpu.memref_slice %arg6[%mul3A_451] : memref<8192xf32, #tpu.memory_space<vmem>> -> memref<16xf32, #tpu.memory_space<vmem>>
      %dma_wait3A_1107 = tpu.memref_slice %arg3[%multiple_of3A_449] : memref<1000000xf32, #tpu.memory_space<hbm>> -> memref<16xf32, #tpu.memory_space<hbm>>
      %dma_wait3A_1108 = tpu.memref_slice %arg6[%mul3A_451] : memref<8192xf32, #tpu.memory_space<vmem>> -> memref<16xf32, #tpu.memory_space<vmem>>
      %dma_wait3A_1109 = tpu.memref_slice %arg3[%multiple_of3A_449] : memref<1000000xf32, #tpu.memory_space<hbm>> -> memref<16xf32, #tpu.memory_space<hbm>>
      tpu.wait_dma2 semaphore(%arg7 : memref<!tpu.dma_semaphore, #tpu.memory_space<semaphore_mem>>) src(%dma_wait3A_1109 : memref<16xf32, #tpu.memory_space<hbm>>) dst(%dma_wait3A_1108 : memref<16xf32, #tpu.memory_space<vmem>>)
      %dma_wait3A_1110 = tpu.memref_slice %arg6[%mul3A_466] : memref<8192xf32, #tpu.memory_space<vmem>> -> memref<16xf32, #tpu.memory_space<vmem>>
      %dma_wait3A_1111 = tpu.memref_slice %arg3[%multiple_of3A_464] : memref<1000000xf32, #tpu.memory_space<hbm>> -> memref<16xf32, #tpu.memory_space<hbm>>
      %dma_wait3A_1112 = tpu.memref_slice %arg6[%mul3A_466] : memref<8192xf32, #tpu.memory_space<vmem>> -> memref<16xf32, #tpu.memory_space<vmem>>
      %dma_wait3A_1113 = tpu.memref_slice %arg3[%multiple_of3A_464] : memref<1000000xf32, #tpu.memory_space<hbm>> -> memref<16xf32, #tpu.memory_space<hbm>>
      tpu.wait_dma2 semaphore(%arg7 : memref<!tpu.dma_semaphore, #tpu.memory_space<semaphore_mem>>) src(%dma_wait3A_1113 : memref<16xf32, #tpu.memory_space<hbm>>) dst(%dma_wait3A_1112 : memref<16xf32, #tpu.memory_space<vmem>>)
      %dma_wait3A_1114 = tpu.memref_slice %arg6[%mul3A_481] : memref<8192xf32, #tpu.memory_space<vmem>> -> memref<16xf32, #tpu.memory_space<vmem>>
      %dma_wait3A_1115 = tpu.memref_slice %arg3[%multiple_of3A_479] : memref<1000000xf32, #tpu.memory_space<hbm>> -> memref<16xf32, #tpu.memory_space<hbm>>
      %dma_wait3A_1116 = tpu.memref_slice %arg6[%mul3A_481] : memref<8192xf32, #tpu.memory_space<vmem>> -> memref<16xf32, #tpu.memory_space<vmem>>
      %dma_wait3A_1117 = tpu.memref_slice %arg3[%multiple_of3A_479] : memref<1000000xf32, #tpu.memory_space<hbm>> -> memref<16xf32, #tpu.memory_space<hbm>>
      tpu.wait_dma2 semaphore(%arg7 : memref<!tpu.dma_semaphore, #tpu.memory_space<semaphore_mem>>) src(%dma_wait3A_1117 : memref<16xf32, #tpu.memory_space<hbm>>) dst(%dma_wait3A_1116 : memref<16xf32, #tpu.memory_space<vmem>>)
      %dma_wait3A_1118 = tpu.memref_slice %arg6[%mul3A_496] : memref<8192xf32, #tpu.memory_space<vmem>> -> memref<16xf32, #tpu.memory_space<vmem>>
      %dma_wait3A_1119 = tpu.memref_slice %arg3[%multiple_of3A_494] : memref<1000000xf32, #tpu.memory_space<hbm>> -> memref<16xf32, #tpu.memory_space<hbm>>
      %dma_wait3A_1120 = tpu.memref_slice %arg6[%mul3A_496] : memref<8192xf32, #tpu.memory_space<vmem>> -> memref<16xf32, #tpu.memory_space<vmem>>
      %dma_wait3A_1121 = tpu.memref_slice %arg3[%multiple_of3A_494] : memref<1000000xf32, #tpu.memory_space<hbm>> -> memref<16xf32, #tpu.memory_space<hbm>>
      tpu.wait_dma2 semaphore(%arg7 : memref<!tpu.dma_semaphore, #tpu.memory_space<semaphore_mem>>) src(%dma_wait3A_1121 : memref<16xf32, #tpu.memory_space<hbm>>) dst(%dma_wait3A_1120 : memref<16xf32, #tpu.memory_space<vmem>>)
      %dma_wait3A_1122 = tpu.memref_slice %arg6[%mul3A_518] : memref<8192xf32, #tpu.memory_space<vmem>> -> memref<16xf32, #tpu.memory_space<vmem>>
      %dma_wait3A_1123 = tpu.memref_slice %arg3[%multiple_of3A_516] : memref<1000000xf32, #tpu.memory_space<hbm>> -> memref<16xf32, #tpu.memory_space<hbm>>
      %dma_wait3A_1124 = tpu.memref_slice %arg6[%mul3A_518] : memref<8192xf32, #tpu.memory_space<vmem>> -> memref<16xf32, #tpu.memory_space<vmem>>
      %dma_wait3A_1125 = tpu.memref_slice %arg3[%multiple_of3A_516] : memref<1000000xf32, #tpu.memory_space<hbm>> -> memref<16xf32, #tpu.memory_space<hbm>>
      tpu.wait_dma2 semaphore(%arg7 : memref<!tpu.dma_semaphore, #tpu.memory_space<semaphore_mem>>) src(%dma_wait3A_1125 : memref<16xf32, #tpu.memory_space<hbm>>) dst(%dma_wait3A_1124 : memref<16xf32, #tpu.memory_space<vmem>>)
      %dma_wait3A_1126 = tpu.memref_slice %arg6[%mul3A_533] : memref<8192xf32, #tpu.memory_space<vmem>> -> memref<16xf32, #tpu.memory_space<vmem>>
      %dma_wait3A_1127 = tpu.memref_slice %arg3[%multiple_of3A_531] : memref<1000000xf32, #tpu.memory_space<hbm>> -> memref<16xf32, #tpu.memory_space<hbm>>
      %dma_wait3A_1128 = tpu.memref_slice %arg6[%mul3A_533] : memref<8192xf32, #tpu.memory_space<vmem>> -> memref<16xf32, #tpu.memory_space<vmem>>
      %dma_wait3A_1129 = tpu.memref_slice %arg3[%multiple_of3A_531] : memref<1000000xf32, #tpu.memory_space<hbm>> -> memref<16xf32, #tpu.memory_space<hbm>>
      tpu.wait_dma2 semaphore(%arg7 : memref<!tpu.dma_semaphore, #tpu.memory_space<semaphore_mem>>) src(%dma_wait3A_1129 : memref<16xf32, #tpu.memory_space<hbm>>) dst(%dma_wait3A_1128 : memref<16xf32, #tpu.memory_space<vmem>>)
      %dma_wait3A_1130 = tpu.memref_slice %arg6[%mul3A_548] : memref<8192xf32, #tpu.memory_space<vmem>> -> memref<16xf32, #tpu.memory_space<vmem>>
      %dma_wait3A_1131 = tpu.memref_slice %arg3[%multiple_of3A_546] : memref<1000000xf32, #tpu.memory_space<hbm>> -> memref<16xf32, #tpu.memory_space<hbm>>
      %dma_wait3A_1132 = tpu.memref_slice %arg6[%mul3A_548] : memref<8192xf32, #tpu.memory_space<vmem>> -> memref<16xf32, #tpu.memory_space<vmem>>
      %dma_wait3A_1133 = tpu.memref_slice %arg3[%multiple_of3A_546] : memref<1000000xf32, #tpu.memory_space<hbm>> -> memref<16xf32, #tpu.memory_space<hbm>>
      tpu.wait_dma2 semaphore(%arg7 : memref<!tpu.dma_semaphore, #tpu.memory_space<semaphore_mem>>) src(%dma_wait3A_1133 : memref<16xf32, #tpu.memory_space<hbm>>) dst(%dma_wait3A_1132 : memref<16xf32, #tpu.memory_space<vmem>>)
      %dma_wait3A_1134 = tpu.memref_slice %arg6[%mul3A_563] : memref<8192xf32, #tpu.memory_space<vmem>> -> memref<16xf32, #tpu.memory_space<vmem>>
      %dma_wait3A_1135 = tpu.memref_slice %arg3[%multiple_of3A_561] : memref<1000000xf32, #tpu.memory_space<hbm>> -> memref<16xf32, #tpu.memory_space<hbm>>
      %dma_wait3A_1136 = tpu.memref_slice %arg6[%mul3A_563] : memref<8192xf32, #tpu.memory_space<vmem>> -> memref<16xf32, #tpu.memory_space<vmem>>
      %dma_wait3A_1137 = tpu.memref_slice %arg3[%multiple_of3A_561] : memref<1000000xf32, #tpu.memory_space<hbm>> -> memref<16xf32, #tpu.memory_space<hbm>>
      tpu.wait_dma2 semaphore(%arg7 : memref<!tpu.dma_semaphore, #tpu.memory_space<semaphore_mem>>) src(%dma_wait3A_1137 : memref<16xf32, #tpu.memory_space<hbm>>) dst(%dma_wait3A_1136 : memref<16xf32, #tpu.memory_space<vmem>>)
      %dma_wait3A_1138 = tpu.memref_slice %arg6[%mul3A_578] : memref<8192xf32, #tpu.memory_space<vmem>> -> memref<16xf32, #tpu.memory_space<vmem>>
      %dma_wait3A_1139 = tpu.memref_slice %arg3[%multiple_of3A_576] : memref<1000000xf32, #tpu.memory_space<hbm>> -> memref<16xf32, #tpu.memory_space<hbm>>
      %dma_wait3A_1140 = tpu.memref_slice %arg6[%mul3A_578] : memref<8192xf32, #tpu.memory_space<vmem>> -> memref<16xf32, #tpu.memory_space<vmem>>
      %dma_wait3A_1141 = tpu.memref_slice %arg3[%multiple_of3A_576] : memref<1000000xf32, #tpu.memory_space<hbm>> -> memref<16xf32, #tpu.memory_space<hbm>>
      tpu.wait_dma2 semaphore(%arg7 : memref<!tpu.dma_semaphore, #tpu.memory_space<semaphore_mem>>) src(%dma_wait3A_1141 : memref<16xf32, #tpu.memory_space<hbm>>) dst(%dma_wait3A_1140 : memref<16xf32, #tpu.memory_space<vmem>>)
      %dma_wait3A_1142 = tpu.memref_slice %arg6[%mul3A_593] : memref<8192xf32, #tpu.memory_space<vmem>> -> memref<16xf32, #tpu.memory_space<vmem>>
      %dma_wait3A_1143 = tpu.memref_slice %arg3[%multiple_of3A_591] : memref<1000000xf32, #tpu.memory_space<hbm>> -> memref<16xf32, #tpu.memory_space<hbm>>
      %dma_wait3A_1144 = tpu.memref_slice %arg6[%mul3A_593] : memref<8192xf32, #tpu.memory_space<vmem>> -> memref<16xf32, #tpu.memory_space<vmem>>
      %dma_wait3A_1145 = tpu.memref_slice %arg3[%multiple_of3A_591] : memref<1000000xf32, #tpu.memory_space<hbm>> -> memref<16xf32, #tpu.memory_space<hbm>>
      tpu.wait_dma2 semaphore(%arg7 : memref<!tpu.dma_semaphore, #tpu.memory_space<semaphore_mem>>) src(%dma_wait3A_1145 : memref<16xf32, #tpu.memory_space<hbm>>) dst(%dma_wait3A_1144 : memref<16xf32, #tpu.memory_space<vmem>>)
      %dma_wait3A_1146 = tpu.memref_slice %arg6[%mul3A_608] : memref<8192xf32, #tpu.memory_space<vmem>> -> memref<16xf32, #tpu.memory_space<vmem>>
      %dma_wait3A_1147 = tpu.memref_slice %arg3[%multiple_of3A_606] : memref<1000000xf32, #tpu.memory_space<hbm>> -> memref<16xf32, #tpu.memory_space<hbm>>
      %dma_wait3A_1148 = tpu.memref_slice %arg6[%mul3A_608] : memref<8192xf32, #tpu.memory_space<vmem>> -> memref<16xf32, #tpu.memory_space<vmem>>
      %dma_wait3A_1149 = tpu.memref_slice %arg3[%multiple_of3A_606] : memref<1000000xf32, #tpu.memory_space<hbm>> -> memref<16xf32, #tpu.memory_space<hbm>>
      tpu.wait_dma2 semaphore(%arg7 : memref<!tpu.dma_semaphore, #tpu.memory_space<semaphore_mem>>) src(%dma_wait3A_1149 : memref<16xf32, #tpu.memory_space<hbm>>) dst(%dma_wait3A_1148 : memref<16xf32, #tpu.memory_space<vmem>>)
      %dma_wait3A_1150 = tpu.memref_slice %arg6[%mul3A_623] : memref<8192xf32, #tpu.memory_space<vmem>> -> memref<16xf32, #tpu.memory_space<vmem>>
      %dma_wait3A_1151 = tpu.memref_slice %arg3[%multiple_of3A_621] : memref<1000000xf32, #tpu.memory_space<hbm>> -> memref<16xf32, #tpu.memory_space<hbm>>
      %dma_wait3A_1152 = tpu.memref_slice %arg6[%mul3A_623] : memref<8192xf32, #tpu.memory_space<vmem>> -> memref<16xf32, #tpu.memory_space<vmem>>
      %dma_wait3A_1153 = tpu.memref_slice %arg3[%multiple_of3A_621] : memref<1000000xf32, #tpu.memory_space<hbm>> -> memref<16xf32, #tpu.memory_space<hbm>>
      tpu.wait_dma2 semaphore(%arg7 : memref<!tpu.dma_semaphore, #tpu.memory_space<semaphore_mem>>) src(%dma_wait3A_1153 : memref<16xf32, #tpu.memory_space<hbm>>) dst(%dma_wait3A_1152 : memref<16xf32, #tpu.memory_space<vmem>>)
      %dma_wait3A_1154 = tpu.memref_slice %arg6[%mul3A_638] : memref<8192xf32, #tpu.memory_space<vmem>> -> memref<16xf32, #tpu.memory_space<vmem>>
      %dma_wait3A_1155 = tpu.memref_slice %arg3[%multiple_of3A_636] : memref<1000000xf32, #tpu.memory_space<hbm>> -> memref<16xf32, #tpu.memory_space<hbm>>
      %dma_wait3A_1156 = tpu.memref_slice %arg6[%mul3A_638] : memref<8192xf32, #tpu.memory_space<vmem>> -> memref<16xf32, #tpu.memory_space<vmem>>
      %dma_wait3A_1157 = tpu.memref_slice %arg3[%multiple_of3A_636] : memref<1000000xf32, #tpu.memory_space<hbm>> -> memref<16xf32, #tpu.memory_space<hbm>>
      tpu.wait_dma2 semaphore(%arg7 : memref<!tpu.dma_semaphore, #tpu.memory_space<semaphore_mem>>) src(%dma_wait3A_1157 : memref<16xf32, #tpu.memory_space<hbm>>) dst(%dma_wait3A_1156 : memref<16xf32, #tpu.memory_space<vmem>>)
      %dma_wait3A_1158 = tpu.memref_slice %arg6[%mul3A_653] : memref<8192xf32, #tpu.memory_space<vmem>> -> memref<16xf32, #tpu.memory_space<vmem>>
      %dma_wait3A_1159 = tpu.memref_slice %arg3[%multiple_of3A_651] : memref<1000000xf32, #tpu.memory_space<hbm>> -> memref<16xf32, #tpu.memory_space<hbm>>
      %dma_wait3A_1160 = tpu.memref_slice %arg6[%mul3A_653] : memref<8192xf32, #tpu.memory_space<vmem>> -> memref<16xf32, #tpu.memory_space<vmem>>
      %dma_wait3A_1161 = tpu.memref_slice %arg3[%multiple_of3A_651] : memref<1000000xf32, #tpu.memory_space<hbm>> -> memref<16xf32, #tpu.memory_space<hbm>>
      tpu.wait_dma2 semaphore(%arg7 : memref<!tpu.dma_semaphore, #tpu.memory_space<semaphore_mem>>) src(%dma_wait3A_1161 : memref<16xf32, #tpu.memory_space<hbm>>) dst(%dma_wait3A_1160 : memref<16xf32, #tpu.memory_space<vmem>>)
      %dma_wait3A_1162 = tpu.memref_slice %arg6[%mul3A_668] : memref<8192xf32, #tpu.memory_space<vmem>> -> memref<16xf32, #tpu.memory_space<vmem>>
      %dma_wait3A_1163 = tpu.memref_slice %arg3[%multiple_of3A_666] : memref<1000000xf32, #tpu.memory_space<hbm>> -> memref<16xf32, #tpu.memory_space<hbm>>
      %dma_wait3A_1164 = tpu.memref_slice %arg6[%mul3A_668] : memref<8192xf32, #tpu.memory_space<vmem>> -> memref<16xf32, #tpu.memory_space<vmem>>
      %dma_wait3A_1165 = tpu.memref_slice %arg3[%multiple_of3A_666] : memref<1000000xf32, #tpu.memory_space<hbm>> -> memref<16xf32, #tpu.memory_space<hbm>>
      tpu.wait_dma2 semaphore(%arg7 : memref<!tpu.dma_semaphore, #tpu.memory_space<semaphore_mem>>) src(%dma_wait3A_1165 : memref<16xf32, #tpu.memory_space<hbm>>) dst(%dma_wait3A_1164 : memref<16xf32, #tpu.memory_space<vmem>>)
      %dma_wait3A_1166 = tpu.memref_slice %arg6[%mul3A_683] : memref<8192xf32, #tpu.memory_space<vmem>> -> memref<16xf32, #tpu.memory_space<vmem>>
      %dma_wait3A_1167 = tpu.memref_slice %arg3[%multiple_of3A_681] : memref<1000000xf32, #tpu.memory_space<hbm>> -> memref<16xf32, #tpu.memory_space<hbm>>
      %dma_wait3A_1168 = tpu.memref_slice %arg6[%mul3A_683] : memref<8192xf32, #tpu.memory_space<vmem>> -> memref<16xf32, #tpu.memory_space<vmem>>
      %dma_wait3A_1169 = tpu.memref_slice %arg3[%multiple_of3A_681] : memref<1000000xf32, #tpu.memory_space<hbm>> -> memref<16xf32, #tpu.memory_space<hbm>>
      tpu.wait_dma2 semaphore(%arg7 : memref<!tpu.dma_semaphore, #tpu.memory_space<semaphore_mem>>) src(%dma_wait3A_1169 : memref<16xf32, #tpu.memory_space<hbm>>) dst(%dma_wait3A_1168 : memref<16xf32, #tpu.memory_space<vmem>>)
      %dma_wait3A_1170 = tpu.memref_slice %arg6[%mul3A_698] : memref<8192xf32, #tpu.memory_space<vmem>> -> memref<16xf32, #tpu.memory_space<vmem>>
      %dma_wait3A_1171 = tpu.memref_slice %arg3[%multiple_of3A_696] : memref<1000000xf32, #tpu.memory_space<hbm>> -> memref<16xf32, #tpu.memory_space<hbm>>
      %dma_wait3A_1172 = tpu.memref_slice %arg6[%mul3A_698] : memref<8192xf32, #tpu.memory_space<vmem>> -> memref<16xf32, #tpu.memory_space<vmem>>
      %dma_wait3A_1173 = tpu.memref_slice %arg3[%multiple_of3A_696] : memref<1000000xf32, #tpu.memory_space<hbm>> -> memref<16xf32, #tpu.memory_space<hbm>>
      tpu.wait_dma2 semaphore(%arg7 : memref<!tpu.dma_semaphore, #tpu.memory_space<semaphore_mem>>) src(%dma_wait3A_1173 : memref<16xf32, #tpu.memory_space<hbm>>) dst(%dma_wait3A_1172 : memref<16xf32, #tpu.memory_space<vmem>>)
      %dma_wait3A_1174 = tpu.memref_slice %arg6[%mul3A_713] : memref<8192xf32, #tpu.memory_space<vmem>> -> memref<16xf32, #tpu.memory_space<vmem>>
      %dma_wait3A_1175 = tpu.memref_slice %arg3[%multiple_of3A_711] : memref<1000000xf32, #tpu.memory_space<hbm>> -> memref<16xf32, #tpu.memory_space<hbm>>
      %dma_wait3A_1176 = tpu.memref_slice %arg6[%mul3A_713] : memref<8192xf32, #tpu.memory_space<vmem>> -> memref<16xf32, #tpu.memory_space<vmem>>
      %dma_wait3A_1177 = tpu.memref_slice %arg3[%multiple_of3A_711] : memref<1000000xf32, #tpu.memory_space<hbm>> -> memref<16xf32, #tpu.memory_space<hbm>>
      tpu.wait_dma2 semaphore(%arg7 : memref<!tpu.dma_semaphore, #tpu.memory_space<semaphore_mem>>) src(%dma_wait3A_1177 : memref<16xf32, #tpu.memory_space<hbm>>) dst(%dma_wait3A_1176 : memref<16xf32, #tpu.memory_space<vmem>>)
      %dma_wait3A_1178 = tpu.memref_slice %arg6[%mul3A_728] : memref<8192xf32, #tpu.memory_space<vmem>> -> memref<16xf32, #tpu.memory_space<vmem>>
      %dma_wait3A_1179 = tpu.memref_slice %arg3[%multiple_of3A_726] : memref<1000000xf32, #tpu.memory_space<hbm>> -> memref<16xf32, #tpu.memory_space<hbm>>
      %dma_wait3A_1180 = tpu.memref_slice %arg6[%mul3A_728] : memref<8192xf32, #tpu.memory_space<vmem>> -> memref<16xf32, #tpu.memory_space<vmem>>
      %dma_wait3A_1181 = tpu.memref_slice %arg3[%multiple_of3A_726] : memref<1000000xf32, #tpu.memory_space<hbm>> -> memref<16xf32, #tpu.memory_space<hbm>>
      tpu.wait_dma2 semaphore(%arg7 : memref<!tpu.dma_semaphore, #tpu.memory_space<semaphore_mem>>) src(%dma_wait3A_1181 : memref<16xf32, #tpu.memory_space<hbm>>) dst(%dma_wait3A_1180 : memref<16xf32, #tpu.memory_space<vmem>>)
      %dma_wait3A_1182 = tpu.memref_slice %arg6[%mul3A_743] : memref<8192xf32, #tpu.memory_space<vmem>> -> memref<16xf32, #tpu.memory_space<vmem>>
      %dma_wait3A_1183 = tpu.memref_slice %arg3[%multiple_of3A_741] : memref<1000000xf32, #tpu.memory_space<hbm>> -> memref<16xf32, #tpu.memory_space<hbm>>
      %dma_wait3A_1184 = tpu.memref_slice %arg6[%mul3A_743] : memref<8192xf32, #tpu.memory_space<vmem>> -> memref<16xf32, #tpu.memory_space<vmem>>
      %dma_wait3A_1185 = tpu.memref_slice %arg3[%multiple_of3A_741] : memref<1000000xf32, #tpu.memory_space<hbm>> -> memref<16xf32, #tpu.memory_space<hbm>>
      tpu.wait_dma2 semaphore(%arg7 : memref<!tpu.dma_semaphore, #tpu.memory_space<semaphore_mem>>) src(%dma_wait3A_1185 : memref<16xf32, #tpu.memory_space<hbm>>) dst(%dma_wait3A_1184 : memref<16xf32, #tpu.memory_space<vmem>>)
      %dma_wait3A_1186 = tpu.memref_slice %arg6[%mul3A_765] : memref<8192xf32, #tpu.memory_space<vmem>> -> memref<16xf32, #tpu.memory_space<vmem>>
      %dma_wait3A_1187 = tpu.memref_slice %arg3[%multiple_of3A_763] : memref<1000000xf32, #tpu.memory_space<hbm>> -> memref<16xf32, #tpu.memory_space<hbm>>
      %dma_wait3A_1188 = tpu.memref_slice %arg6[%mul3A_765] : memref<8192xf32, #tpu.memory_space<vmem>> -> memref<16xf32, #tpu.memory_space<vmem>>
      %dma_wait3A_1189 = tpu.memref_slice %arg3[%multiple_of3A_763] : memref<1000000xf32, #tpu.memory_space<hbm>> -> memref<16xf32, #tpu.memory_space<hbm>>
      tpu.wait_dma2 semaphore(%arg7 : memref<!tpu.dma_semaphore, #tpu.memory_space<semaphore_mem>>) src(%dma_wait3A_1189 : memref<16xf32, #tpu.memory_space<hbm>>) dst(%dma_wait3A_1188 : memref<16xf32, #tpu.memory_space<vmem>>)
      %dma_wait3A_1190 = tpu.memref_slice %arg6[%mul3A_780] : memref<8192xf32, #tpu.memory_space<vmem>> -> memref<16xf32, #tpu.memory_space<vmem>>
      %dma_wait3A_1191 = tpu.memref_slice %arg3[%multiple_of3A_778] : memref<1000000xf32, #tpu.memory_space<hbm>> -> memref<16xf32, #tpu.memory_space<hbm>>
      %dma_wait3A_1192 = tpu.memref_slice %arg6[%mul3A_780] : memref<8192xf32, #tpu.memory_space<vmem>> -> memref<16xf32, #tpu.memory_space<vmem>>
      %dma_wait3A_1193 = tpu.memref_slice %arg3[%multiple_of3A_778] : memref<1000000xf32, #tpu.memory_space<hbm>> -> memref<16xf32, #tpu.memory_space<hbm>>
      tpu.wait_dma2 semaphore(%arg7 : memref<!tpu.dma_semaphore, #tpu.memory_space<semaphore_mem>>) src(%dma_wait3A_1193 : memref<16xf32, #tpu.memory_space<hbm>>) dst(%dma_wait3A_1192 : memref<16xf32, #tpu.memory_space<vmem>>)
      %dma_wait3A_1194 = tpu.memref_slice %arg6[%mul3A_795] : memref<8192xf32, #tpu.memory_space<vmem>> -> memref<16xf32, #tpu.memory_space<vmem>>
      %dma_wait3A_1195 = tpu.memref_slice %arg3[%multiple_of3A_793] : memref<1000000xf32, #tpu.memory_space<hbm>> -> memref<16xf32, #tpu.memory_space<hbm>>
      %dma_wait3A_1196 = tpu.memref_slice %arg6[%mul3A_795] : memref<8192xf32, #tpu.memory_space<vmem>> -> memref<16xf32, #tpu.memory_space<vmem>>
      %dma_wait3A_1197 = tpu.memref_slice %arg3[%multiple_of3A_793] : memref<1000000xf32, #tpu.memory_space<hbm>> -> memref<16xf32, #tpu.memory_space<hbm>>
      tpu.wait_dma2 semaphore(%arg7 : memref<!tpu.dma_semaphore, #tpu.memory_space<semaphore_mem>>) src(%dma_wait3A_1197 : memref<16xf32, #tpu.memory_space<hbm>>) dst(%dma_wait3A_1196 : memref<16xf32, #tpu.memory_space<vmem>>)
      %dma_wait3A_1198 = tpu.memref_slice %arg6[%mul3A_810] : memref<8192xf32, #tpu.memory_space<vmem>> -> memref<16xf32, #tpu.memory_space<vmem>>
      %dma_wait3A_1199 = tpu.memref_slice %arg3[%multiple_of3A_808] : memref<1000000xf32, #tpu.memory_space<hbm>> -> memref<16xf32, #tpu.memory_space<hbm>>
      %dma_wait3A_1200 = tpu.memref_slice %arg6[%mul3A_810] : memref<8192xf32, #tpu.memory_space<vmem>> -> memref<16xf32, #tpu.memory_space<vmem>>
      %dma_wait3A_1201 = tpu.memref_slice %arg3[%multiple_of3A_808] : memref<1000000xf32, #tpu.memory_space<hbm>> -> memref<16xf32, #tpu.memory_space<hbm>>
      tpu.wait_dma2 semaphore(%arg7 : memref<!tpu.dma_semaphore, #tpu.memory_space<semaphore_mem>>) src(%dma_wait3A_1201 : memref<16xf32, #tpu.memory_space<hbm>>) dst(%dma_wait3A_1200 : memref<16xf32, #tpu.memory_space<vmem>>)
      %dma_wait3A_1202 = tpu.memref_slice %arg6[%mul3A_825] : memref<8192xf32, #tpu.memory_space<vmem>> -> memref<16xf32, #tpu.memory_space<vmem>>
      %dma_wait3A_1203 = tpu.memref_slice %arg3[%multiple_of3A_823] : memref<1000000xf32, #tpu.memory_space<hbm>> -> memref<16xf32, #tpu.memory_space<hbm>>
      %dma_wait3A_1204 = tpu.memref_slice %arg6[%mul3A_825] : memref<8192xf32, #tpu.memory_space<vmem>> -> memref<16xf32, #tpu.memory_space<vmem>>
      %dma_wait3A_1205 = tpu.memref_slice %arg3[%multiple_of3A_823] : memref<1000000xf32, #tpu.memory_space<hbm>> -> memref<16xf32, #tpu.memory_space<hbm>>
      tpu.wait_dma2 semaphore(%arg7 : memref<!tpu.dma_semaphore, #tpu.memory_space<semaphore_mem>>) src(%dma_wait3A_1205 : memref<16xf32, #tpu.memory_space<hbm>>) dst(%dma_wait3A_1204 : memref<16xf32, #tpu.memory_space<vmem>>)
      %dma_wait3A_1206 = tpu.memref_slice %arg6[%mul3A_840] : memref<8192xf32, #tpu.memory_space<vmem>> -> memref<16xf32, #tpu.memory_space<vmem>>
      %dma_wait3A_1207 = tpu.memref_slice %arg3[%multiple_of3A_838] : memref<1000000xf32, #tpu.memory_space<hbm>> -> memref<16xf32, #tpu.memory_space<hbm>>
      %dma_wait3A_1208 = tpu.memref_slice %arg6[%mul3A_840] : memref<8192xf32, #tpu.memory_space<vmem>> -> memref<16xf32, #tpu.memory_space<vmem>>
      %dma_wait3A_1209 = tpu.memref_slice %arg3[%multiple_of3A_838] : memref<1000000xf32, #tpu.memory_space<hbm>> -> memref<16xf32, #tpu.memory_space<hbm>>
      tpu.wait_dma2 semaphore(%arg7 : memref<!tpu.dma_semaphore, #tpu.memory_space<semaphore_mem>>) src(%dma_wait3A_1209 : memref<16xf32, #tpu.memory_space<hbm>>) dst(%dma_wait3A_1208 : memref<16xf32, #tpu.memory_space<vmem>>)
      %dma_wait3A_1210 = tpu.memref_slice %arg6[%mul3A_855] : memref<8192xf32, #tpu.memory_space<vmem>> -> memref<16xf32, #tpu.memory_space<vmem>>
      %dma_wait3A_1211 = tpu.memref_slice %arg3[%multiple_of3A_853] : memref<1000000xf32, #tpu.memory_space<hbm>> -> memref<16xf32, #tpu.memory_space<hbm>>
      %dma_wait3A_1212 = tpu.memref_slice %arg6[%mul3A_855] : memref<8192xf32, #tpu.memory_space<vmem>> -> memref<16xf32, #tpu.memory_space<vmem>>
      %dma_wait3A_1213 = tpu.memref_slice %arg3[%multiple_of3A_853] : memref<1000000xf32, #tpu.memory_space<hbm>> -> memref<16xf32, #tpu.memory_space<hbm>>
      tpu.wait_dma2 semaphore(%arg7 : memref<!tpu.dma_semaphore, #tpu.memory_space<semaphore_mem>>) src(%dma_wait3A_1213 : memref<16xf32, #tpu.memory_space<hbm>>) dst(%dma_wait3A_1212 : memref<16xf32, #tpu.memory_space<vmem>>)
      %dma_wait3A_1214 = tpu.memref_slice %arg6[%mul3A_870] : memref<8192xf32, #tpu.memory_space<vmem>> -> memref<16xf32, #tpu.memory_space<vmem>>
      %dma_wait3A_1215 = tpu.memref_slice %arg3[%multiple_of3A_868] : memref<1000000xf32, #tpu.memory_space<hbm>> -> memref<16xf32, #tpu.memory_space<hbm>>
      %dma_wait3A_1216 = tpu.memref_slice %arg6[%mul3A_870] : memref<8192xf32, #tpu.memory_space<vmem>> -> memref<16xf32, #tpu.memory_space<vmem>>
      %dma_wait3A_1217 = tpu.memref_slice %arg3[%multiple_of3A_868] : memref<1000000xf32, #tpu.memory_space<hbm>> -> memref<16xf32, #tpu.memory_space<hbm>>
      tpu.wait_dma2 semaphore(%arg7 : memref<!tpu.dma_semaphore, #tpu.memory_space<semaphore_mem>>) src(%dma_wait3A_1217 : memref<16xf32, #tpu.memory_space<hbm>>) dst(%dma_wait3A_1216 : memref<16xf32, #tpu.memory_space<vmem>>)
      %dma_wait3A_1218 = tpu.memref_slice %arg6[%mul3A_885] : memref<8192xf32, #tpu.memory_space<vmem>> -> memref<16xf32, #tpu.memory_space<vmem>>
      %dma_wait3A_1219 = tpu.memref_slice %arg3[%multiple_of3A_883] : memref<1000000xf32, #tpu.memory_space<hbm>> -> memref<16xf32, #tpu.memory_space<hbm>>
      %dma_wait3A_1220 = tpu.memref_slice %arg6[%mul3A_885] : memref<8192xf32, #tpu.memory_space<vmem>> -> memref<16xf32, #tpu.memory_space<vmem>>
      %dma_wait3A_1221 = tpu.memref_slice %arg3[%multiple_of3A_883] : memref<1000000xf32, #tpu.memory_space<hbm>> -> memref<16xf32, #tpu.memory_space<hbm>>
      tpu.wait_dma2 semaphore(%arg7 : memref<!tpu.dma_semaphore, #tpu.memory_space<semaphore_mem>>) src(%dma_wait3A_1221 : memref<16xf32, #tpu.memory_space<hbm>>) dst(%dma_wait3A_1220 : memref<16xf32, #tpu.memory_space<vmem>>)
      %dma_wait3A_1222 = tpu.memref_slice %arg6[%mul3A_900] : memref<8192xf32, #tpu.memory_space<vmem>> -> memref<16xf32, #tpu.memory_space<vmem>>
      %dma_wait3A_1223 = tpu.memref_slice %arg3[%multiple_of3A_898] : memref<1000000xf32, #tpu.memory_space<hbm>> -> memref<16xf32, #tpu.memory_space<hbm>>
      %dma_wait3A_1224 = tpu.memref_slice %arg6[%mul3A_900] : memref<8192xf32, #tpu.memory_space<vmem>> -> memref<16xf32, #tpu.memory_space<vmem>>
      %dma_wait3A_1225 = tpu.memref_slice %arg3[%multiple_of3A_898] : memref<1000000xf32, #tpu.memory_space<hbm>> -> memref<16xf32, #tpu.memory_space<hbm>>
      tpu.wait_dma2 semaphore(%arg7 : memref<!tpu.dma_semaphore, #tpu.memory_space<semaphore_mem>>) src(%dma_wait3A_1225 : memref<16xf32, #tpu.memory_space<hbm>>) dst(%dma_wait3A_1224 : memref<16xf32, #tpu.memory_space<vmem>>)
      %dma_wait3A_1226 = tpu.memref_slice %arg6[%mul3A_915] : memref<8192xf32, #tpu.memory_space<vmem>> -> memref<16xf32, #tpu.memory_space<vmem>>
      %dma_wait3A_1227 = tpu.memref_slice %arg3[%multiple_of3A_913] : memref<1000000xf32, #tpu.memory_space<hbm>> -> memref<16xf32, #tpu.memory_space<hbm>>
      %dma_wait3A_1228 = tpu.memref_slice %arg6[%mul3A_915] : memref<8192xf32, #tpu.memory_space<vmem>> -> memref<16xf32, #tpu.memory_space<vmem>>
      %dma_wait3A_1229 = tpu.memref_slice %arg3[%multiple_of3A_913] : memref<1000000xf32, #tpu.memory_space<hbm>> -> memref<16xf32, #tpu.memory_space<hbm>>
      tpu.wait_dma2 semaphore(%arg7 : memref<!tpu.dma_semaphore, #tpu.memory_space<semaphore_mem>>) src(%dma_wait3A_1229 : memref<16xf32, #tpu.memory_space<hbm>>) dst(%dma_wait3A_1228 : memref<16xf32, #tpu.memory_space<vmem>>)
      %dma_wait3A_1230 = tpu.memref_slice %arg6[%mul3A_930] : memref<8192xf32, #tpu.memory_space<vmem>> -> memref<16xf32, #tpu.memory_space<vmem>>
      %dma_wait3A_1231 = tpu.memref_slice %arg3[%multiple_of3A_928] : memref<1000000xf32, #tpu.memory_space<hbm>> -> memref<16xf32, #tpu.memory_space<hbm>>
      %dma_wait3A_1232 = tpu.memref_slice %arg6[%mul3A_930] : memref<8192xf32, #tpu.memory_space<vmem>> -> memref<16xf32, #tpu.memory_space<vmem>>
      %dma_wait3A_1233 = tpu.memref_slice %arg3[%multiple_of3A_928] : memref<1000000xf32, #tpu.memory_space<hbm>> -> memref<16xf32, #tpu.memory_space<hbm>>
      tpu.wait_dma2 semaphore(%arg7 : memref<!tpu.dma_semaphore, #tpu.memory_space<semaphore_mem>>) src(%dma_wait3A_1233 : memref<16xf32, #tpu.memory_space<hbm>>) dst(%dma_wait3A_1232 : memref<16xf32, #tpu.memory_space<vmem>>)
      %dma_wait3A_1234 = tpu.memref_slice %arg6[%mul3A_945] : memref<8192xf32, #tpu.memory_space<vmem>> -> memref<16xf32, #tpu.memory_space<vmem>>
      %dma_wait3A_1235 = tpu.memref_slice %arg3[%multiple_of3A_943] : memref<1000000xf32, #tpu.memory_space<hbm>> -> memref<16xf32, #tpu.memory_space<hbm>>
      %dma_wait3A_1236 = tpu.memref_slice %arg6[%mul3A_945] : memref<8192xf32, #tpu.memory_space<vmem>> -> memref<16xf32, #tpu.memory_space<vmem>>
      %dma_wait3A_1237 = tpu.memref_slice %arg3[%multiple_of3A_943] : memref<1000000xf32, #tpu.memory_space<hbm>> -> memref<16xf32, #tpu.memory_space<hbm>>
      tpu.wait_dma2 semaphore(%arg7 : memref<!tpu.dma_semaphore, #tpu.memory_space<semaphore_mem>>) src(%dma_wait3A_1237 : memref<16xf32, #tpu.memory_space<hbm>>) dst(%dma_wait3A_1236 : memref<16xf32, #tpu.memory_space<vmem>>)
      %dma_wait3A_1238 = tpu.memref_slice %arg6[%mul3A_960] : memref<8192xf32, #tpu.memory_space<vmem>> -> memref<16xf32, #tpu.memory_space<vmem>>
      %dma_wait3A_1239 = tpu.memref_slice %arg3[%multiple_of3A_958] : memref<1000000xf32, #tpu.memory_space<hbm>> -> memref<16xf32, #tpu.memory_space<hbm>>
      %dma_wait3A_1240 = tpu.memref_slice %arg6[%mul3A_960] : memref<8192xf32, #tpu.memory_space<vmem>> -> memref<16xf32, #tpu.memory_space<vmem>>
      %dma_wait3A_1241 = tpu.memref_slice %arg3[%multiple_of3A_958] : memref<1000000xf32, #tpu.memory_space<hbm>> -> memref<16xf32, #tpu.memory_space<hbm>>
      tpu.wait_dma2 semaphore(%arg7 : memref<!tpu.dma_semaphore, #tpu.memory_space<semaphore_mem>>) src(%dma_wait3A_1241 : memref<16xf32, #tpu.memory_space<hbm>>) dst(%dma_wait3A_1240 : memref<16xf32, #tpu.memory_space<vmem>>)
      %dma_wait3A_1242 = tpu.memref_slice %arg6[%mul3A_975] : memref<8192xf32, #tpu.memory_space<vmem>> -> memref<16xf32, #tpu.memory_space<vmem>>
      %dma_wait3A_1243 = tpu.memref_slice %arg3[%multiple_of3A_973] : memref<1000000xf32, #tpu.memory_space<hbm>> -> memref<16xf32, #tpu.memory_space<hbm>>
      %dma_wait3A_1244 = tpu.memref_slice %arg6[%mul3A_975] : memref<8192xf32, #tpu.memory_space<vmem>> -> memref<16xf32, #tpu.memory_space<vmem>>
      %dma_wait3A_1245 = tpu.memref_slice %arg3[%multiple_of3A_973] : memref<1000000xf32, #tpu.memory_space<hbm>> -> memref<16xf32, #tpu.memory_space<hbm>>
      tpu.wait_dma2 semaphore(%arg7 : memref<!tpu.dma_semaphore, #tpu.memory_space<semaphore_mem>>) src(%dma_wait3A_1245 : memref<16xf32, #tpu.memory_space<hbm>>) dst(%dma_wait3A_1244 : memref<16xf32, #tpu.memory_space<vmem>>)
      %dma_wait3A_1246 = tpu.memref_slice %arg6[%mul3A_990] : memref<8192xf32, #tpu.memory_space<vmem>> -> memref<16xf32, #tpu.memory_space<vmem>>
      %dma_wait3A_1247 = tpu.memref_slice %arg3[%multiple_of3A_988] : memref<1000000xf32, #tpu.memory_space<hbm>> -> memref<16xf32, #tpu.memory_space<hbm>>
      %dma_wait3A_1248 = tpu.memref_slice %arg6[%mul3A_990] : memref<8192xf32, #tpu.memory_space<vmem>> -> memref<16xf32, #tpu.memory_space<vmem>>
      %dma_wait3A_1249 = tpu.memref_slice %arg3[%multiple_of3A_988] : memref<1000000xf32, #tpu.memory_space<hbm>> -> memref<16xf32, #tpu.memory_space<hbm>>
      tpu.wait_dma2 semaphore(%arg7 : memref<!tpu.dma_semaphore, #tpu.memory_space<semaphore_mem>>) src(%dma_wait3A_1249 : memref<16xf32, #tpu.memory_space<hbm>>) dst(%dma_wait3A_1248 : memref<16xf32, #tpu.memory_space<vmem>>)
    }
    %scan3A_6 = arith.constant 8 : i32
    %mul3A_7 = arith.constant 512 : i32
    %mul3A_8 = arith.muli %add3A, %mul3A_7 : i32
    %mul3A_9 = arith.constant 16 : i32
    %mul3A_10 = arith.muli %mul3A_8, %mul3A_9 : i32
    "tpu.region"() ({
      %run_scoped3A = tpu.sem_alloc : memref<!tpu.dma_semaphore, #tpu.memory_space<semaphore_mem>>
      %dma_start3A = tpu.memref_slice %arg4[%mul3A_10] : memref<262144xf32, #tpu.memory_space<hbm>> -> memref<8192xf32, #tpu.memory_space<hbm>>
      %dma_start3A_11 = tpu.memref_slice %arg4[%mul3A_10] : memref<262144xf32, #tpu.memory_space<hbm>> -> memref<8192xf32, #tpu.memory_space<hbm>>
      tpu.enqueue_dma source(%arg6 : memref<8192xf32, #tpu.memory_space<vmem>>) target(%dma_start3A_11 : memref<8192xf32, #tpu.memory_space<hbm>>) target_semaphore(%run_scoped3A : memref<!tpu.dma_semaphore, #tpu.memory_space<semaphore_mem>>)
      %dma_wait3A = tpu.memref_slice %arg4[%mul3A_10] : memref<262144xf32, #tpu.memory_space<hbm>> -> memref<8192xf32, #tpu.memory_space<hbm>>
      %dma_wait3A_12 = tpu.memref_slice %arg4[%mul3A_10] : memref<262144xf32, #tpu.memory_space<hbm>> -> memref<8192xf32, #tpu.memory_space<hbm>>
      tpu.wait_dma2 semaphore(%run_scoped3A : memref<!tpu.dma_semaphore, #tpu.memory_space<semaphore_mem>>) src(%arg6 : memref<8192xf32, #tpu.memory_space<vmem>>) dst(%dma_wait3A_12 : memref<8192xf32, #tpu.memory_space<hbm>>)
      tpu.yield
    }) : () -> ()
    return
  }
}

module attributes {stable_mosaic.version = 14 : i64} {
  func.func @_compress_body(%arg0: i32, %arg1: memref<64x32768xf32, #tpu.memory_space<vmem>>, %arg2: memref<32768xf32, #tpu.memory_space<vmem>>) attributes {dimension_semantics = [#tpu.dimension_semantics<arbitrary>], iteration_bounds = array<i64: 31>, scalar_prefetch = 0 : i64, scratch_operands = 0 : i64, tpu.core_type = #tpu.core_type<tc>, window_params = [{transform_indices = @transform_0, window_bounds = array<i64: 64, 32768>}, {transform_indices = @transform_1, window_bounds = array<i64: 32768>}]} {
    %get3A = arith.constant 0 : index
    %get3A_0 = arith.constant 0 : index
    %get3A_1 = vector.load %arg1[%get3A, %get3A_0] : memref<64x32768xf32, #tpu.memory_space<vmem>>, vector<64x32768xf32>
    %iota3A = tpu.iota {dimensions = array<i32: 0>} : vector<64x32768xi32>
    %convert_element_type3A = arith.sitofp %iota3A : vector<64x32768xi32> to vector<64x32768xf32>
    %mul3A = arith.mulf %get3A_1, %convert_element_type3A : vector<64x32768xf32>
    %reduce_sum3A = arith.constant dense<0.000000e+00> : vector<32768xf32>
    %reduce_sum3A_2 = vector.multi_reduction <add>, %mul3A, %reduce_sum3A [0] : vector<64x32768xf32> to vector<32768xf32>
    %swap3A = arith.constant 0 : index
    %swap3A_3 = vector.load %arg2[%swap3A] : memref<32768xf32, #tpu.memory_space<vmem>>, vector<32768xf32>
    tpu.vector_store %arg2[%swap3A], %reduce_sum3A_2 {strides = array<i32>} : memref<32768xf32, #tpu.memory_space<vmem>>, vector<32768xf32>,
    return
  }
  func.func @transform_0(%arg0: i32) -> (i32, i32) {
    %c0_i32 = arith.constant 0 : i32
    %c0_i32_0 = arith.constant 0 : i32
    return %c0_i32, %arg0 : i32, i32
  }
  func.func @transform_1(%arg0: i32) -> i32 {
    %c0_i32 = arith.constant 0 : i32
    return %arg0 : i32
  }
}

module attributes {stable_mosaic.version = 14 : i64} {
  func.func @_loss_body(%arg0: i32, %arg1: memref<1x1xf32, #tpu.memory_space<smem>>, %arg2: memref<2048x1xf32, #tpu.memory_space<vmem>>, %arg3: memref<2048x64xf32, #tpu.memory_space<vmem>>, %arg4: memref<2048x16xf32, #tpu.memory_space<vmem>>, %arg5: memref<2048x1xi32, #tpu.memory_space<vmem>>, %arg6: memref<1x1xf32, #tpu.memory_space<smem>>, %arg7: memref<3xf32, #tpu.memory_space<smem>>) attributes {dimension_semantics = [#tpu.dimension_semantics<arbitrary>], iteration_bounds = array<i64: 8>, scalar_prefetch = 0 : i64, scratch_operands = 1 : i64, tpu.core_type = #tpu.core_type<tc>, window_params = [{transform_indices = @transform_0, window_bounds = array<i64: 1, 1>}, {transform_indices = @transform_1, window_bounds = array<i64: 2048, 1>}, {transform_indices = @transform_2, window_bounds = array<i64: 2048, 64>}, {transform_indices = @transform_3, window_bounds = array<i64: 2048, 16>}, {transform_indices = @transform_4, window_bounds = array<i64: 2048, 1>}, {transform_indices = @transform_5, window_bounds = array<i64: 1, 1>}]} {
    %eq3A = arith.constant 0 : i32
    %eq3A_0 = arith.cmpi eq, %arg0, %eq3A : i32
    %convert_element_type3A = arith.extui %eq3A_0 : i1 to i32
    %cond3A = arith.constant 0 : i32
    %cond3A_1 = arith.cmpi ne, %convert_element_type3A, %cond3A : i32
    scf.if %cond3A_1 {
      %swap3A_111 = arith.constant 0.000000e+00 : f32
      %swap3A_112 = arith.constant 0 : index
      %swap3A_113 = memref.load %arg7[%swap3A_112] : memref<3xf32, #tpu.memory_space<smem>>
      memref.store %swap3A_111, %arg7[%swap3A_112] : memref<3xf32, #tpu.memory_space<smem>>
      %swap3A_114 = arith.constant 0.000000e+00 : f32
      %swap3A_115 = arith.constant 1 : index
      %swap3A_116 = memref.load %arg7[%swap3A_115] : memref<3xf32, #tpu.memory_space<smem>>
      memref.store %swap3A_114, %arg7[%swap3A_115] : memref<3xf32, #tpu.memory_space<smem>>
      %swap3A_117 = arith.constant 0.000000e+00 : f32
      %swap3A_118 = arith.constant 2 : index
      %swap3A_119 = memref.load %arg7[%swap3A_118] : memref<3xf32, #tpu.memory_space<smem>>
      memref.store %swap3A_117, %arg7[%swap3A_118] : memref<3xf32, #tpu.memory_space<smem>>
    } else {
    }
    %get3A = arith.constant 0 : index
    %get3A_2 = arith.constant 0 : index
    %get3A_3 = vector.load %arg3[%get3A, %get3A_2] : memref<2048x64xf32, #tpu.memory_space<vmem>>, vector<2048x64xf32>
    %get3A_4 = arith.constant 0 : index
    %get3A_5 = arith.constant 0 : index
    %get3A_6 = vector.load %arg4[%get3A_4, %get3A_5] : memref<2048x16xf32, #tpu.memory_space<vmem>>, vector<2048x16xf32>
    %get3A_7 = arith.constant 0 : index
    %get3A_8 = arith.constant 0 : index
    %get3A_9 = vector.load %arg5[%get3A_7, %get3A_8] : memref<2048x1xi32, #tpu.memory_space<vmem>>, vector<2048x1xi32>
    %get3A_10 = arith.constant 0 : index
    %get3A_11 = arith.constant 0 : index
    %get3A_12 = vector.load %arg2[%get3A_10, %get3A_11] : memref<2048x1xf32, #tpu.memory_space<vmem>>, vector<2048x1xf32>
    %logistic3A = arith.negf %get3A_12 : vector<2048x1xf32>
    %logistic3A_13 = math.exp %logistic3A : vector<2048x1xf32>
    %logistic3A_14 = arith.constant 1.000000e+00 : f32
    %logistic3A_15 = vector.broadcast %logistic3A_14 : f32 to vector<2048x1xf32>
    %logistic3A_16 = arith.addf %logistic3A_15, %logistic3A_13 : vector<2048x1xf32>
    %logistic3A_17 = arith.divf %logistic3A_15, %logistic3A_16 : vector<2048x1xf32>
    %jit3A = arith.constant 9.99999996E-13 : f32
    %jit3A_18 = arith.constant 1.000000e+00 : f32
    %max3A = vector.broadcast %jit3A : f32 to vector<2048x1xf32>
    %max3A_19 = arith.maximumf %max3A, %logistic3A_17 : vector<2048x1xf32>
    %min3A = vector.broadcast %jit3A_18 : f32 to vector<2048x1xf32>
    %min3A_20 = arith.minimumf %min3A, %max3A_19 : vector<2048x1xf32>
    %iota3A = tpu.iota {dimensions = array<i32: 1>} : vector<2048x16xi32>
    %eq3A_21 = vector.broadcast %get3A_9 : vector<2048x1xi32> to vector<2048x16xi32>
    %eq3A_22 = arith.cmpi eq, %iota3A, %eq3A_21 : vector<2048x16xi32>
    %jit3A_23 = arith.constant 0.000000e+00 : f32
    %broadcast_in_dim3A = vector.broadcast %jit3A_23 : f32 to vector<2048x16xf32>
    %select_n3A = arith.select %eq3A_22, %get3A_6, %broadcast_in_dim3A : vector<2048x16xi1>, vector<2048x16xf32>
    %reduce_sum3A = arith.constant dense<0.000000e+00> : vector<2048xf32>
    %reduce_sum3A_24 = vector.multi_reduction <add>, %select_n3A, %reduce_sum3A [1] : vector<2048x16xf32> to vector<2048xf32>
    %broadcast_in_dim3A_25 = vector.shape_cast %reduce_sum3A_24 : vector<2048xf32> to vector<2048x1xf32>
    %iota3A_26 = tpu.iota {dimensions = array<i32: 1>} : vector<2048x64xi32>
    %convert_element_type3A_27 = arith.sitofp %iota3A_26 : vector<2048x64xi32> to vector<2048x64xf32>
    %eq3A_28 = vector.broadcast %broadcast_in_dim3A_25 : vector<2048x1xf32> to vector<2048x64xf32>
    %eq3A_29 = arith.cmpf oeq, %convert_element_type3A_27, %eq3A_28 : vector<2048x64xf32>
    %jit3A_30 = arith.constant 1.000000e+00 : f32
    %jit3A_31 = arith.constant 0.000000e+00 : f32
    %broadcast_in_dim3A_32 = vector.broadcast %jit3A_30 : f32 to vector<2048x64xf32>
    %broadcast_in_dim3A_33 = vector.broadcast %jit3A_31 : f32 to vector<2048x64xf32>
    %select_n3A_34 = arith.select %eq3A_29, %broadcast_in_dim3A_32, %broadcast_in_dim3A_33 : vector<2048x64xi1>, vector<2048x64xf32>
    %reduce_max3A = arith.constant dense<0xFF800000> : vector<2048xf32>
    %reduce_max3A_35 = vector.multi_reduction <maximumf>, %get3A_3, %reduce_max3A [1] : vector<2048x64xf32> to vector<2048xf32>
    %broadcast_in_dim3A_36 = vector.shape_cast %reduce_max3A_35 : vector<2048xf32> to vector<2048x1xf32>
    %sub3A = vector.broadcast %broadcast_in_dim3A_36 : vector<2048x1xf32> to vector<2048x64xf32>
    %sub3A_37 = arith.subf %get3A_3, %sub3A : vector<2048x64xf32>
    %exp3A = math.exp %sub3A_37 : vector<2048x64xf32>
    %reduce_sum3A_38 = arith.constant dense<0.000000e+00> : vector<2048xf32>
    %reduce_sum3A_39 = vector.multi_reduction <add>, %exp3A, %reduce_sum3A_38 [1] : vector<2048x64xf32> to vector<2048xf32>
    %broadcast_in_dim3A_40 = vector.shape_cast %reduce_sum3A_39 : vector<2048xf32> to vector<2048x1xf32>
    %div3A = vector.broadcast %broadcast_in_dim3A_40 : vector<2048x1xf32> to vector<2048x64xf32>
    %div3A_41 = arith.divf %exp3A, %div3A : vector<2048x64xf32>
    %jit3A_42 = arith.constant 9.99999996E-13 : f32
    %jit3A_43 = arith.constant 1.000000e+00 : f32
    %max3A_44 = vector.broadcast %jit3A_42 : f32 to vector<2048x64xf32>
    %max3A_45 = arith.maximumf %max3A_44, %div3A_41 : vector<2048x64xf32>
    %min3A_46 = vector.broadcast %jit3A_43 : f32 to vector<2048x64xf32>
    %min3A_47 = arith.minimumf %min3A_46, %max3A_45 : vector<2048x64xf32>
    %mul3A = arith.constant 0.899999976 : f32
    %mul3A_48 = vector.broadcast %mul3A : f32 to vector<2048x64xf32>
    %mul3A_49 = arith.mulf %mul3A_48, %select_n3A_34 : vector<2048x64xf32>
    %mul3A_50 = arith.constant 1.000000e-01 : f32
    %mul3A_51 = vector.broadcast %mul3A_50 : f32 to vector<2048x64xf32>
    %mul3A_52 = arith.mulf %mul3A_51, %div3A_41 : vector<2048x64xf32>
    %add3A = arith.addf %mul3A_49, %mul3A_52 : vector<2048x64xf32>
    %jit3A_53 = arith.constant 9.99999974E-5 : f32
    %jit3A_54 = arith.constant 1.000000e+00 : f32
    %max3A_55 = vector.broadcast %jit3A_53 : f32 to vector<2048x64xf32>
    %max3A_56 = arith.maximumf %max3A_55, %add3A : vector<2048x64xf32>
    %min3A_57 = vector.broadcast %jit3A_54 : f32 to vector<2048x64xf32>
    %min3A_58 = arith.minimumf %min3A_57, %max3A_56 : vector<2048x64xf32>
    %mul3A_59 = vector.broadcast %min3A_20 : vector<2048x1xf32> to vector<2048x64xf32>
    %mul3A_60 = arith.mulf %mul3A_59, %min3A_47 : vector<2048x64xf32>
    %sub3A_61 = arith.constant 1.000000e+00 : f32
    %sub3A_62 = vector.broadcast %sub3A_61 : f32 to vector<2048x1xf32>
    %sub3A_63 = arith.subf %sub3A_62, %min3A_20 : vector<2048x1xf32>
    %mul3A_64 = vector.broadcast %sub3A_63 : vector<2048x1xf32> to vector<2048x64xf32>
    %mul3A_65 = arith.mulf %mul3A_64, %min3A_58 : vector<2048x64xf32>
    %add3A_66 = arith.addf %mul3A_60, %mul3A_65 : vector<2048x64xf32>
    %jit3A_67 = arith.constant 1.000000e-07 : f32
    %jit3A_68 = arith.constant 1.000000e+00 : f32
    %max3A_69 = vector.broadcast %jit3A_67 : f32 to vector<2048x64xf32>
    %max3A_70 = arith.maximumf %max3A_69, %add3A_66 : vector<2048x64xf32>
    %min3A_71 = vector.broadcast %jit3A_68 : f32 to vector<2048x64xf32>
    %min3A_72 = arith.minimumf %min3A_71, %max3A_70 : vector<2048x64xf32>
    %get3A_73 = arith.constant 0 : index
    %get3A_74 = memref.load %arg7[%get3A_73] : memref<3xf32, #tpu.memory_space<smem>>
    %log3A = math.log %min3A_72 : vector<2048x64xf32>
    %mul3A_75 = arith.mulf %log3A, %min3A_58 : vector<2048x64xf32>
    %reduce_sum3A_76 = vector.shape_cast %mul3A_75 : vector<2048x64xf32> to vector<1x2048x64xf32>
    %reduce_sum3A_77 = arith.constant dense<0.000000e+00> : vector<1xf32>
    %reduce_sum3A_78 = vector.multi_reduction <add>, %reduce_sum3A_76, %reduce_sum3A_77 [1, 2] : vector<1x2048x64xf32> to vector<1xf32>
    %reduce_sum3A_79 = vector.shape_cast %reduce_sum3A_78 : vector<1xf32> to vector<1x1x1xf32>
    %reduce_sum3A_80 = vector.extract %reduce_sum3A_79[0, 0, 0] : f32 from vector<1x1x1xf32>
    %add3A_81 = arith.addf %get3A_74, %reduce_sum3A_80 : f32
    %swap3A = arith.constant 0 : index
    %swap3A_82 = memref.load %arg7[%swap3A] : memref<3xf32, #tpu.memory_space<smem>>
    memref.store %add3A_81, %arg7[%swap3A] : memref<3xf32, #tpu.memory_space<smem>>
    %get3A_83 = arith.constant 1 : index
    %get3A_84 = memref.load %arg7[%get3A_83] : memref<3xf32, #tpu.memory_space<smem>>
    %log3A_85 = math.log %min3A_20 : vector<2048x1xf32>
    %reduce_sum3A_86 = vector.shape_cast %log3A_85 : vector<2048x1xf32> to vector<1x2048x1xf32>
    %reduce_sum3A_87 = arith.constant dense<0.000000e+00> : vector<1xf32>
    %reduce_sum3A_88 = vector.multi_reduction <add>, %reduce_sum3A_86, %reduce_sum3A_87 [1, 2] : vector<1x2048x1xf32> to vector<1xf32>
    %reduce_sum3A_89 = vector.shape_cast %reduce_sum3A_88 : vector<1xf32> to vector<1x1x1xf32>
    %reduce_sum3A_90 = vector.extract %reduce_sum3A_89[0, 0, 0] : f32 from vector<1x1x1xf32>
    %add3A_91 = arith.addf %get3A_84, %reduce_sum3A_90 : f32
    %swap3A_92 = arith.constant 1 : index
    %swap3A_93 = memref.load %arg7[%swap3A_92] : memref<3xf32, #tpu.memory_space<smem>>
    memref.store %add3A_91, %arg7[%swap3A_92] : memref<3xf32, #tpu.memory_space<smem>>
    %get3A_94 = arith.constant 2 : index
    %get3A_95 = memref.load %arg7[%get3A_94] : memref<3xf32, #tpu.memory_space<smem>>
    %log3A_96 = math.log %min3A_58 : vector<2048x64xf32>
    %mul3A_97 = arith.mulf %min3A_72, %log3A_96 : vector<2048x64xf32>
    %reduce_sum3A_98 = vector.shape_cast %mul3A_97 : vector<2048x64xf32> to vector<1x2048x64xf32>
    %reduce_sum3A_99 = arith.constant dense<0.000000e+00> : vector<1xf32>
    %reduce_sum3A_100 = vector.multi_reduction <add>, %reduce_sum3A_98, %reduce_sum3A_99 [1, 2] : vector<1x2048x64xf32> to vector<1xf32>
    %reduce_sum3A_101 = vector.shape_cast %reduce_sum3A_100 : vector<1xf32> to vector<1x1x1xf32>
    %reduce_sum3A_102 = vector.extract %reduce_sum3A_101[0, 0, 0] : f32 from vector<1x1x1xf32>
    %add3A_103 = arith.addf %get3A_95, %reduce_sum3A_102 : f32
    %swap3A_104 = arith.constant 2 : index
    %swap3A_105 = memref.load %arg7[%swap3A_104] : memref<3xf32, #tpu.memory_space<smem>>
    memref.store %add3A_103, %arg7[%swap3A_104] : memref<3xf32, #tpu.memory_space<smem>>
    %eq3A_106 = arith.constant 7 : i32
    %eq3A_107 = arith.cmpi eq, %arg0, %eq3A_106 : i32
    %convert_element_type3A_108 = arith.extui %eq3A_107 : i1 to i32
    %cond3A_109 = arith.constant 0 : i32
    %cond3A_110 = arith.cmpi ne, %convert_element_type3A_108, %cond3A_109 : i32
    scf.if %cond3A_110 {
      %get3A_111 = arith.constant 0 : index
      %get3A_112 = arith.constant 0 : index
      %get3A_113 = memref.load %arg1[%get3A_111, %get3A_112] : memref<1x1xf32, #tpu.memory_space<smem>>
      %get3A_114 = arith.constant 0 : index
      %get3A_115 = memref.load %arg7[%get3A_114] : memref<3xf32, #tpu.memory_space<smem>>
      %get3A_116 = arith.constant 1 : index
      %get3A_117 = memref.load %arg7[%get3A_116] : memref<3xf32, #tpu.memory_space<smem>>
      %mul3A_118 = arith.mulf %get3A_113, %get3A_117 : f32
      %add3A_119 = arith.addf %get3A_115, %mul3A_118 : f32
      %get3A_120 = arith.constant 2 : index
      %get3A_121 = memref.load %arg7[%get3A_120] : memref<3xf32, #tpu.memory_space<smem>>
      %mul3A_122 = arith.constant 1.000000e-01 : f32
      %mul3A_123 = arith.mulf %mul3A_122, %get3A_121 : f32
      %add3A_124 = arith.addf %add3A_119, %mul3A_123 : f32
      %neg3A = arith.constant 0.000000e+00 : f32
      %neg3A_125 = arith.subf %neg3A, %add3A_124 : f32
      %div3A_126 = arith.constant 1.638400e+04 : f32
      %div3A_127 = arith.divf %neg3A_125, %div3A_126 : f32
      %swap3A_128 = arith.constant 0 : index
      %swap3A_129 = arith.constant 0 : index
      %swap3A_130 = memref.load %arg6[%swap3A_128, %swap3A_129] : memref<1x1xf32, #tpu.memory_space<smem>>
      memref.store %div3A_127, %arg6[%swap3A_128, %swap3A_129] : memref<1x1xf32, #tpu.memory_space<smem>>
    } else {
    }
    return
  }
  func.func @transform_0(%arg0: i32) -> (i32, i32) {
    %c0_i32 = arith.constant 0 : i32
    %c0_i32_0 = arith.constant 0 : i32
    %c0_i32_1 = arith.constant 0 : i32
    return %c0_i32, %c0_i32_0 : i32, i32
  }
  func.func @transform_1(%arg0: i32) -> (i32, i32) {
    %c0_i32 = arith.constant 0 : i32
    %c0_i32_0 = arith.constant 0 : i32
    return %arg0, %c0_i32 : i32, i32
  }
  func.func @transform_2(%arg0: i32) -> (i32, i32) {
    %c0_i32 = arith.constant 0 : i32
    %c0_i32_0 = arith.constant 0 : i32
    return %arg0, %c0_i32 : i32, i32
  }
  func.func @transform_3(%arg0: i32) -> (i32, i32) {
    %c0_i32 = arith.constant 0 : i32
    %c0_i32_0 = arith.constant 0 : i32
    return %arg0, %c0_i32 : i32, i32
  }
  func.func @transform_4(%arg0: i32) -> (i32, i32) {
    %c0_i32 = arith.constant 0 : i32
    %c0_i32_0 = arith.constant 0 : i32
    return %arg0, %c0_i32 : i32, i32
  }
  func.func @transform_5(%arg0: i32) -> (i32, i32) {
    %c0_i32 = arith.constant 0 : i32
    %c0_i32_0 = arith.constant 0 : i32
    %c0_i32_1 = arith.constant 0 : i32
    return %c0_i32, %c0_i32_0 : i32, i32
  }
}

</mosaic_0001>

<sc_bundles>
// kernel: kernel.5.cloned.1.call-start
scs
__scs_entry_jumppad:
0x0: {  	(pc) =	sbr.rel $0x88, $3  }
0x1: {  	(tag) =	ssettag $0x0;
	lr =	simm.s32 $0x1  }
0x2: {  	[smem:$0x3F9C] =	sst lr;
	_ =	strace $0xD0000000  }
0x3: {  	_ = 	snop  }
0x4: {  	_ = 	snop  }
0x5: {  	_ = 	snop  }
0x6: {  	_ = 	snop  }
0x7: {  	_ = 	snop  }
__scs_overlays_trampoline_lowered:
0x8: {  	[smem:$0x3FAB] =	sst s0  }
0x9: {  	[smem:$0x3FAC] =	sst s1  }
0xa: {  	[smem:$0x3FAD] =	sst s2  }
0xb: {  	[smem:$0x3FAE] =	sst s3  }
0xc: {  	[smem:$0x3FAF] =	sst s4  }
0xd: {  	[smem:$0x3FB0] =	sst s5  }
0xe: {  	[smem:$0x3FB1] =	sst s6  }
0xf: {  	[smem:$0x3FB2] =	sst s7  }
0x10: {  	[smem:$0x3FB3] =	sst s8  }
0x11: {  	[smem:$0x3FB4] =	sst s9;
	s0 =	simm.s32 @!p0 $0x0  }
0x12: {  	s1 =	sld [smem:$0x3F9A];
	s0 =	simm.s32 @p0 $0x1  }
0x13: {  	[smem:$0x3FB5] =	sst s0;
	s0 =	simm.s32 @!p1 $0x0  }
0x14: {  	s2 =	sld [smem:$0x3F99];
	s0 =	simm.s32 @p1 $0x1  }
0x15: {  	[smem:$0x3FB6] =	sst s0;
	s0 =	simm.s32 @!p2 $0x0  }
0x16: {  	s3 =	sld [smem:$0x3FDB];
	s0 =	simm.s32 @p2 $0x1  }
0x17: {  	s4 =	simm.s32 $0x1BF5;
	[smem:$0x3FB8] =	sst s0  }
0x18: {  	s0 =	sld [smem:$0x3F9B];
	_ =	swait.ge [sflag:s4], $0x0  }
0x19: {  	s7 =	sld [smem:$0x3F9C]  }
0x1a: {  	s8 =	sadd.s32 $0xFFFFE003, lr  }
0x1b: {  	s9 =	sadd.s32 $0xFFFFFEF7, lr;
	s5 =	simm.s32 $0xFFFFFFFF;
	p2 =	slt.u32 s8, $0xFFFFF086  }
0x1c: {  	p1 =	slt.u32 s9, $0xF7A;
	s5 =	simm.s32 @!p2 $0x0  }
0x1d: {  	s5 =	simm.s32 @p1 $0x1;
	p0 =	seq.s32 s7, s2  }
0x1e: {  	s7 =	smul.u32 @!p0 $0xF7A, s2;
	p2 =	seq.s32 @!p0 s5, $0x0  }
0x1f: {  	s9 =	smul.u32 $0xF7A, s1;
	s8 =	simm.s32 @!p0 $0x1BF5;
	p2 =	por !p2, p0  }
0x20: {  	[sflag:s8] =	ssyncset.s32 @!p0 $0xFFFFF086;
	s6 =	sadd.s32 @!p0 s3, s7;
	s7 =	simm.s32 @!p0 $0x108  }
0x21: {  	s3 =	sadd.s32 s3, s9;
	s6 =	sadd.s32 @!p0 $0x88, s6;
	s7 =	simm.s32 @p2 $0x1082  }
0x22: {  	[simem:s7], [sflag:s8] =	dma.local @!p0 [hbm:s6], $0xF7A  }
0x23: {  	s9 =	sor.u32 $0xD0000000, s2;
	s6 =	simm.s32 $0x108;
	_ =	swait.ge @!p0 [sflag:s8], $0x0  }
0x24: {  	s3 =	sadd.s32 $0x88, s3;
	s6 =	simm.s32 @!p1 $0x1082;
	[sflag:s4] =	ssyncset.s32 $0xFFFFF086  }
0x25: {  	[simem:s6], [sflag:s4] =	dma.local [hbm:s3], $0xF7A  }
0x26: {  	[smem:$0x3F9C] =	sst s1;
	(tag) =	ssettag s2;
	_ =	strace s9  }
0x27: {  	s1 =	sld [smem:$0x3FAC]  }
0x28: {  	s2 =	sld [smem:$0x3FAD]  }
0x29: {  	s4 =	sld [smem:$0x3FAF]  }
0x2a: {  	p0 =	seq.s32 s5, $0x0;
	s5 =	sld [smem:$0x3FB0]  }
0x2b: {  	s6 =	sld [smem:$0x3FB1]  }
0x2c: {  	s7 =	sld [smem:$0x3FB2]  }
0x2d: {  	s3 =	simm.s32 $0x108;
	s8 =	sld [smem:$0x3FB3]  }
0x2e: {  	s3 =	simm.s32 @!p0 $0x1082;
	s9 =	sld [smem:$0x3FB4]  }
0x2f: {  	lr =	sadd.s32 s0, s3;
	s0 =	sld [smem:$0x3FAB]  }
0x30: {  	s3 =	sld [smem:$0x3FAE]  }
0x31: {  	[smem:$0x3FB7] =	sst s10  }
0x32: {  	s10 =	sld [smem:$0x3FB5];
	_ =	sdelay $0x3  }
0x33: {  	p0 =	seq.s32 s10, $0x1;
	s10 =	sld [smem:$0x3FB7];
	_ =	sdelay $0x3  }
0x34: {  	[smem:$0x3FB7] =	sst s10  }
0x35: {  	s10 =	sld [smem:$0x3FB6];
	_ =	sdelay $0x3  }
0x36: {  	p1 =	seq.s32 s10, $0x1;
	s10 =	sld [smem:$0x3FB7];
	_ =	sdelay $0x3  }
0x37: {  	[smem:$0x3FB7] =	sst s10  }
0x38: {  	s10 =	sld [smem:$0x3FB8]  }
0x39: {  	_ = 	snop;
	(pc) =	sbr.ind lr, $3  }
0x3a: {  	_ = 	snop  }
0x3b: {  	_ = 	snop  }
0x3c: {  	p2 =	seq.s32 s10, $0x1;
	s10 =	sld [smem:$0x3FB7]  }
0x3d: {  	_ =	shalt  }
0x3e: {  	_ =	shalt  }
0x3f: {  	_ =	shalt  }
0x40: {  	_ =	shalt  }
0x41: {  	_ =	shalt  }
0x42: {  	_ =	shalt  }
0x43: {  	_ =	shalt  }
0x44: {  	_ =	shalt  }
0x45: {  	_ =	shalt  }
0x46: {  	_ =	shalt  }
0x47: {  	_ =	shalt  }
0x48: {  	_ =	shalt  }
0x49: {  	_ =	shalt  }
0x4a: {  	_ =	shalt  }
0x4b: {  	_ =	shalt  }
0x4c: {  	_ =	shalt  }
0x4d: {  	_ =	shalt  }
0x4e: {  	_ =	shalt  }
0x4f: {  	_ =	shalt  }
0x50: {  	_ =	shalt  }
0x51: {  	_ =	shalt  }
0x52: {  	_ =	shalt  }
0x53: {  	_ =	shalt  }
0x54: {  	_ =	shalt  }
0x55: {  	_ =	shalt  }
0x56: {  	_ =	shalt  }
0x57: {  	_ =	shalt  }
0x58: {  	_ =	shalt  }
0x59: {  	_ =	shalt  }
0x5a: {  	_ =	shalt  }
0x5b: {  	_ =	shalt  }
0x5c: {  	_ =	shalt  }
0x5d: {  	_ =	shalt  }
0x5e: {  	_ =	shalt  }
0x5f: {  	_ =	shalt  }
0x60: {  	_ =	shalt  }
0x61: {  	_ =	shalt  }
0x62: {  	_ =	shalt  }
0x63: {  	_ =	shalt  }
0x64: {  	_ =	shalt  }
0x65: {  	_ =	shalt  }
0x66: {  	_ =	shalt  }
0x67: {  	_ =	shalt  }
0x68: {  	_ =	shalt  }
0x69: {  	_ =	shalt  }
0x6a: {  	_ =	shalt  }
0x6b: {  	_ =	shalt  }
0x6c: {  	_ =	shalt  }
0x6d: {  	_ =	shalt  }
0x6e: {  	_ =	shalt  }
0x6f: {  	_ =	shalt  }
0x70: {  	_ =	shalt  }
0x71: {  	_ =	shalt  }
0x72: {  	_ =	shalt  }
0x73: {  	_ =	shalt  }
0x74: {  	_ =	shalt  }
0x75: {  	_ =	shalt  }
0x76: {  	_ =	shalt  }
0x77: {  	_ =	shalt  }
0x78: {  	_ =	shalt  }
0x79: {  	_ =	shalt  }
0x7a: {  	_ =	shalt  }
0x7b: {  	_ =	shalt  }
0x7c: {  	_ =	shalt  }
0x7d: {  	_ =	shalt  }
0x7e: {  	_ =	shalt  }
0x7f: {  	_ =	shalt  }
0x80: {  	_ =	shalt  }
0x81: {  	_ =	shalt  }
0x82: {  	_ =	shalt  }
0x83: {  	_ =	shalt  }
0x84: {  	_ =	shalt  }
0x85: {  	_ =	shalt  }
0x86: {  	_ =	shalt  }
0x87: {  	_ =	shalt  }
.Lfunc_end0:
.L_simem_size_0:
called_computation_lowered:
.L_overlay_start_0:
0x88: {  	s2 =	sld [smem:$0x3FD9]  }
0x89: {  	s3 =	sld [smem:$0x3FFE];
	_ =	sdelay $0x1  }
0x8a: {  	s1 =	srdreg.scid  }
0x8b: {  	s0 =	sand.u32 $0x1, s1  }
0x8c: {  	s16 =	sshll.u32 s0, $0xA;
	s2 =	sadd.s32 s3, s2  }
0x8d: {  	s2 =	sadd.s32 s2, s16  }
0x8e: {  	[smem:$0x3FC3] =	sst s2  }
0x8f: {  	_ = 	snop  }
0x90: {  	(tm) =	ssettm $0x1  }
0x91: {  	s17 =	sld [smem:$0x3FFB];
	_ =	sdelay $0x3  }
0x92: {  	_ =	strace s17  }
0x93: {  	s2 =	sld [smem:$0x3FFC];
	_ =	sdelay $0x3  }
0x94: {  	_ =	strace s2  }
0x95: {  	s2 =	sld [smem:$0x3FFD];
	_ =	sdelay $0x3  }
0x96: {  	_ =	strace s2  }
0x97: {  	_ =	strace $0x8FFFFFFF  }
0x98: {  	s18 =	sld [smem:$0x3FDB];
	_ =	sdelay $0x1  }
0x99: {  	s19 =	simm.s32 $_scs_section_size  }
0x9a: {  	s4 =	simm.s32 $_size__tile_overlayer_lowered;
	s5 =	simm.s32 $_tile_overlayer_lowered  }
0x9b: {  	s22 =	simm.s32 $0x1BFF;
	s21 =	sshll.u32 s5, $0x1;
	s2 =	sadd.s32 s19, s18  }
0x9c: {  	s6 =	simm.s32 $0x0;
	s20 =	sshll.u32 s4, $0x1;
	s4 =	sadd.s32 s21, s2  }
0x9d: {  	[timem:s6], [sflag:s22] =	dma.local [hbm:s4], s20  }
0x9e: {  	_ =	swait.ge [sflag:s22], s20  }
0x9f: {  	s3 =	ssub.s32 $0x0, s20;
	[sflag:s22] =	ssyncset.done $0x0  }
0xa0: {  	[sflag:s22] =	ssyncadd.s32 s3;
	_ =	sdelay $0x1  }
0xa1: {  	s23 =	simm.s32 $0x1B8B  }
0xa2: {  	_ =	swait.ge [sflag:s23], $0x1  }
0xa3: {  	[sflag:s23] =	ssyncset.done $0x0  }
0xa4: {  	s25 =	simm.s32 $0x1B8E;
	s24 =	sld [smem:$0x3FFE];
	[sflag:s23] =	ssyncadd.s32 $0xFFFFFFFF  }
0xa5: {  	s26 =	simm.s32 $execute0_lowered;
	[smem:$0x3FD2] =	sst s25  }
0xa6: {  	s4 =	sshll.u32 s26, $0x1;
	_ =	strace $0x80000046;
	[dreg:$0x1] =	wrdreg $0xFFFFFFFF  }
0xa7: {  	s28 =	simm.s32 $_size_execute0_lowered;
	s2 =	sadd.s32 s2, s4;
	[dreg:$0x0] =	wrdreg $0x0  }
0xa8: {  	s4 =	sshll.u32 s28, $0x1;
	[dreg:$0x2] =	wrdreg s2  }
0xa9: {  	[dreg:$0x3] =	wrdreg s4  }
0xaa: {  	[dreg:$0x4] =	wrdreg $0xC0  }
0xab: {  	_ =	task [dreg:s6], $0x5FFFF  }
0xac: {  	[dreg:$0x1] =	wrdreg $0xFFFFFFFF  }
0xad: {  	[dreg:$0x0] =	wrdreg $0x60  }
0xae: {  	[dreg:$0x2] =	wrdreg s24  }
0xaf: {  	[dreg:$0x3] =	wrdreg $0x9  }
0xb0: {  	_ =	task.clear_ibuf [dreg:s6], $0x4FFFF;
	_ =	strace $0x90000046  }
0xb1: {  	s29 =	simm.s32 $0x9;
	_ =	strace $0x80000048  }
0xb2: {  	_ =	swait.ge [sflag:s29], $0x1  }
0xb3: {  	[sflag:s29] =	ssyncadd.s32 $0xFFFFFFFF  }
0xb4: {  	_ =	strace $0x90000048  }
0xb5: {  	_ =	sfence  }
0xb6: {  	s30 =	sld [smem:$0x0];
	_ =	sdelay $0x2  }
0xb7: {  	s31 =	sshll.u32 s1, $0xD;
	s1 =	sshrl.u32 s1, $0x2  }
0xb8: {  	s3 =	sand.u32 $0x4000, s31;
	s1 =	sadd.s32 s1, s30  }
0xb9: {  	s0 =	sor.u32 s3, s0;
	s1 =	sshll.u32 s1, $0x11  }
0xba: {  	s0 =	sor.u32 s1, s0  }
0xbb: {  	s0 =	sadd.s32 $0x8F2B, s0  }
0xbc: {  	[sflag:s0] =	ssyncadd.remote.s32 $0x1  }
0xbd: {  	_ =	sfence.sel $0xFFFF  }
0xbe: {  	[dreg:$0x0] =	wrdreg $0xFFFFFFFF;
	(pc) =	sbr.abs _section_cstart, $3  }
0xbf: {  	[dreg:$0x1] =	wrdreg $0xFFFFFFFF  }
0xc0: {  	_ =	task.clear_ibuf [dreg:s6], $0x2FFFF;
	_ =	strace $0x9FFFFFFF  }
0xc1: {  	(tm) =	ssettm $0x7FFFFFFF  }
tec
execute0_lowered:
.L_overlay_start_1:
0x0: {  	(tag) =	ssettag $0x1  }
0x1: {  	s1 =	srdreg.scid  }
0x2: {  	s0 =	stileid.u32;
	s4 =	rddreg [dreg:$0x0];
	s2 =	simm.s32 $0x0  }
0x3: {  	s9 =	simm.s32 $0x200;
	s3 =	sand.u32 $0x1, s1;
	s1 =	rddreg [dreg:$0x1]  }
0x4: {  	s10 =	simm.s32 $0x0;
	s5 =	sshll.u32 s0, $0x1;
	[smem:$0x7FF] =	sst s2  }
0x5: {  	s5 =	sor.u32 s3, s5;
	_ =	strace $0x80000047;
	s7 =	ssub.s32 $0x2, s3  }
0x6: {  	s3 =	sadd.s32 $0x1400, s4;
	s6 =	sshll.u32 s5, $0x6;
	s5 =	sshll.u32 s5, $0xA  }
0x7: {  	s8 =	sshrl.u32 s7, $0x1;
	s6 =	sadd.s32 s6, s4;
	s5 =	sadd.s32 s5, s4  }
0x8: {  	s7 =	ssub.s32 s7, s8;
	s8 =	simm.s32 $0x1;
	s4 =	sadd.s32 $0xC00, s6  }
0x9: {  	s5 =	sadd.s32 $0x1FE00, s5;
	s6 =	smax.u32 s7, $0x1;
	s7 =	simm.s32 $0x2  }
.LBB2_1:
0xa: {  	[tilespmem:s2], [sflag:$0x2] =	stream.linear.gather [hbm4b:s4+s2], $0x200, $0x38;
	[tilespmem:$0x2200] =	vst v63  }
0xb: {  	_ =	swait.ge [sflag:s7], $0x200  }
0xc: {  	[sflag:s7] =	ssyncset.done $0x0  }
0xd: {  	s11 =	simm.s32 $0x20;
	[sflag:s7] =	ssyncadd.s32 $0xFFFFFE00  }
0xe: {  	v0 =	vld [tilespmem:s11+$0xFFFFFFE0];
	_ =	sdelay $0x4  }
0xf: {  	v0 =	vshrl.u32 v0, $0x3  }
0x10: {  	v0 =	vadd.s32 s3, v0  }
0x11: {  	(v2sf) =	vpush v0, $0x0;
	_ =	sdelay $0x1  }
0x12: {  	(v2sf) =	vpush v0, $0x1;
	_ =	sdelay $0x1  }
0x13: {  	(v2sf) =	vpush v0, $0x2;
	_ =	sdelay $0x1  }
0x14: {  	(v2sf) =	vpush v0, $0x3;
	_ =	sdelay $0x1  }
0x15: {  	(v2sf) =	vpush v0, $0x4;
	_ =	sdelay $0x1  }
0x16: {  	(v2sf) =	vpush v0, $0x5;
	_ =	sdelay $0x1  }
0x17: {  	(v2sf) =	vpush v0, $0x6;
	_ =	sdelay $0x1  }
0x18: {  	(v2sf) =	vpush v0, $0x7  }
0x19: {  	s12 =	simm.s32 $0x200;
	s13 =	spop (v2sf)  }
0x1a: {  	(v2sf) =	vpush v0, $0x8;
	[tilespmem:s12], [sflag:$0x1] =	stream.linear.gather [hbm4b:s13+s2], $0x10, $0x38;
	[tilespmem:$0x2200] =	vst v63  }
0x1b: {  	s13 =	simm.s32 $0x210;
	s14 =	spop (v2sf)  }
0x1c: {  	(v2sf) =	vpush v0, $0x9;
	[tilespmem:s13], [sflag:$0x1] =	stream.linear.gather [hbm4b:s14+s2], $0x10, $0x38;
	[tilespmem:$0x2200] =	vst v63  }
0x1d: {  	s15 =	simm.s32 $0x220;
	s16 =	spop (v2sf)  }
0x1e: {  	(v2sf) =	vpush v0, $0xA;
	[tilespmem:s15], [sflag:$0x1] =	stream.linear.gather [hbm4b:s16+s2], $0x10, $0x38;
	[tilespmem:$0x2200] =	vst v63  }
0x1f: {  	s17 =	simm.s32 $0x230;
	s18 =	spop (v2sf)  }
0x20: {  	(v2sf) =	vpush v0, $0xB;
	[tilespmem:s17], [sflag:$0x1] =	stream.linear.gather [hbm4b:s18+s2], $0x10, $0x38;
	[tilespmem:$0x2200] =	vst v63  }
0x21: {  	s19 =	simm.s32 $0x240;
	s20 =	spop (v2sf)  }
0x22: {  	(v2sf) =	vpush v0, $0xC;
	[tilespmem:s19], [sflag:$0x1] =	stream.linear.gather [hbm4b:s20+s2], $0x10, $0x38;
	[tilespmem:$0x2200] =	vst v63  }
0x23: {  	s21 =	simm.s32 $0x250;
	s22 =	spop (v2sf)  }
0x24: {  	(v2sf) =	vpush v0, $0xD;
	[tilespmem:s21], [sflag:$0x1] =	stream.linear.gather [hbm4b:s22+s2], $0x10, $0x38;
	[tilespmem:$0x2200] =	vst v63  }
0x25: {  	s23 =	simm.s32 $0x260;
	s24 =	spop (v2sf)  }
0x26: {  	(v2sf) =	vpush v0, $0xE;
	[tilespmem:s23], [sflag:$0x1] =	stream.linear.gather [hbm4b:s24+s2], $0x10, $0x38;
	[tilespmem:$0x2200] =	vst v63  }
0x27: {  	s25 =	simm.s32 $0x270;
	s26 =	spop (v2sf)  }
0x28: {  	(v2sf) =	vpush v0, $0xF;
	[tilespmem:s25], [sflag:$0x1] =	stream.linear.gather [hbm4b:s26+s2], $0x10, $0x38;
	[tilespmem:$0x2200] =	vst v63  }
0x29: {  	s28 =	simm.s32 $0x280;
	s29 =	spop (v2sf)  }
0x2a: {  	[tilespmem:s28], [sflag:$0x1] =	stream.linear.gather [hbm4b:s29+s2], $0x10, $0x38;
	[tilespmem:$0x2200] =	vst v63  }
0x2b: {  	s30 =	simm.s32 $0x290;
	s31 =	spop (v2sf)  }
0x2c: {  	[tilespmem:s30], [sflag:$0x1] =	stream.linear.gather [hbm4b:s31+s2], $0x10, $0x38;
	[tilespmem:$0x2200] =	vst v63  }
0x2d: {  	s13 =	simm.s32 $0x2A0;
	s14 =	spop (v2sf)  }
0x2e: {  	[tilespmem:s13], [sflag:$0x1] =	stream.linear.gather [hbm4b:s14+s2], $0x10, $0x38;
	[tilespmem:$0x2200] =	vst v63  }
0x2f: {  	s15 =	simm.s32 $0x2B0;
	s16 =	spop (v2sf)  }
0x30: {  	[tilespmem:s15], [sflag:$0x1] =	stream.linear.gather [hbm4b:s16+s2], $0x10, $0x38;
	[tilespmem:$0x2200] =	vst v63  }
0x31: {  	s17 =	simm.s32 $0x2C0;
	s18 =	spop (v2sf)  }
0x32: {  	[tilespmem:s17], [sflag:$0x1] =	stream.linear.gather [hbm4b:s18+s2], $0x10, $0x38;
	[tilespmem:$0x2200] =	vst v63  }
0x33: {  	s19 =	simm.s32 $0x2D0;
	s20 =	spop (v2sf)  }
0x34: {  	[tilespmem:s19], [sflag:$0x1] =	stream.linear.gather [hbm4b:s20+s2], $0x10, $0x38;
	[tilespmem:$0x2200] =	vst v63  }
0x35: {  	s21 =	simm.s32 $0x2E0;
	s22 =	spop (v2sf)  }
0x36: {  	[tilespmem:s21], [sflag:$0x1] =	stream.linear.gather [hbm4b:s22+s2], $0x10, $0x38;
	[tilespmem:$0x2200] =	vst v63  }
0x37: {  	s23 =	simm.s32 $0x2F0;
	s24 =	spop (v2sf)  }
0x38: {  	[tilespmem:s23], [sflag:$0x1] =	stream.linear.gather [hbm4b:s24+s2], $0x10, $0x38;
	[tilespmem:$0x2200] =	vst v63  }
0x39: {  	v61 =	vld [tilespmem:s11+$0xFFFFFFF0];
	_ =	sdelay $0x4  }
0x3a: {  	v0 =	vshrl.u32 v61, $0x3  }
0x3b: {  	v0 =	vadd.s32 s3, v0  }
0x3c: {  	(v2sf) =	vpush v0, $0x0;
	_ =	sdelay $0x1  }
0x3d: {  	(v2sf) =	vpush v0, $0x1;
	_ =	sdelay $0x1  }
0x3e: {  	(v2sf) =	vpush v0, $0x2;
	_ =	sdelay $0x1  }
0x3f: {  	(v2sf) =	vpush v0, $0x3;
	_ =	sdelay $0x1  }
0x40: {  	(v2sf) =	vpush v0, $0x4;
	_ =	sdelay $0x1  }
0x41: {  	(v2sf) =	vpush v0, $0x5;
	_ =	sdelay $0x1  }
0x42: {  	(v2sf) =	vpush v0, $0x6;
	_ =	sdelay $0x1  }
0x43: {  	(v2sf) =	vpush v0, $0x7  }
0x44: {  	s25 =	simm.s32 $0x300;
	s26 =	spop (v2sf)  }
0x45: {  	(v2sf) =	vpush v0, $0x8;
	[tilespmem:s25], [sflag:$0x1] =	stream.linear.gather [hbm4b:s26+s2], $0x10, $0x38;
	[tilespmem:$0x2200] =	vst v63  }
0x46: {  	s28 =	simm.s32 $0x310;
	s29 =	spop (v2sf)  }
0x47: {  	(v2sf) =	vpush v0, $0x9;
	[tilespmem:s28], [sflag:$0x1] =	stream.linear.gather [hbm4b:s29+s2], $0x10, $0x38;
	[tilespmem:$0x2200] =	vst v63  }
0x48: {  	s30 =	simm.s32 $0x320;
	s31 =	spop (v2sf)  }
0x49: {  	(v2sf) =	vpush v0, $0xA;
	[tilespmem:s30], [sflag:$0x1] =	stream.linear.gather [hbm4b:s31+s2], $0x10, $0x38;
	[tilespmem:$0x2200] =	vst v63  }
0x4a: {  	s13 =	simm.s32 $0x330;
	s14 =	spop (v2sf)  }
0x4b: {  	(v2sf) =	vpush v0, $0xB;
	[tilespmem:s13], [sflag:$0x1] =	stream.linear.gather [hbm4b:s14+s2], $0x10, $0x38;
	[tilespmem:$0x2200] =	vst v63  }
0x4c: {  	s15 =	simm.s32 $0x340;
	s16 =	spop (v2sf)  }
0x4d: {  	(v2sf) =	vpush v0, $0xC;
	[tilespmem:s15], [sflag:$0x1] =	stream.linear.gather [hbm4b:s16+s2], $0x10, $0x38;
	[tilespmem:$0x2200] =	vst v63  }
0x4e: {  	s17 =	simm.s32 $0x350;
	s18 =	spop (v2sf)  }
0x4f: {  	(v2sf) =	vpush v0, $0xD;
	[tilespmem:s17], [sflag:$0x1] =	stream.linear.gather [hbm4b:s18+s2], $0x10, $0x38;
	[tilespmem:$0x2200] =	vst v63  }
0x50: {  	s19 =	simm.s32 $0x360;
	s20 =	spop (v2sf)  }
0x51: {  	(v2sf) =	vpush v0, $0xE;
	[tilespmem:s19], [sflag:$0x1] =	stream.linear.gather [hbm4b:s20+s2], $0x10, $0x38;
	[tilespmem:$0x2200] =	vst v63  }
0x52: {  	s21 =	simm.s32 $0x370;
	s22 =	spop (v2sf)  }
0x53: {  	(v2sf) =	vpush v0, $0xF;
	[tilespmem:s21], [sflag:$0x1] =	stream.linear.gather [hbm4b:s22+s2], $0x10, $0x38;
	[tilespmem:$0x2200] =	vst v63  }
0x54: {  	s23 =	simm.s32 $0x380;
	s24 =	spop (v2sf)  }
0x55: {  	[tilespmem:s23], [sflag:$0x1] =	stream.linear.gather [hbm4b:s24+s2], $0x10, $0x38;
	[tilespmem:$0x2200] =	vst v63  }
0x56: {  	s25 =	simm.s32 $0x390;
	s26 =	spop (v2sf)  }
0x57: {  	[tilespmem:s25], [sflag:$0x1] =	stream.linear.gather [hbm4b:s26+s2], $0x10, $0x38;
	[tilespmem:$0x2200] =	vst v63  }
0x58: {  	s28 =	simm.s32 $0x3A0;
	s29 =	spop (v2sf)  }
0x59: {  	[tilespmem:s28], [sflag:$0x1] =	stream.linear.gather [hbm4b:s29+s2], $0x10, $0x38;
	[tilespmem:$0x2200] =	vst v63  }
0x5a: {  	s30 =	simm.s32 $0x3B0;
	s31 =	spop (v2sf)  }
0x5b: {  	[tilespmem:s30], [sflag:$0x1] =	stream.linear.gather [hbm4b:s31+s2], $0x10, $0x38;
	[tilespmem:$0x2200] =	vst v63  }
0x5c: {  	s13 =	simm.s32 $0x3C0;
	s14 =	spop (v2sf)  }
0x5d: {  	[tilespmem:s13], [sflag:$0x1] =	stream.linear.gather [hbm4b:s14+s2], $0x10, $0x38;
	[tilespmem:$0x2200] =	vst v63  }
0x5e: {  	s15 =	simm.s32 $0x3D0;
	s16 =	spop (v2sf)  }
0x5f: {  	[tilespmem:s15], [sflag:$0x1] =	stream.linear.gather [hbm4b:s16+s2], $0x10, $0x38;
	[tilespmem:$0x2200] =	vst v63  }
0x60: {  	s17 =	simm.s32 $0x3E0;
	s18 =	spop (v2sf)  }
0x61: {  	[tilespmem:s17], [sflag:$0x1] =	stream.linear.gather [hbm4b:s18+s2], $0x10, $0x38;
	[tilespmem:$0x2200] =	vst v63  }
0x62: {  	s19 =	simm.s32 $0x3F0;
	s20 =	spop (v2sf)  }
0x63: {  	[tilespmem:s19], [sflag:$0x1] =	stream.linear.gather [hbm4b:s20+s2], $0x10, $0x38;
	[tilespmem:$0x2200] =	vst v63  }
0x64: {  	v62 =	vld [tilespmem:s11+$0x0];
	_ =	sdelay $0x4  }
0x65: {  	v0 =	vshrl.u32 v62, $0x3  }
0x66: {  	v0 =	vadd.s32 s3, v0  }
0x67: {  	(v2sf) =	vpush v0, $0x0;
	_ =	sdelay $0x1  }
0x68: {  	(v2sf) =	vpush v0, $0x1;
	_ =	sdelay $0x1  }
0x69: {  	(v2sf) =	vpush v0, $0x2;
	_ =	sdelay $0x1  }
0x6a: {  	(v2sf) =	vpush v0, $0x3;
	_ =	sdelay $0x1  }
0x6b: {  	(v2sf) =	vpush v0, $0x4;
	_ =	sdelay $0x1  }
0x6c: {  	(v2sf) =	vpush v0, $0x5;
	_ =	sdelay $0x1  }
0x6d: {  	(v2sf) =	vpush v0, $0x6;
	_ =	sdelay $0x1  }
0x6e: {  	(v2sf) =	vpush v0, $0x7  }
0x6f: {  	s21 =	simm.s32 $0x400;
	s22 =	spop (v2sf)  }
0x70: {  	(v2sf) =	vpush v0, $0x8;
	[tilespmem:s21], [sflag:$0x1] =	stream.linear.gather [hbm4b:s22+s2], $0x10, $0x38;
	[tilespmem:$0x2200] =	vst v63  }
0x71: {  	s23 =	simm.s32 $0x410;
	s24 =	spop (v2sf)  }
0x72: {  	(v2sf) =	vpush v0, $0x9;
	[tilespmem:s23], [sflag:$0x1] =	stream.linear.gather [hbm4b:s24+s2], $0x10, $0x38;
	[tilespmem:$0x2200] =	vst v63  }
0x73: {  	s25 =	simm.s32 $0x420;
	s26 =	spop (v2sf)  }
0x74: {  	(v2sf) =	vpush v0, $0xA;
	[tilespmem:s25], [sflag:$0x1] =	stream.linear.gather [hbm4b:s26+s2], $0x10, $0x38;
	[tilespmem:$0x2200] =	vst v63  }
0x75: {  	s28 =	simm.s32 $0x430;
	s29 =	spop (v2sf)  }
0x76: {  	(v2sf) =	vpush v0, $0xB;
	[tilespmem:s28], [sflag:$0x1] =	stream.linear.gather [hbm4b:s29+s2], $0x10, $0x38;
	[tilespmem:$0x2200] =	vst v63  }
0x77: {  	s30 =	simm.s32 $0x440;
	s31 =	spop (v2sf)  }
0x78: {  	(v2sf) =	vpush v0, $0xC;
	[tilespmem:s30], [sflag:$0x1] =	stream.linear.gather [hbm4b:s31+s2], $0x10, $0x38;
	[tilespmem:$0x2200] =	vst v63  }
0x79: {  	s13 =	simm.s32 $0x450;
	s14 =	spop (v2sf)  }
0x7a: {  	(v2sf) =	vpush v0, $0xD;
	[tilespmem:s13], [sflag:$0x1] =	stream.linear.gather [hbm4b:s14+s2], $0x10, $0x38;
	[tilespmem:$0x2200] =	vst v63  }
0x7b: {  	s15 =	simm.s32 $0x460;
	s16 =	spop (v2sf)  }
0x7c: {  	(v2sf) =	vpush v0, $0xE;
	[tilespmem:s15], [sflag:$0x1] =	stream.linear.gather [hbm4b:s16+s2], $0x10, $0x38;
	[tilespmem:$0x2200] =	vst v63  }
0x7d: {  	s17 =	simm.s32 $0x470;
	s18 =	spop (v2sf)  }
0x7e: {  	(v2sf) =	vpush v0, $0xF;
	[tilespmem:s17], [sflag:$0x1] =	stream.linear.gather [hbm4b:s18+s2], $0x10, $0x38;
	[tilespmem:$0x2200] =	vst v63  }
0x7f: {  	s19 =	simm.s32 $0x480;
	s20 =	spop (v2sf)  }
0x80: {  	[tilespmem:s19], [sflag:$0x1] =	stream.linear.gather [hbm4b:s20+s2], $0x10, $0x38;
	[tilespmem:$0x2200] =	vst v63  }
0x81: {  	s21 =	simm.s32 $0x490;
	s22 =	spop (v2sf)  }
0x82: {  	[tilespmem:s21], [sflag:$0x1] =	stream.linear.gather [hbm4b:s22+s2], $0x10, $0x38;
	[tilespmem:$0x2200] =	vst v63  }
0x83: {  	s23 =	simm.s32 $0x4A0;
	s24 =	spop (v2sf)  }
0x84: {  	[tilespmem:s23], [sflag:$0x1] =	stream.linear.gather [hbm4b:s24+s2], $0x10, $0x38;
	[tilespmem:$0x2200] =	vst v63  }
0x85: {  	s25 =	simm.s32 $0x4B0;
	s26 =	spop (v2sf)  }
0x86: {  	[tilespmem:s25], [sflag:$0x1] =	stream.linear.gather [hbm4b:s26+s2], $0x10, $0x38;
	[tilespmem:$0x2200] =	vst v63  }
0x87: {  	s28 =	simm.s32 $0x4C0;
	s29 =	spop (v2sf)  }
0x88: {  	[tilespmem:s28], [sflag:$0x1] =	stream.linear.gather [hbm4b:s29+s2], $0x10, $0x38;
	[tilespmem:$0x2200] =	vst v63  }
0x89: {  	s30 =	simm.s32 $0x4D0;
	s31 =	spop (v2sf)  }
0x8a: {  	[tilespmem:s30], [sflag:$0x1] =	stream.linear.gather [hbm4b:s31+s2], $0x10, $0x38;
	[tilespmem:$0x2200] =	vst v63  }
0x8b: {  	s13 =	simm.s32 $0x4E0;
	s14 =	spop (v2sf)  }
0x8c: {  	[tilespmem:s13], [sflag:$0x1] =	stream.linear.gather [hbm4b:s14+s2], $0x10, $0x38;
	[tilespmem:$0x2200] =	vst v63  }
0x8d: {  	s15 =	simm.s32 $0x4F0;
	s16 =	spop (v2sf)  }
0x8e: {  	[tilespmem:s15], [sflag:$0x1] =	stream.linear.gather [hbm4b:s16+s2], $0x10, $0x38;
	[tilespmem:$0x2200] =	vst v63  }
0x8f: {  	v63 =	vld [tilespmem:s11+$0x10];
	_ =	sdelay $0x4  }
0x90: {  	v0 =	vshrl.u32 v63, $0x3  }
0x91: {  	v0 =	vadd.s32 s3, v0  }
0x92: {  	(v2sf) =	vpush v0, $0x0;
	_ =	sdelay $0x1  }
0x93: {  	(v2sf) =	vpush v0, $0x1;
	_ =	sdelay $0x1  }
0x94: {  	(v2sf) =	vpush v0, $0x2;
	_ =	sdelay $0x1  }
0x95: {  	(v2sf) =	vpush v0, $0x3;
	_ =	sdelay $0x1  }
0x96: {  	(v2sf) =	vpush v0, $0x4;
	_ =	sdelay $0x1  }
0x97: {  	(v2sf) =	vpush v0, $0x5;
	_ =	sdelay $0x1  }
0x98: {  	(v2sf) =	vpush v0, $0x6;
	_ =	sdelay $0x1  }
0x99: {  	(v2sf) =	vpush v0, $0x7  }
0x9a: {  	s17 =	simm.s32 $0x500;
	s18 =	spop (v2sf)  }
0x9b: {  	(v2sf) =	vpush v0, $0x8;
	[tilespmem:s17], [sflag:$0x1] =	stream.linear.gather [hbm4b:s18+s2], $0x10, $0x38;
	[tilespmem:$0x2200] =	vst v63  }
0x9c: {  	s19 =	simm.s32 $0x510;
	s20 =	spop (v2sf)  }
0x9d: {  	(v2sf) =	vpush v0, $0x9;
	[tilespmem:s19], [sflag:$0x1] =	stream.linear.gather [hbm4b:s20+s2], $0x10, $0x38;
	[tilespmem:$0x2200] =	vst v63  }
0x9e: {  	s21 =	simm.s32 $0x520;
	s22 =	spop (v2sf)  }
0x9f: {  	(v2sf) =	vpush v0, $0xA;
	[tilespmem:s21], [sflag:$0x1] =	stream.linear.gather [hbm4b:s22+s2], $0x10, $0x38;
	[tilespmem:$0x2200] =	vst v63  }
0xa0: {  	s23 =	simm.s32 $0x530;
	s24 =	spop (v2sf)  }
0xa1: {  	(v2sf) =	vpush v0, $0xB;
	[tilespmem:s23], [sflag:$0x1] =	stream.linear.gather [hbm4b:s24+s2], $0x10, $0x38;
	[tilespmem:$0x2200] =	vst v63  }
0xa2: {  	s25 =	simm.s32 $0x540;
	s26 =	spop (v2sf)  }
0xa3: {  	(v2sf) =	vpush v0, $0xC;
	[tilespmem:s25], [sflag:$0x1] =	stream.linear.gather [hbm4b:s26+s2], $0x10, $0x38;
	[tilespmem:$0x2200] =	vst v63  }
0xa4: {  	s28 =	simm.s32 $0x550;
	s29 =	spop (v2sf)  }
0xa5: {  	(v2sf) =	vpush v0, $0xD;
	[tilespmem:s28], [sflag:$0x1] =	stream.linear.gather [hbm4b:s29+s2], $0x10, $0x38;
	[tilespmem:$0x2200] =	vst v63  }
0xa6: {  	s30 =	simm.s32 $0x560;
	s31 =	spop (v2sf)  }
0xa7: {  	(v2sf) =	vpush v0, $0xE;
	[tilespmem:s30], [sflag:$0x1] =	stream.linear.gather [hbm4b:s31+s2], $0x10, $0x38;
	[tilespmem:$0x2200] =	vst v63  }
0xa8: {  	s13 =	simm.s32 $0x570;
	s14 =	spop (v2sf)  }
0xa9: {  	(v2sf) =	vpush v0, $0xF;
	[tilespmem:s13], [sflag:$0x1] =	stream.linear.gather [hbm4b:s14+s2], $0x10, $0x38;
	[tilespmem:$0x2200] =	vst v63  }
0xaa: {  	s15 =	simm.s32 $0x580;
	s16 =	spop (v2sf)  }
0xab: {  	[tilespmem:s15], [sflag:$0x1] =	stream.linear.gather [hbm4b:s16+s2], $0x10, $0x38;
	[tilespmem:$0x2200] =	vst v63  }
0xac: {  	s17 =	simm.s32 $0x590;
	s18 =	spop (v2sf)  }
0xad: {  	[tilespmem:s17], [sflag:$0x1] =	stream.linear.gather [hbm4b:s18+s2], $0x10, $0x38;
	[tilespmem:$0x2200] =	vst v63  }
0xae: {  	s19 =	simm.s32 $0x5A0;
	s20 =	spop (v2sf)  }
0xaf: {  	[tilespmem:s19], [sflag:$0x1] =	stream.linear.gather [hbm4b:s20+s2], $0x10, $0x38;
	[tilespmem:$0x2200] =	vst v63  }
0xb0: {  	s21 =	simm.s32 $0x5B0;
	s22 =	spop (v2sf)  }
0xb1: {  	[tilespmem:s21], [sflag:$0x1] =	stream.linear.gather [hbm4b:s22+s2], $0x10, $0x38;
	[tilespmem:$0x2200] =	vst v63  }
0xb2: {  	s23 =	simm.s32 $0x5C0;
	s24 =	spop (v2sf)  }
0xb3: {  	[tilespmem:s23], [sflag:$0x1] =	stream.linear.gather [hbm4b:s24+s2], $0x10, $0x38;
	[tilespmem:$0x2200] =	vst v63  }
0xb4: {  	s25 =	simm.s32 $0x5D0;
	s26 =	spop (v2sf)  }
0xb5: {  	[tilespmem:s25], [sflag:$0x1] =	stream.linear.gather [hbm4b:s26+s2], $0x10, $0x38;
	[tilespmem:$0x2200] =	vst v63  }
0xb6: {  	s28 =	simm.s32 $0x5E0;
	s29 =	spop (v2sf)  }
0xb7: {  	[tilespmem:s28], [sflag:$0x1] =	stream.linear.gather [hbm4b:s29+s2], $0x10, $0x38;
	[tilespmem:$0x2200] =	vst v63  }
0xb8: {  	s30 =	simm.s32 $0x5F0;
	s31 =	spop (v2sf)  }
0xb9: {  	[tilespmem:s30], [sflag:$0x1] =	stream.linear.gather [hbm4b:s31+s2], $0x10, $0x38;
	[tilespmem:$0x2200] =	vst v63  }
0xba: {  	_ =	swait.ge [sflag:s8], $0x10  }
0xbb: {  	[sflag:s8] =	ssyncset.done $0x0  }
0xbc: {  	[sflag:s8] =	ssyncadd.s32 $0xFFFFFFF0  }
0xbd: {  	_ =	swait.ge [sflag:s8], $0x10  }
0xbe: {  	[sflag:s8] =	ssyncset.done $0x0  }
0xbf: {  	[sflag:s8] =	ssyncadd.s32 $0xFFFFFFF0  }
0xc0: {  	_ =	swait.ge [sflag:s8], $0x10  }
0xc1: {  	[sflag:s8] =	ssyncset.done $0x0  }
0xc2: {  	[sflag:s8] =	ssyncadd.s32 $0xFFFFFFF0  }
0xc3: {  	_ =	swait.ge [sflag:s8], $0x10  }
0xc4: {  	[sflag:s8] =	ssyncset.done $0x0  }
0xc5: {  	[sflag:s8] =	ssyncadd.s32 $0xFFFFFFF0  }
0xc6: {  	_ =	swait.ge [sflag:s8], $0x10  }
0xc7: {  	[sflag:s8] =	ssyncset.done $0x0  }
0xc8: {  	[sflag:s8] =	ssyncadd.s32 $0xFFFFFFF0  }
0xc9: {  	_ =	swait.ge [sflag:s8], $0x10  }
0xca: {  	[sflag:s8] =	ssyncset.done $0x0  }
0xcb: {  	[sflag:s8] =	ssyncadd.s32 $0xFFFFFFF0  }
0xcc: {  	_ =	swait.ge [sflag:s8], $0x10  }
0xcd: {  	[sflag:s8] =	ssyncset.done $0x0  }
0xce: {  	[sflag:s8] =	ssyncadd.s32 $0xFFFFFFF0  }
0xcf: {  	_ =	swait.ge [sflag:s8], $0x10  }
0xd0: {  	[sflag:s8] =	ssyncset.done $0x0  }
0xd1: {  	[sflag:s8] =	ssyncadd.s32 $0xFFFFFFF0  }
0xd2: {  	_ =	swait.ge [sflag:s8], $0x10  }
0xd3: {  	[sflag:s8] =	ssyncset.done $0x0  }
0xd4: {  	[sflag:s8] =	ssyncadd.s32 $0xFFFFFFF0  }
0xd5: {  	_ =	swait.ge [sflag:s8], $0x10  }
0xd6: {  	[sflag:s8] =	ssyncset.done $0x0  }
0xd7: {  	[sflag:s8] =	ssyncadd.s32 $0xFFFFFFF0  }
0xd8: {  	_ =	swait.ge [sflag:s8], $0x10  }
0xd9: {  	[sflag:s8] =	ssyncset.done $0x0  }
0xda: {  	[sflag:s8] =	ssyncadd.s32 $0xFFFFFFF0  }
0xdb: {  	_ =	swait.ge [sflag:s8], $0x10  }
0xdc: {  	[sflag:s8] =	ssyncset.done $0x0  }
0xdd: {  	[sflag:s8] =	ssyncadd.s32 $0xFFFFFFF0  }
0xde: {  	_ =	swait.ge [sflag:s8], $0x10  }
0xdf: {  	[sflag:s8] =	ssyncset.done $0x0  }
0xe0: {  	[sflag:s8] =	ssyncadd.s32 $0xFFFFFFF0  }
0xe1: {  	_ =	swait.ge [sflag:s8], $0x10  }
0xe2: {  	[sflag:s8] =	ssyncset.done $0x0  }
0xe3: {  	[sflag:s8] =	ssyncadd.s32 $0xFFFFFFF0  }
0xe4: {  	_ =	swait.ge [sflag:s8], $0x10  }
0xe5: {  	[sflag:s8] =	ssyncset.done $0x0  }
0xe6: {  	[sflag:s8] =	ssyncadd.s32 $0xFFFFFFF0  }
0xe7: {  	_ =	swait.ge [sflag:s8], $0x10  }
0xe8: {  	[sflag:s8] =	ssyncset.done $0x0  }
0xe9: {  	[sflag:s8] =	ssyncadd.s32 $0xFFFFFFF0  }
0xea: {  	_ =	swait.ge [sflag:s8], $0x10  }
0xeb: {  	[sflag:s8] =	ssyncset.done $0x0  }
0xec: {  	[sflag:s8] =	ssyncadd.s32 $0xFFFFFFF0  }
0xed: {  	_ =	swait.ge [sflag:s8], $0x10  }
0xee: {  	[sflag:s8] =	ssyncset.done $0x0  }
0xef: {  	[sflag:s8] =	ssyncadd.s32 $0xFFFFFFF0  }
0xf0: {  	_ =	swait.ge [sflag:s8], $0x10  }
0xf1: {  	[sflag:s8] =	ssyncset.done $0x0  }
0xf2: {  	[sflag:s8] =	ssyncadd.s32 $0xFFFFFFF0  }
0xf3: {  	_ =	swait.ge [sflag:s8], $0x10  }
0xf4: {  	[sflag:s8] =	ssyncset.done $0x0  }
0xf5: {  	[sflag:s8] =	ssyncadd.s32 $0xFFFFFFF0  }
0xf6: {  	_ =	swait.ge [sflag:s8], $0x10  }
0xf7: {  	[sflag:s8] =	ssyncset.done $0x0  }
0xf8: {  	[sflag:s8] =	ssyncadd.s32 $0xFFFFFFF0  }
0xf9: {  	_ =	swait.ge [sflag:s8], $0x10  }
0xfa: {  	[sflag:s8] =	ssyncset.done $0x0  }
0xfb: {  	[sflag:s8] =	ssyncadd.s32 $0xFFFFFFF0  }
0xfc: {  	_ =	swait.ge [sflag:s8], $0x10  }
0xfd: {  	[sflag:s8] =	ssyncset.done $0x0  }
0xfe: {  	[sflag:s8] =	ssyncadd.s32 $0xFFFFFFF0  }
0xff: {  	_ =	swait.ge [sflag:s8], $0x10  }
0x100: {  	[sflag:s8] =	ssyncset.done $0x0  }
0x101: {  	[sflag:s8] =	ssyncadd.s32 $0xFFFFFFF0  }
0x102: {  	_ =	swait.ge [sflag:s8], $0x10  }
0x103: {  	[sflag:s8] =	ssyncset.done $0x0  }
0x104: {  	[sflag:s8] =	ssyncadd.s32 $0xFFFFFFF0  }
0x105: {  	_ =	swait.ge [sflag:s8], $0x10  }
0x106: {  	[sflag:s8] =	ssyncset.done $0x0  }
0x107: {  	[sflag:s8] =	ssyncadd.s32 $0xFFFFFFF0  }
0x108: {  	_ =	swait.ge [sflag:s8], $0x10  }
0x109: {  	[sflag:s8] =	ssyncset.done $0x0  }
0x10a: {  	[sflag:s8] =	ssyncadd.s32 $0xFFFFFFF0  }
0x10b: {  	_ =	swait.ge [sflag:s8], $0x10  }
0x10c: {  	[sflag:s8] =	ssyncset.done $0x0  }
0x10d: {  	[sflag:s8] =	ssyncadd.s32 $0xFFFFFFF0  }
0x10e: {  	_ =	swait.ge [sflag:s8], $0x10  }
0x10f: {  	[sflag:s8] =	ssyncset.done $0x0  }
0x110: {  	[sflag:s8] =	ssyncadd.s32 $0xFFFFFFF0  }
0x111: {  	_ =	swait.ge [sflag:s8], $0x10  }
0x112: {  	[sflag:s8] =	ssyncset.done $0x0  }
0x113: {  	[sflag:s8] =	ssyncadd.s32 $0xFFFFFFF0  }
0x114: {  	_ =	swait.ge [sflag:s8], $0x10  }
0x115: {  	[sflag:s8] =	ssyncset.done $0x0  }
0x116: {  	[sflag:s8] =	ssyncadd.s32 $0xFFFFFFF0  }
0x117: {  	_ =	swait.ge [sflag:s8], $0x10  }
0x118: {  	[sflag:s8] =	ssyncset.done $0x0  }
0x119: {  	[sflag:s8] =	ssyncadd.s32 $0xFFFFFFF0  }
0x11a: {  	_ =	swait.ge [sflag:s8], $0x10  }
0x11b: {  	[sflag:s8] =	ssyncset.done $0x0  }
0x11c: {  	[sflag:s8] =	ssyncadd.s32 $0xFFFFFFF0  }
0x11d: {  	_ =	swait.ge [sflag:s8], $0x10  }
0x11e: {  	[sflag:s8] =	ssyncset.done $0x0  }
0x11f: {  	[sflag:s8] =	ssyncadd.s32 $0xFFFFFFF0  }
0x120: {  	_ =	swait.ge [sflag:s8], $0x10  }
0x121: {  	[sflag:s8] =	ssyncset.done $0x0  }
0x122: {  	[sflag:s8] =	ssyncadd.s32 $0xFFFFFFF0  }
0x123: {  	_ =	swait.ge [sflag:s8], $0x10  }
0x124: {  	[sflag:s8] =	ssyncset.done $0x0  }
0x125: {  	[sflag:s8] =	ssyncadd.s32 $0xFFFFFFF0  }
0x126: {  	_ =	swait.ge [sflag:s8], $0x10  }
0x127: {  	[sflag:s8] =	ssyncset.done $0x0  }
0x128: {  	[sflag:s8] =	ssyncadd.s32 $0xFFFFFFF0  }
0x129: {  	_ =	swait.ge [sflag:s8], $0x10  }
0x12a: {  	[sflag:s8] =	ssyncset.done $0x0  }
0x12b: {  	[sflag:s8] =	ssyncadd.s32 $0xFFFFFFF0  }
0x12c: {  	_ =	swait.ge [sflag:s8], $0x10  }
0x12d: {  	[sflag:s8] =	ssyncset.done $0x0  }
0x12e: {  	[sflag:s8] =	ssyncadd.s32 $0xFFFFFFF0  }
0x12f: {  	_ =	swait.ge [sflag:s8], $0x10  }
0x130: {  	[sflag:s8] =	ssyncset.done $0x0  }
0x131: {  	[sflag:s8] =	ssyncadd.s32 $0xFFFFFFF0  }
0x132: {  	_ =	swait.ge [sflag:s8], $0x10  }
0x133: {  	[sflag:s8] =	ssyncset.done $0x0  }
0x134: {  	[sflag:s8] =	ssyncadd.s32 $0xFFFFFFF0  }
0x135: {  	_ =	swait.ge [sflag:s8], $0x10  }
0x136: {  	[sflag:s8] =	ssyncset.done $0x0  }
0x137: {  	[sflag:s8] =	ssyncadd.s32 $0xFFFFFFF0  }
0x138: {  	_ =	swait.ge [sflag:s8], $0x10  }
0x139: {  	[sflag:s8] =	ssyncset.done $0x0  }
0x13a: {  	[sflag:s8] =	ssyncadd.s32 $0xFFFFFFF0  }
0x13b: {  	_ =	swait.ge [sflag:s8], $0x10  }
0x13c: {  	[sflag:s8] =	ssyncset.done $0x0  }
0x13d: {  	[sflag:s8] =	ssyncadd.s32 $0xFFFFFFF0  }
0x13e: {  	_ =	swait.ge [sflag:s8], $0x10  }
0x13f: {  	[sflag:s8] =	ssyncset.done $0x0  }
0x140: {  	[sflag:s8] =	ssyncadd.s32 $0xFFFFFFF0  }
0x141: {  	_ =	swait.ge [sflag:s8], $0x10  }
0x142: {  	[sflag:s8] =	ssyncset.done $0x0  }
0x143: {  	[sflag:s8] =	ssyncadd.s32 $0xFFFFFFF0  }
0x144: {  	_ =	swait.ge [sflag:s8], $0x10  }
0x145: {  	[sflag:s8] =	ssyncset.done $0x0  }
0x146: {  	[sflag:s8] =	ssyncadd.s32 $0xFFFFFFF0  }
0x147: {  	_ =	swait.ge [sflag:s8], $0x10  }
0x148: {  	[sflag:s8] =	ssyncset.done $0x0  }
0x149: {  	[sflag:s8] =	ssyncadd.s32 $0xFFFFFFF0  }
0x14a: {  	_ =	swait.ge [sflag:s8], $0x10  }
0x14b: {  	[sflag:s8] =	ssyncset.done $0x0  }
0x14c: {  	[sflag:s8] =	ssyncadd.s32 $0xFFFFFFF0  }
0x14d: {  	_ =	swait.ge [sflag:s8], $0x10  }
0x14e: {  	[sflag:s8] =	ssyncset.done $0x0  }
0x14f: {  	[sflag:s8] =	ssyncadd.s32 $0xFFFFFFF0  }
0x150: {  	_ =	swait.ge [sflag:s8], $0x10  }
0x151: {  	[sflag:s8] =	ssyncset.done $0x0  }
0x152: {  	[sflag:s8] =	ssyncadd.s32 $0xFFFFFFF0  }
0x153: {  	_ =	swait.ge [sflag:s8], $0x10  }
0x154: {  	[sflag:s8] =	ssyncset.done $0x0  }
0x155: {  	[sflag:s8] =	ssyncadd.s32 $0xFFFFFFF0  }
0x156: {  	_ =	swait.ge [sflag:s8], $0x10  }
0x157: {  	[sflag:s8] =	ssyncset.done $0x0  }
0x158: {  	[sflag:s8] =	ssyncadd.s32 $0xFFFFFFF0  }
0x159: {  	_ =	swait.ge [sflag:s8], $0x10  }
0x15a: {  	[sflag:s8] =	ssyncset.done $0x0  }
0x15b: {  	[sflag:s8] =	ssyncadd.s32 $0xFFFFFFF0  }
0x15c: {  	_ =	swait.ge [sflag:s8], $0x10  }
0x15d: {  	[sflag:s8] =	ssyncset.done $0x0  }
0x15e: {  	[sflag:s8] =	ssyncadd.s32 $0xFFFFFFF0  }
0x15f: {  	_ =	swait.ge [sflag:s8], $0x10  }
0x160: {  	[sflag:s8] =	ssyncset.done $0x0  }
0x161: {  	[sflag:s8] =	ssyncadd.s32 $0xFFFFFFF0  }
0x162: {  	_ =	swait.ge [sflag:s8], $0x10  }
0x163: {  	[sflag:s8] =	ssyncset.done $0x0  }
0x164: {  	[sflag:s8] =	ssyncadd.s32 $0xFFFFFFF0  }
0x165: {  	_ =	swait.ge [sflag:s8], $0x10  }
0x166: {  	[sflag:s8] =	ssyncset.done $0x0  }
0x167: {  	[sflag:s8] =	ssyncadd.s32 $0xFFFFFFF0  }
0x168: {  	_ =	swait.ge [sflag:s8], $0x10  }
0x169: {  	[sflag:s8] =	ssyncset.done $0x0  }
0x16a: {  	[sflag:s8] =	ssyncadd.s32 $0xFFFFFFF0  }
0x16b: {  	_ =	swait.ge [sflag:s8], $0x10  }
0x16c: {  	[sflag:s8] =	ssyncset.done $0x0  }
0x16d: {  	[sflag:s8] =	ssyncadd.s32 $0xFFFFFFF0  }
0x16e: {  	_ =	swait.ge [sflag:s8], $0x10  }
0x16f: {  	[sflag:s8] =	ssyncset.done $0x0  }
0x170: {  	[sflag:s8] =	ssyncadd.s32 $0xFFFFFFF0  }
0x171: {  	_ =	swait.ge [sflag:s8], $0x10  }
0x172: {  	[sflag:s8] =	ssyncset.done $0x0  }
0x173: {  	[sflag:s8] =	ssyncadd.s32 $0xFFFFFFF0  }
0x174: {  	_ =	swait.ge [sflag:s8], $0x10  }
0x175: {  	[sflag:s8] =	ssyncset.done $0x0  }
0x176: {  	[sflag:s8] =	ssyncadd.s32 $0xFFFFFFF0  }
0x177: {  	_ =	swait.ge [sflag:s8], $0x10  }
0x178: {  	s12 =	simm.s32 $0x1000;
	[sflag:s8] =	ssyncset.done $0x0  }
.LBB2_2:
0x179: {  	p0 =	sne.s32 s12, $0x7000;
	[sflag:s8] =	ssyncadd.s32 $0xFFFFFFF0;
	s11 =	sadd.s32 $0x40, s11  }
0x17a: {  	s13 =	smov.u32 s12;
	s12 =	sadd.s32 $0x1000, s12;
	v0 =	vld [tilespmem:s11+$0xFFFFFFE0];
	_ =	sdelay $0x4  }
0x17b: {  	v0 =	vshrl.u32 v0, $0x3  }
0x17c: {  	v0 =	vadd.s32 s3, v0  }
0x17d: {  	(v2sf) =	vpush v0, $0x0;
	_ =	sdelay $0x1  }
0x17e: {  	(v2sf) =	vpush v0, $0x1;
	_ =	sdelay $0x1  }
0x17f: {  	(v2sf) =	vpush v0, $0x2;
	_ =	sdelay $0x1  }
0x180: {  	(v2sf) =	vpush v0, $0x3;
	_ =	sdelay $0x1  }
0x181: {  	(v2sf) =	vpush v0, $0x4;
	_ =	sdelay $0x1  }
0x182: {  	(v2sf) =	vpush v0, $0x5;
	_ =	sdelay $0x1  }
0x183: {  	(v2sf) =	vpush v0, $0x6;
	_ =	sdelay $0x1  }
0x184: {  	s13 =	sshra.s32 s13, $0x2;
	(v2sf) =	vpush v0, $0x7  }
0x185: {  	s14 =	sadd.s32 $0x200, s13;
	s15 =	spop (v2sf)  }
0x186: {  	[tilespmem:s14], [sflag:$0x1] =	stream.linear.gather [hbm4b:s15+s2], $0x10, $0x38;
	(v2sf) =	vpush v0, $0x8;
	[tilespmem:$0x2200] =	vst v63  }
0x187: {  	s14 =	sadd.s32 $0x210, s13;
	s15 =	spop (v2sf)  }
0x188: {  	[tilespmem:s14], [sflag:$0x1] =	stream.linear.gather [hbm4b:s15+s2], $0x10, $0x38;
	(v2sf) =	vpush v0, $0x9;
	[tilespmem:$0x2200] =	vst v63  }
0x189: {  	s14 =	sadd.s32 $0x220, s13;
	s15 =	spop (v2sf)  }
0x18a: {  	[tilespmem:s14], [sflag:$0x1] =	stream.linear.gather [hbm4b:s15+s2], $0x10, $0x38;
	(v2sf) =	vpush v0, $0xA;
	[tilespmem:$0x2200] =	vst v63  }
0x18b: {  	s14 =	sadd.s32 $0x230, s13;
	s15 =	spop (v2sf)  }
0x18c: {  	[tilespmem:s14], [sflag:$0x1] =	stream.linear.gather [hbm4b:s15+s2], $0x10, $0x38;
	(v2sf) =	vpush v0, $0xB;
	[tilespmem:$0x2200] =	vst v63  }
0x18d: {  	s14 =	sadd.s32 $0x240, s13;
	s15 =	spop (v2sf)  }
0x18e: {  	[tilespmem:s14], [sflag:$0x1] =	stream.linear.gather [hbm4b:s15+s2], $0x10, $0x38;
	(v2sf) =	vpush v0, $0xC;
	[tilespmem:$0x2200] =	vst v63  }
0x18f: {  	s14 =	sadd.s32 $0x250, s13;
	s15 =	spop (v2sf)  }
0x190: {  	[tilespmem:s14], [sflag:$0x1] =	stream.linear.gather [hbm4b:s15+s2], $0x10, $0x38;
	(v2sf) =	vpush v0, $0xD;
	[tilespmem:$0x2200] =	vst v63  }
0x191: {  	s14 =	sadd.s32 $0x260, s13;
	s15 =	spop (v2sf)  }
0x192: {  	[tilespmem:s14], [sflag:$0x1] =	stream.linear.gather [hbm4b:s15+s2], $0x10, $0x38;
	(v2sf) =	vpush v0, $0xE;
	[tilespmem:$0x2200] =	vst v63  }
0x193: {  	s14 =	sadd.s32 $0x270, s13;
	s15 =	spop (v2sf)  }
0x194: {  	[tilespmem:s14], [sflag:$0x1] =	stream.linear.gather [hbm4b:s15+s2], $0x10, $0x38;
	(v2sf) =	vpush v0, $0xF;
	[tilespmem:$0x2200] =	vst v63  }
0x195: {  	s14 =	sadd.s32 $0x280, s13;
	s15 =	spop (v2sf)  }
0x196: {  	[tilespmem:s14], [sflag:$0x1] =	stream.linear.gather [hbm4b:s15+s2], $0x10, $0x38;
	[tilespmem:$0x2200] =	vst v63  }
0x197: {  	s14 =	sadd.s32 $0x290, s13;
	s15 =	spop (v2sf)  }
0x198: {  	[tilespmem:s14], [sflag:$0x1] =	stream.linear.gather [hbm4b:s15+s2], $0x10, $0x38;
	[tilespmem:$0x2200] =	vst v63  }
0x199: {  	s14 =	sadd.s32 $0x2A0, s13;
	s15 =	spop (v2sf)  }
0x19a: {  	[tilespmem:s14], [sflag:$0x1] =	stream.linear.gather [hbm4b:s15+s2], $0x10, $0x38;
	[tilespmem:$0x2200] =	vst v63  }
0x19b: {  	s14 =	sadd.s32 $0x2B0, s13;
	s15 =	spop (v2sf)  }
0x19c: {  	[tilespmem:s14], [sflag:$0x1] =	stream.linear.gather [hbm4b:s15+s2], $0x10, $0x38;
	[tilespmem:$0x2200] =	vst v63  }
0x19d: {  	s14 =	sadd.s32 $0x2C0, s13;
	s15 =	spop (v2sf)  }
0x19e: {  	[tilespmem:s14], [sflag:$0x1] =	stream.linear.gather [hbm4b:s15+s2], $0x10, $0x38;
	[tilespmem:$0x2200] =	vst v63  }
0x19f: {  	s14 =	sadd.s32 $0x2D0, s13;
	s15 =	spop (v2sf)  }
0x1a0: {  	[tilespmem:s14], [sflag:$0x1] =	stream.linear.gather [hbm4b:s15+s2], $0x10, $0x38;
	[tilespmem:$0x2200] =	vst v63  }
0x1a1: {  	s14 =	sadd.s32 $0x2E0, s13;
	s15 =	spop (v2sf)  }
0x1a2: {  	[tilespmem:s14], [sflag:$0x1] =	stream.linear.gather [hbm4b:s15+s2], $0x10, $0x38;
	[tilespmem:$0x2200] =	vst v63  }
0x1a3: {  	s14 =	sadd.s32 $0x2F0, s13;
	s15 =	spop (v2sf)  }
0x1a4: {  	[tilespmem:s14], [sflag:$0x1] =	stream.linear.gather [hbm4b:s15+s2], $0x10, $0x38;
	[tilespmem:$0x2200] =	vst v63  }
0x1a5: {  	v0 =	vld [tilespmem:s11+$0xFFFFFFF0];
	_ =	sdelay $0x4  }
0x1a6: {  	v0 =	vshrl.u32 v0, $0x3  }
0x1a7: {  	v0 =	vadd.s32 s3, v0  }
0x1a8: {  	(v2sf) =	vpush v0, $0x0;
	_ =	sdelay $0x1  }
0x1a9: {  	(v2sf) =	vpush v0, $0x1;
	_ =	sdelay $0x1  }
0x1aa: {  	(v2sf) =	vpush v0, $0x2;
	_ =	sdelay $0x1  }
0x1ab: {  	(v2sf) =	vpush v0, $0x3;
	_ =	sdelay $0x1  }
0x1ac: {  	(v2sf) =	vpush v0, $0x4;
	_ =	sdelay $0x1  }
0x1ad: {  	(v2sf) =	vpush v0, $0x5;
	_ =	sdelay $0x1  }
0x1ae: {  	(v2sf) =	vpush v0, $0x6;
	_ =	sdelay $0x1  }
0x1af: {  	(v2sf) =	vpush v0, $0x7  }
0x1b0: {  	s14 =	sadd.s32 $0x300, s13;
	s15 =	spop (v2sf)  }
0x1b1: {  	[tilespmem:s14], [sflag:$0x1] =	stream.linear.gather [hbm4b:s15+s2], $0x10, $0x38;
	(v2sf) =	vpush v0, $0x8;
	[tilespmem:$0x2200] =	vst v63  }
0x1b2: {  	s14 =	sadd.s32 $0x310, s13;
	s15 =	spop (v2sf)  }
0x1b3: {  	[tilespmem:s14], [sflag:$0x1] =	stream.linear.gather [hbm4b:s15+s2], $0x10, $0x38;
	(v2sf) =	vpush v0, $0x9;
	[tilespmem:$0x2200] =	vst v63  }
0x1b4: {  	s14 =	sadd.s32 $0x320, s13;
	s15 =	spop (v2sf)  }
0x1b5: {  	[tilespmem:s14], [sflag:$0x1] =	stream.linear.gather [hbm4b:s15+s2], $0x10, $0x38;
	(v2sf) =	vpush v0, $0xA;
	[tilespmem:$0x2200] =	vst v63  }
0x1b6: {  	s14 =	sadd.s32 $0x330, s13;
	s15 =	spop (v2sf)  }
0x1b7: {  	[tilespmem:s14], [sflag:$0x1] =	stream.linear.gather [hbm4b:s15+s2], $0x10, $0x38;
	(v2sf) =	vpush v0, $0xB;
	[tilespmem:$0x2200] =	vst v63  }
0x1b8: {  	s14 =	sadd.s32 $0x340, s13;
	s15 =	spop (v2sf)  }
0x1b9: {  	[tilespmem:s14], [sflag:$0x1] =	stream.linear.gather [hbm4b:s15+s2], $0x10, $0x38;
	(v2sf) =	vpush v0, $0xC;
	[tilespmem:$0x2200] =	vst v63  }
0x1ba: {  	s14 =	sadd.s32 $0x350, s13;
	s15 =	spop (v2sf)  }
0x1bb: {  	[tilespmem:s14], [sflag:$0x1] =	stream.linear.gather [hbm4b:s15+s2], $0x10, $0x38;
	(v2sf) =	vpush v0, $0xD;
	[tilespmem:$0x2200] =	vst v63  }
0x1bc: {  	s14 =	sadd.s32 $0x360, s13;
	s15 =	spop (v2sf)  }
0x1bd: {  	[tilespmem:s14], [sflag:$0x1] =	stream.linear.gather [hbm4b:s15+s2], $0x10, $0x38;
	(v2sf) =	vpush v0, $0xE;
	[tilespmem:$0x2200] =	vst v63  }
0x1be: {  	s14 =	sadd.s32 $0x370, s13;
	s15 =	spop (v2sf)  }
0x1bf: {  	[tilespmem:s14], [sflag:$0x1] =	stream.linear.gather [hbm4b:s15+s2], $0x10, $0x38;
	(v2sf) =	vpush v0, $0xF;
	[tilespmem:$0x2200] =	vst v63  }
0x1c0: {  	s14 =	sadd.s32 $0x380, s13;
	s15 =	spop (v2sf)  }
0x1c1: {  	[tilespmem:s14], [sflag:$0x1] =	stream.linear.gather [hbm4b:s15+s2], $0x10, $0x38;
	[tilespmem:$0x2200] =	vst v63  }
0x1c2: {  	s14 =	sadd.s32 $0x390, s13;
	s15 =	spop (v2sf)  }
0x1c3: {  	[tilespmem:s14], [sflag:$0x1] =	stream.linear.gather [hbm4b:s15+s2], $0x10, $0x38;
	[tilespmem:$0x2200] =	vst v63  }
0x1c4: {  	s14 =	sadd.s32 $0x3A0, s13;
	s15 =	spop (v2sf)  }
0x1c5: {  	[tilespmem:s14], [sflag:$0x1] =	stream.linear.gather [hbm4b:s15+s2], $0x10, $0x38;
	[tilespmem:$0x2200] =	vst v63  }
0x1c6: {  	s14 =	sadd.s32 $0x3B0, s13;
	s15 =	spop (v2sf)  }
0x1c7: {  	[tilespmem:s14], [sflag:$0x1] =	stream.linear.gather [hbm4b:s15+s2], $0x10, $0x38;
	[tilespmem:$0x2200] =	vst v63  }
0x1c8: {  	s14 =	sadd.s32 $0x3C0, s13;
	s15 =	spop (v2sf)  }
0x1c9: {  	[tilespmem:s14], [sflag:$0x1] =	stream.linear.gather [hbm4b:s15+s2], $0x10, $0x38;
	[tilespmem:$0x2200] =	vst v63  }
0x1ca: {  	s14 =	sadd.s32 $0x3D0, s13;
	s15 =	spop (v2sf)  }
0x1cb: {  	[tilespmem:s14], [sflag:$0x1] =	stream.linear.gather [hbm4b:s15+s2], $0x10, $0x38;
	[tilespmem:$0x2200] =	vst v63  }
0x1cc: {  	s14 =	sadd.s32 $0x3E0, s13;
	s15 =	spop (v2sf)  }
0x1cd: {  	[tilespmem:s14], [sflag:$0x1] =	stream.linear.gather [hbm4b:s15+s2], $0x10, $0x38;
	[tilespmem:$0x2200] =	vst v63  }
0x1ce: {  	s14 =	sadd.s32 $0x3F0, s13;
	s15 =	spop (v2sf)  }
0x1cf: {  	[tilespmem:s14], [sflag:$0x1] =	stream.linear.gather [hbm4b:s15+s2], $0x10, $0x38;
	[tilespmem:$0x2200] =	vst v63  }
0x1d0: {  	v0 =	vld [tilespmem:s11+$0x0];
	_ =	sdelay $0x4  }
0x1d1: {  	v0 =	vshrl.u32 v0, $0x3  }
0x1d2: {  	v0 =	vadd.s32 s3, v0  }
0x1d3: {  	(v2sf) =	vpush v0, $0x0;
	_ =	sdelay $0x1  }
0x1d4: {  	(v2sf) =	vpush v0, $0x1;
	_ =	sdelay $0x1  }
0x1d5: {  	(v2sf) =	vpush v0, $0x2;
	_ =	sdelay $0x1  }
0x1d6: {  	(v2sf) =	vpush v0, $0x3;
	_ =	sdelay $0x1  }
0x1d7: {  	(v2sf) =	vpush v0, $0x4;
	_ =	sdelay $0x1  }
0x1d8: {  	(v2sf) =	vpush v0, $0x5;
	_ =	sdelay $0x1  }
0x1d9: {  	(v2sf) =	vpush v0, $0x6;
	_ =	sdelay $0x1  }
0x1da: {  	(v2sf) =	vpush v0, $0x7  }
0x1db: {  	s14 =	sadd.s32 $0x400, s13;
	s15 =	spop (v2sf)  }
0x1dc: {  	[tilespmem:s14], [sflag:$0x1] =	stream.linear.gather [hbm4b:s15+s2], $0x10, $0x38;
	(v2sf) =	vpush v0, $0x8;
	[tilespmem:$0x2200] =	vst v63  }
0x1dd: {  	s14 =	sadd.s32 $0x410, s13;
	s15 =	spop (v2sf)  }
0x1de: {  	[tilespmem:s14], [sflag:$0x1] =	stream.linear.gather [hbm4b:s15+s2], $0x10, $0x38;
	(v2sf) =	vpush v0, $0x9;
	[tilespmem:$0x2200] =	vst v63  }
0x1df: {  	s14 =	sadd.s32 $0x420, s13;
	s15 =	spop (v2sf)  }
0x1e0: {  	[tilespmem:s14], [sflag:$0x1] =	stream.linear.gather [hbm4b:s15+s2], $0x10, $0x38;
	(v2sf) =	vpush v0, $0xA;
	[tilespmem:$0x2200] =	vst v63  }
0x1e1: {  	s14 =	sadd.s32 $0x430, s13;
	s15 =	spop (v2sf)  }
0x1e2: {  	[tilespmem:s14], [sflag:$0x1] =	stream.linear.gather [hbm4b:s15+s2], $0x10, $0x38;
	(v2sf) =	vpush v0, $0xB;
	[tilespmem:$0x2200] =	vst v63  }
0x1e3: {  	s14 =	sadd.s32 $0x440, s13;
	s15 =	spop (v2sf)  }
0x1e4: {  	[tilespmem:s14], [sflag:$0x1] =	stream.linear.gather [hbm4b:s15+s2], $0x10, $0x38;
	(v2sf) =	vpush v0, $0xC;
	[tilespmem:$0x2200] =	vst v63  }
0x1e5: {  	s14 =	sadd.s32 $0x450, s13;
	s15 =	spop (v2sf)  }
0x1e6: {  	[tilespmem:s14], [sflag:$0x1] =	stream.linear.gather [hbm4b:s15+s2], $0x10, $0x38;
	(v2sf) =	vpush v0, $0xD;
	[tilespmem:$0x2200] =	vst v63  }
0x1e7: {  	s14 =	sadd.s32 $0x460, s13;
	s15 =	spop (v2sf)  }
0x1e8: {  	[tilespmem:s14], [sflag:$0x1] =	stream.linear.gather [hbm4b:s15+s2], $0x10, $0x38;
	(v2sf) =	vpush v0, $0xE;
	[tilespmem:$0x2200] =	vst v63  }
0x1e9: {  	s14 =	sadd.s32 $0x470, s13;
	s15 =	spop (v2sf)  }
0x1ea: {  	[tilespmem:s14], [sflag:$0x1] =	stream.linear.gather [hbm4b:s15+s2], $0x10, $0x38;
	(v2sf) =	vpush v0, $0xF;
	[tilespmem:$0x2200] =	vst v63  }
0x1eb: {  	s14 =	sadd.s32 $0x480, s13;
	s15 =	spop (v2sf)  }
0x1ec: {  	[tilespmem:s14], [sflag:$0x1] =	stream.linear.gather [hbm4b:s15+s2], $0x10, $0x38;
	[tilespmem:$0x2200] =	vst v63  }
0x1ed: {  	s14 =	sadd.s32 $0x490, s13;
	s15 =	spop (v2sf)  }
0x1ee: {  	[tilespmem:s14], [sflag:$0x1] =	stream.linear.gather [hbm4b:s15+s2], $0x10, $0x38;
	[tilespmem:$0x2200] =	vst v63  }
0x1ef: {  	s14 =	sadd.s32 $0x4A0, s13;
	s15 =	spop (v2sf)  }
0x1f0: {  	[tilespmem:s14], [sflag:$0x1] =	stream.linear.gather [hbm4b:s15+s2], $0x10, $0x38;
	[tilespmem:$0x2200] =	vst v63  }
0x1f1: {  	s14 =	sadd.s32 $0x4B0, s13;
	s15 =	spop (v2sf)  }
0x1f2: {  	[tilespmem:s14], [sflag:$0x1] =	stream.linear.gather [hbm4b:s15+s2], $0x10, $0x38;
	[tilespmem:$0x2200] =	vst v63  }
0x1f3: {  	s14 =	sadd.s32 $0x4C0, s13;
	s15 =	spop (v2sf)  }
0x1f4: {  	[tilespmem:s14], [sflag:$0x1] =	stream.linear.gather [hbm4b:s15+s2], $0x10, $0x38;
	[tilespmem:$0x2200] =	vst v63  }
0x1f5: {  	s14 =	sadd.s32 $0x4D0, s13;
	s15 =	spop (v2sf)  }
0x1f6: {  	[tilespmem:s14], [sflag:$0x1] =	stream.linear.gather [hbm4b:s15+s2], $0x10, $0x38;
	[tilespmem:$0x2200] =	vst v63  }
0x1f7: {  	s14 =	sadd.s32 $0x4E0, s13;
	s15 =	spop (v2sf)  }
0x1f8: {  	[tilespmem:s14], [sflag:$0x1] =	stream.linear.gather [hbm4b:s15+s2], $0x10, $0x38;
	[tilespmem:$0x2200] =	vst v63  }
0x1f9: {  	s14 =	sadd.s32 $0x4F0, s13;
	s15 =	spop (v2sf)  }
0x1fa: {  	[tilespmem:s14], [sflag:$0x1] =	stream.linear.gather [hbm4b:s15+s2], $0x10, $0x38;
	[tilespmem:$0x2200] =	vst v63  }
0x1fb: {  	v0 =	vld [tilespmem:s11+$0x10];
	_ =	sdelay $0x4  }
0x1fc: {  	v0 =	vshrl.u32 v0, $0x3  }
0x1fd: {  	v0 =	vadd.s32 s3, v0  }
0x1fe: {  	(v2sf) =	vpush v0, $0x0;
	_ =	sdelay $0x1  }
0x1ff: {  	(v2sf) =	vpush v0, $0x1;
	_ =	sdelay $0x1  }
0x200: {  	(v2sf) =	vpush v0, $0x2;
	_ =	sdelay $0x1  }
0x201: {  	(v2sf) =	vpush v0, $0x3;
	_ =	sdelay $0x1  }
0x202: {  	(v2sf) =	vpush v0, $0x4;
	_ =	sdelay $0x1  }
0x203: {  	(v2sf) =	vpush v0, $0x5;
	_ =	sdelay $0x1  }
0x204: {  	(v2sf) =	vpush v0, $0x6;
	_ =	sdelay $0x1  }
0x205: {  	(v2sf) =	vpush v0, $0x7  }
0x206: {  	s14 =	sadd.s32 $0x500, s13;
	s15 =	spop (v2sf)  }
0x207: {  	[tilespmem:s14], [sflag:$0x1] =	stream.linear.gather [hbm4b:s15+s2], $0x10, $0x38;
	(v2sf) =	vpush v0, $0x8;
	[tilespmem:$0x2200] =	vst v63  }
0x208: {  	s14 =	sadd.s32 $0x510, s13;
	s15 =	spop (v2sf)  }
0x209: {  	[tilespmem:s14], [sflag:$0x1] =	stream.linear.gather [hbm4b:s15+s2], $0x10, $0x38;
	(v2sf) =	vpush v0, $0x9;
	[tilespmem:$0x2200] =	vst v63  }
0x20a: {  	s14 =	sadd.s32 $0x520, s13;
	s15 =	spop (v2sf)  }
0x20b: {  	[tilespmem:s14], [sflag:$0x1] =	stream.linear.gather [hbm4b:s15+s2], $0x10, $0x38;
	(v2sf) =	vpush v0, $0xA;
	[tilespmem:$0x2200] =	vst v63  }
0x20c: {  	s14 =	sadd.s32 $0x530, s13;
	s15 =	spop (v2sf)  }
0x20d: {  	[tilespmem:s14], [sflag:$0x1] =	stream.linear.gather [hbm4b:s15+s2], $0x10, $0x38;
	(v2sf) =	vpush v0, $0xB;
	[tilespmem:$0x2200] =	vst v63  }
0x20e: {  	s14 =	sadd.s32 $0x540, s13;
	s15 =	spop (v2sf)  }
0x20f: {  	[tilespmem:s14], [sflag:$0x1] =	stream.linear.gather [hbm4b:s15+s2], $0x10, $0x38;
	(v2sf) =	vpush v0, $0xC;
	[tilespmem:$0x2200] =	vst v63  }
0x210: {  	s14 =	sadd.s32 $0x550, s13;
	s15 =	spop (v2sf)  }
0x211: {  	[tilespmem:s14], [sflag:$0x1] =	stream.linear.gather [hbm4b:s15+s2], $0x10, $0x38;
	(v2sf) =	vpush v0, $0xD;
	[tilespmem:$0x2200] =	vst v63  }
0x212: {  	s14 =	sadd.s32 $0x560, s13;
	s15 =	spop (v2sf)  }
0x213: {  	[tilespmem:s14], [sflag:$0x1] =	stream.linear.gather [hbm4b:s15+s2], $0x10, $0x38;
	(v2sf) =	vpush v0, $0xE;
	[tilespmem:$0x2200] =	vst v63  }
0x214: {  	s14 =	sadd.s32 $0x570, s13;
	s15 =	spop (v2sf)  }
0x215: {  	[tilespmem:s14], [sflag:$0x1] =	stream.linear.gather [hbm4b:s15+s2], $0x10, $0x38;
	(v2sf) =	vpush v0, $0xF;
	[tilespmem:$0x2200] =	vst v63  }
0x216: {  	s14 =	sadd.s32 $0x580, s13;
	s15 =	spop (v2sf)  }
0x217: {  	[tilespmem:s14], [sflag:$0x1] =	stream.linear.gather [hbm4b:s15+s2], $0x10, $0x38;
	[tilespmem:$0x2200] =	vst v63  }
0x218: {  	s14 =	sadd.s32 $0x590, s13;
	s15 =	spop (v2sf)  }
0x219: {  	[tilespmem:s14], [sflag:$0x1] =	stream.linear.gather [hbm4b:s15+s2], $0x10, $0x38;
	[tilespmem:$0x2200] =	vst v63  }
0x21a: {  	s14 =	sadd.s32 $0x5A0, s13;
	s15 =	spop (v2sf)  }
0x21b: {  	[tilespmem:s14], [sflag:$0x1] =	stream.linear.gather [hbm4b:s15+s2], $0x10, $0x38;
	[tilespmem:$0x2200] =	vst v63  }
0x21c: {  	s14 =	sadd.s32 $0x5B0, s13;
	s15 =	spop (v2sf)  }
0x21d: {  	[tilespmem:s14], [sflag:$0x1] =	stream.linear.gather [hbm4b:s15+s2], $0x10, $0x38;
	[tilespmem:$0x2200] =	vst v63  }
0x21e: {  	s14 =	sadd.s32 $0x5C0, s13;
	s15 =	spop (v2sf)  }
0x21f: {  	[tilespmem:s14], [sflag:$0x1] =	stream.linear.gather [hbm4b:s15+s2], $0x10, $0x38;
	[tilespmem:$0x2200] =	vst v63  }
0x220: {  	s14 =	sadd.s32 $0x5D0, s13;
	s15 =	spop (v2sf)  }
0x221: {  	[tilespmem:s14], [sflag:$0x1] =	stream.linear.gather [hbm4b:s15+s2], $0x10, $0x38;
	[tilespmem:$0x2200] =	vst v63  }
0x222: {  	s14 =	sadd.s32 $0x5E0, s13;
	s15 =	spop (v2sf)  }
0x223: {  	[tilespmem:s14], [sflag:$0x1] =	stream.linear.gather [hbm4b:s15+s2], $0x10, $0x38;
	[tilespmem:$0x2200] =	vst v63  }
0x224: {  	s13 =	sadd.s32 $0x5F0, s13;
	s14 =	spop (v2sf)  }
0x225: {  	[tilespmem:s13], [sflag:$0x1] =	stream.linear.gather [hbm4b:s14+s2], $0x10, $0x38;
	[tilespmem:$0x2200] =	vst v63  }
0x226: {  	_ =	swait.ge [sflag:s8], $0x10  }
0x227: {  	[sflag:s8] =	ssyncset.done $0x0  }
0x228: {  	[sflag:s8] =	ssyncadd.s32 $0xFFFFFFF0  }
0x229: {  	_ =	swait.ge [sflag:s8], $0x10  }
0x22a: {  	[sflag:s8] =	ssyncset.done $0x0  }
0x22b: {  	[sflag:s8] =	ssyncadd.s32 $0xFFFFFFF0  }
0x22c: {  	_ =	swait.ge [sflag:s8], $0x10  }
0x22d: {  	[sflag:s8] =	ssyncset.done $0x0  }
0x22e: {  	[sflag:s8] =	ssyncadd.s32 $0xFFFFFFF0  }
0x22f: {  	_ =	swait.ge [sflag:s8], $0x10  }
0x230: {  	[sflag:s8] =	ssyncset.done $0x0  }
0x231: {  	[sflag:s8] =	ssyncadd.s32 $0xFFFFFFF0  }
0x232: {  	_ =	swait.ge [sflag:s8], $0x10  }
0x233: {  	[sflag:s8] =	ssyncset.done $0x0  }
0x234: {  	[sflag:s8] =	ssyncadd.s32 $0xFFFFFFF0  }
0x235: {  	_ =	swait.ge [sflag:s8], $0x10  }
0x236: {  	[sflag:s8] =	ssyncset.done $0x0  }
0x237: {  	[sflag:s8] =	ssyncadd.s32 $0xFFFFFFF0  }
0x238: {  	_ =	swait.ge [sflag:s8], $0x10  }
0x239: {  	[sflag:s8] =	ssyncset.done $0x0  }
0x23a: {  	[sflag:s8] =	ssyncadd.s32 $0xFFFFFFF0  }
0x23b: {  	_ =	swait.ge [sflag:s8], $0x10  }
0x23c: {  	[sflag:s8] =	ssyncset.done $0x0  }
0x23d: {  	[sflag:s8] =	ssyncadd.s32 $0xFFFFFFF0  }
0x23e: {  	_ =	swait.ge [sflag:s8], $0x10  }
0x23f: {  	[sflag:s8] =	ssyncset.done $0x0  }
0x240: {  	[sflag:s8] =	ssyncadd.s32 $0xFFFFFFF0  }
0x241: {  	_ =	swait.ge [sflag:s8], $0x10  }
0x242: {  	[sflag:s8] =	ssyncset.done $0x0  }
0x243: {  	[sflag:s8] =	ssyncadd.s32 $0xFFFFFFF0  }
0x244: {  	_ =	swait.ge [sflag:s8], $0x10  }
0x245: {  	[sflag:s8] =	ssyncset.done $0x0  }
0x246: {  	[sflag:s8] =	ssyncadd.s32 $0xFFFFFFF0  }
0x247: {  	_ =	swait.ge [sflag:s8], $0x10  }
0x248: {  	[sflag:s8] =	ssyncset.done $0x0  }
0x249: {  	[sflag:s8] =	ssyncadd.s32 $0xFFFFFFF0  }
0x24a: {  	_ =	swait.ge [sflag:s8], $0x10  }
0x24b: {  	[sflag:s8] =	ssyncset.done $0x0  }
0x24c: {  	[sflag:s8] =	ssyncadd.s32 $0xFFFFFFF0  }
0x24d: {  	_ =	swait.ge [sflag:s8], $0x10  }
0x24e: {  	[sflag:s8] =	ssyncset.done $0x0  }
0x24f: {  	[sflag:s8] =	ssyncadd.s32 $0xFFFFFFF0  }
0x250: {  	_ =	swait.ge [sflag:s8], $0x10  }
0x251: {  	[sflag:s8] =	ssyncset.done $0x0  }
0x252: {  	[sflag:s8] =	ssyncadd.s32 $0xFFFFFFF0  }
0x253: {  	_ =	swait.ge [sflag:s8], $0x10  }
0x254: {  	[sflag:s8] =	ssyncset.done $0x0  }
0x255: {  	[sflag:s8] =	ssyncadd.s32 $0xFFFFFFF0  }
0x256: {  	_ =	swait.ge [sflag:s8], $0x10  }
0x257: {  	[sflag:s8] =	ssyncset.done $0x0  }
0x258: {  	[sflag:s8] =	ssyncadd.s32 $0xFFFFFFF0  }
0x259: {  	_ =	swait.ge [sflag:s8], $0x10  }
0x25a: {  	[sflag:s8] =	ssyncset.done $0x0  }
0x25b: {  	[sflag:s8] =	ssyncadd.s32 $0xFFFFFFF0  }
0x25c: {  	_ =	swait.ge [sflag:s8], $0x10  }
0x25d: {  	[sflag:s8] =	ssyncset.done $0x0  }
0x25e: {  	[sflag:s8] =	ssyncadd.s32 $0xFFFFFFF0  }
0x25f: {  	_ =	swait.ge [sflag:s8], $0x10  }
0x260: {  	[sflag:s8] =	ssyncset.done $0x0  }
0x261: {  	[sflag:s8] =	ssyncadd.s32 $0xFFFFFFF0  }
0x262: {  	_ =	swait.ge [sflag:s8], $0x10  }
0x263: {  	[sflag:s8] =	ssyncset.done $0x0  }
0x264: {  	[sflag:s8] =	ssyncadd.s32 $0xFFFFFFF0  }
0x265: {  	_ =	swait.ge [sflag:s8], $0x10  }
0x266: {  	[sflag:s8] =	ssyncset.done $0x0  }
0x267: {  	[sflag:s8] =	ssyncadd.s32 $0xFFFFFFF0  }
0x268: {  	_ =	swait.ge [sflag:s8], $0x10  }
0x269: {  	[sflag:s8] =	ssyncset.done $0x0  }
0x26a: {  	[sflag:s8] =	ssyncadd.s32 $0xFFFFFFF0  }
0x26b: {  	_ =	swait.ge [sflag:s8], $0x10  }
0x26c: {  	[sflag:s8] =	ssyncset.done $0x0  }
0x26d: {  	[sflag:s8] =	ssyncadd.s32 $0xFFFFFFF0  }
0x26e: {  	_ =	swait.ge [sflag:s8], $0x10  }
0x26f: {  	[sflag:s8] =	ssyncset.done $0x0  }
0x270: {  	[sflag:s8] =	ssyncadd.s32 $0xFFFFFFF0  }
0x271: {  	_ =	swait.ge [sflag:s8], $0x10  }
0x272: {  	[sflag:s8] =	ssyncset.done $0x0  }
0x273: {  	[sflag:s8] =	ssyncadd.s32 $0xFFFFFFF0  }
0x274: {  	_ =	swait.ge [sflag:s8], $0x10  }
0x275: {  	[sflag:s8] =	ssyncset.done $0x0  }
0x276: {  	[sflag:s8] =	ssyncadd.s32 $0xFFFFFFF0  }
0x277: {  	_ =	swait.ge [sflag:s8], $0x10  }
0x278: {  	[sflag:s8] =	ssyncset.done $0x0  }
0x279: {  	[sflag:s8] =	ssyncadd.s32 $0xFFFFFFF0  }
0x27a: {  	_ =	swait.ge [sflag:s8], $0x10  }
0x27b: {  	[sflag:s8] =	ssyncset.done $0x0  }
0x27c: {  	[sflag:s8] =	ssyncadd.s32 $0xFFFFFFF0  }
0x27d: {  	_ =	swait.ge [sflag:s8], $0x10  }
0x27e: {  	[sflag:s8] =	ssyncset.done $0x0  }
0x27f: {  	[sflag:s8] =	ssyncadd.s32 $0xFFFFFFF0  }
0x280: {  	_ =	swait.ge [sflag:s8], $0x10  }
0x281: {  	[sflag:s8] =	ssyncset.done $0x0  }
0x282: {  	[sflag:s8] =	ssyncadd.s32 $0xFFFFFFF0  }
0x283: {  	_ =	swait.ge [sflag:s8], $0x10  }
0x284: {  	[sflag:s8] =	ssyncset.done $0x0  }
0x285: {  	[sflag:s8] =	ssyncadd.s32 $0xFFFFFFF0  }
0x286: {  	_ =	swait.ge [sflag:s8], $0x10  }
0x287: {  	[sflag:s8] =	ssyncset.done $0x0  }
0x288: {  	[sflag:s8] =	ssyncadd.s32 $0xFFFFFFF0  }
0x289: {  	_ =	swait.ge [sflag:s8], $0x10  }
0x28a: {  	[sflag:s8] =	ssyncset.done $0x0  }
0x28b: {  	[sflag:s8] =	ssyncadd.s32 $0xFFFFFFF0  }
0x28c: {  	_ =	swait.ge [sflag:s8], $0x10  }
0x28d: {  	[sflag:s8] =	ssyncset.done $0x0  }
0x28e: {  	[sflag:s8] =	ssyncadd.s32 $0xFFFFFFF0  }
0x28f: {  	_ =	swait.ge [sflag:s8], $0x10  }
0x290: {  	[sflag:s8] =	ssyncset.done $0x0  }
0x291: {  	[sflag:s8] =	ssyncadd.s32 $0xFFFFFFF0  }
0x292: {  	_ =	swait.ge [sflag:s8], $0x10  }
0x293: {  	[sflag:s8] =	ssyncset.done $0x0  }
0x294: {  	[sflag:s8] =	ssyncadd.s32 $0xFFFFFFF0  }
0x295: {  	_ =	swait.ge [sflag:s8], $0x10  }
0x296: {  	[sflag:s8] =	ssyncset.done $0x0  }
0x297: {  	[sflag:s8] =	ssyncadd.s32 $0xFFFFFFF0  }
0x298: {  	_ =	swait.ge [sflag:s8], $0x10  }
0x299: {  	[sflag:s8] =	ssyncset.done $0x0  }
0x29a: {  	[sflag:s8] =	ssyncadd.s32 $0xFFFFFFF0  }
0x29b: {  	_ =	swait.ge [sflag:s8], $0x10  }
0x29c: {  	[sflag:s8] =	ssyncset.done $0x0  }
0x29d: {  	[sflag:s8] =	ssyncadd.s32 $0xFFFFFFF0  }
0x29e: {  	_ =	swait.ge [sflag:s8], $0x10  }
0x29f: {  	[sflag:s8] =	ssyncset.done $0x0  }
0x2a0: {  	[sflag:s8] =	ssyncadd.s32 $0xFFFFFFF0  }
0x2a1: {  	_ =	swait.ge [sflag:s8], $0x10  }
0x2a2: {  	[sflag:s8] =	ssyncset.done $0x0  }
0x2a3: {  	[sflag:s8] =	ssyncadd.s32 $0xFFFFFFF0  }
0x2a4: {  	_ =	swait.ge [sflag:s8], $0x10  }
0x2a5: {  	[sflag:s8] =	ssyncset.done $0x0  }
0x2a6: {  	[sflag:s8] =	ssyncadd.s32 $0xFFFFFFF0  }
0x2a7: {  	_ =	swait.ge [sflag:s8], $0x10  }
0x2a8: {  	[sflag:s8] =	ssyncset.done $0x0  }
0x2a9: {  	[sflag:s8] =	ssyncadd.s32 $0xFFFFFFF0  }
0x2aa: {  	_ =	swait.ge [sflag:s8], $0x10  }
0x2ab: {  	[sflag:s8] =	ssyncset.done $0x0  }
0x2ac: {  	[sflag:s8] =	ssyncadd.s32 $0xFFFFFFF0  }
0x2ad: {  	_ =	swait.ge [sflag:s8], $0x10  }
0x2ae: {  	[sflag:s8] =	ssyncset.done $0x0  }
0x2af: {  	[sflag:s8] =	ssyncadd.s32 $0xFFFFFFF0  }
0x2b0: {  	_ =	swait.ge [sflag:s8], $0x10  }
0x2b1: {  	[sflag:s8] =	ssyncset.done $0x0  }
0x2b2: {  	[sflag:s8] =	ssyncadd.s32 $0xFFFFFFF0  }
0x2b3: {  	_ =	swait.ge [sflag:s8], $0x10  }
0x2b4: {  	[sflag:s8] =	ssyncset.done $0x0  }
0x2b5: {  	[sflag:s8] =	ssyncadd.s32 $0xFFFFFFF0  }
0x2b6: {  	_ =	swait.ge [sflag:s8], $0x10  }
0x2b7: {  	[sflag:s8] =	ssyncset.done $0x0  }
0x2b8: {  	[sflag:s8] =	ssyncadd.s32 $0xFFFFFFF0  }
0x2b9: {  	_ =	swait.ge [sflag:s8], $0x10  }
0x2ba: {  	[sflag:s8] =	ssyncset.done $0x0  }
0x2bb: {  	[sflag:s8] =	ssyncadd.s32 $0xFFFFFFF0  }
0x2bc: {  	_ =	swait.ge [sflag:s8], $0x10  }
0x2bd: {  	[sflag:s8] =	ssyncset.done $0x0  }
0x2be: {  	[sflag:s8] =	ssyncadd.s32 $0xFFFFFFF0  }
0x2bf: {  	_ =	swait.ge [sflag:s8], $0x10  }
0x2c0: {  	[sflag:s8] =	ssyncset.done $0x0  }
0x2c1: {  	[sflag:s8] =	ssyncadd.s32 $0xFFFFFFF0  }
0x2c2: {  	_ =	swait.ge [sflag:s8], $0x10  }
0x2c3: {  	[sflag:s8] =	ssyncset.done $0x0  }
0x2c4: {  	[sflag:s8] =	ssyncadd.s32 $0xFFFFFFF0  }
0x2c5: {  	_ =	swait.ge [sflag:s8], $0x10  }
0x2c6: {  	[sflag:s8] =	ssyncset.done $0x0  }
0x2c7: {  	[sflag:s8] =	ssyncadd.s32 $0xFFFFFFF0  }
0x2c8: {  	_ =	swait.ge [sflag:s8], $0x10  }
0x2c9: {  	[sflag:s8] =	ssyncset.done $0x0  }
0x2ca: {  	[sflag:s8] =	ssyncadd.s32 $0xFFFFFFF0  }
0x2cb: {  	_ =	swait.ge [sflag:s8], $0x10  }
0x2cc: {  	[sflag:s8] =	ssyncset.done $0x0  }
0x2cd: {  	[sflag:s8] =	ssyncadd.s32 $0xFFFFFFF0  }
0x2ce: {  	_ =	swait.ge [sflag:s8], $0x10  }
0x2cf: {  	[sflag:s8] =	ssyncset.done $0x0  }
0x2d0: {  	[sflag:s8] =	ssyncadd.s32 $0xFFFFFFF0  }
0x2d1: {  	_ =	swait.ge [sflag:s8], $0x10  }
0x2d2: {  	[sflag:s8] =	ssyncset.done $0x0  }
0x2d3: {  	[sflag:s8] =	ssyncadd.s32 $0xFFFFFFF0  }
0x2d4: {  	_ =	swait.ge [sflag:s8], $0x10  }
0x2d5: {  	[sflag:s8] =	ssyncset.done $0x0  }
0x2d6: {  	[sflag:s8] =	ssyncadd.s32 $0xFFFFFFF0  }
0x2d7: {  	_ =	swait.ge [sflag:s8], $0x10  }
0x2d8: {  	[sflag:s8] =	ssyncset.done $0x0  }
0x2d9: {  	[sflag:s8] =	ssyncadd.s32 $0xFFFFFFF0  }
0x2da: {  	_ =	swait.ge [sflag:s8], $0x10  }
0x2db: {  	[sflag:s8] =	ssyncset.done $0x0  }
0x2dc: {  	[sflag:s8] =	ssyncadd.s32 $0xFFFFFFF0  }
0x2dd: {  	_ =	swait.ge [sflag:s8], $0x10  }
0x2de: {  	[sflag:s8] =	ssyncset.done $0x0  }
0x2df: {  	[sflag:s8] =	ssyncadd.s32 $0xFFFFFFF0  }
.Ltmp0:
0x2e0: {  	_ =	swait.ge [sflag:s8], $0x10;
	(pc) =	sbr.rel @p0 .LBB2_2-.Ltmp0, $4  }
0x2e1: {  	[sflag:s8] =	ssyncset.done $0x0  }
0x2e2: {  	[sflag:s8] =	ssyncadd.s32 $0xFFFFFFF0  }
0x2e3: {  	_ =	swait.ge [sflag:s8], $0x10  }
0x2e4: {  	[sflag:s8] =	ssyncset.done $0x0  }
0x2e5: {  	s10 =	sadd.s32 $0x1, s10  }
0x2e6: {  	p0 =	sne.s32 s10, s6  }
.Ltmp1:
0x2e7: {  	[sflag:s8] =	ssyncadd.s32 $0xFFFFFFF0;
	(pc) =	sbr.rel @p0 .LBB2_1-.Ltmp1, $4  }
0x2e8: {  	[hbm4b:s5+s2] =	stream.linear.scatter [tilespmem:s9], [sflag:$0x2], $0x2000, $0x38;
	[tilespmem:$0x2200] =	vst v63  }
0x2e9: {  	_ =	swait.ge [sflag:s7], $0x2000  }
0x2ea: {  	[sflag:s7] =	ssyncset.done $0x0  }
0x2eb: {  	[sflag:s7] =	ssyncadd.s32 $0xFFFFE000  }
0x2ec: {  	_ =	sfence.sel $0x180000  }
0x2ed: {  	[bflag:$0x0] =	sbarrier.arrive $0xFFFF  }
0x2ee: {  	p0 =	sne.s32 s0, $0x0;
	_ =	strace $0x90000047  }
0x2ef: {  	s0 =	sadd.s32 @!p0 $0x100000, s1;
	[bflag:$0x2] =	sbarrier.arrive $0xFFFF  }
0x2f0: {  	[sflag:s0] =	ssyncadd.tile.s32 @!p0 $0x1;
	_ =	shalt  }
.Lfunc_end2:
_tile_overlayer_lowered:
.L_overlay_start_2:
0x2f1: {  	(tag) =	ssettag $0x2  }
0x2f2: {  	s0 =	rddreg [dreg:$0x0];
	s2 =	stileid.u32  }
0x2f3: {  	s1 =	rddreg [dreg:$0x1];
	p0 =	sne.s32 s2, $0x0  }
0x2f4: {  	s3 =	rddreg [dreg:$0x2];
	[bflag:$0x3] =	sbarrier.arrive $0xFFFF;
	s2 =	simm.s32 @!p0 $0x1C02  }
0x2f5: {  	[timem:s3], [sflag:s2] =	dma.local @!p0 [hbm:s0], s1  }
0x2f6: {  	s0 =	simm.s32 @!p0 $0x2  }
0x2f7: {  	_ =	swait.ge @!p0 [sflag:s0], s1  }
0x2f8: {  	s1 =	ssub.s32 @!p0 $0x0, s1;
	[sflag:s0] =	ssyncset.done @!p0 $0x0  }
0x2f9: {  	[sflag:s0] =	ssyncadd.s32 @!p0 s1  }
0x2fa: {  	[bflag:$0x3] =	sbarrier.arrive $0xFFFF  }
0x2fb: {  	_ =	shalt  }

</sc_bundles>
